<compile_context>
chip_gen: v7x
topology: tpu7x:2x2x1
jax: 0.10.2.dev20260603
libtpu: 0.0.44.dev20260713+nightly
codegen_flags: <defaults>
</compile_context>

<pallas_src>
import functools

import jax
import jax.numpy as jnp
from jax import lax
from jax.experimental import pallas as pl
from jax.experimental.pallas import tpu as pltpu
from jax.experimental.pallas import tpu_sc as plsc

POOL = 64
LP = 20
D = 768
H = 12
HD = 64
K = 8
L = 12
B = 4
SEQ = 2048

ROW = LP * H * HD
NROWS = L * 2 * B * K
TBL = L * 2 * POOL
NC, NS = 2, 16
NW = NC * NS
RPW = NROWS // NW
CH = 3
NCHUNK = RPW // CH

_SEQ_BLK = 256
_NBLK = SEQ // _SEQ_BLK


def _head_body(x_ref, tid_ref, pk_ref, idx_ref, pkn_ref, xn_ref, sim_ref,
               rs_ref, acc_ref):
    i = pl.program_id(0)
    blkmax = jnp.max(x_ref[...], axis=1)

    @pl.when(i == 0)
    def _init():
        acc_ref[...] = blkmax

    @pl.when(i > 0)
    def _acc():
        acc_ref[...] = jnp.maximum(acc_ref[...], blkmax)

    @pl.when(i == _NBLK - 1)
    def _tail():
        eps = jnp.float32(1e-12)
        xk = acc_ref[...]
        pk = pk_ref[...]
        pkn = pk * lax.rsqrt(jnp.maximum(jnp.sum(pk * pk, axis=-1, keepdims=True), eps))
        xn = xk * lax.rsqrt(jnp.maximum(jnp.sum(xk * xk, axis=-1, keepdims=True), eps))
        pkn_ref[...] = pkn
        xn_ref[...] = xn
        sim = jnp.sum(xn[:, None, :] * pkn[None, :, :], axis=-1)
        sim_ref[...] = sim
        xb = xn.astype(jnp.bfloat16).astype(jnp.float32)
        pb = pkn.astype(jnp.bfloat16).astype(jnp.float32)
        simk = jnp.sum(xb[:, None, :] * pb[None, :, :], axis=-1)
        col = lax.broadcasted_iota(jnp.int32, (B, POOL), 1)
        work = simk
        cols = []
        for _ in range(K):
            m = jnp.max(work, axis=1, keepdims=True)
            cand = jnp.where(work == m, col, POOL)
            sel = jnp.min(cand, axis=1, keepdims=True)
            cols.append(sel)
            work = jnp.where(col == sel, -jnp.inf, work)
        idx_ref[...] = jnp.concatenate(cols, axis=1)
        tid = tid_ref[0]
        masked = jnp.where(col > tid, jnp.float32(-1.0), sim)
        part = jnp.sum(masked, axis=1, keepdims=True)
        rs_ref[...] = jnp.sum(part, axis=0, keepdims=True) / jnp.float32(B)


def _head(x_embed, tid, pk):
    return pl.pallas_call(
        _head_body,
        grid=(_NBLK,),
        in_specs=[
            pl.BlockSpec((B, _SEQ_BLK, D), lambda i: (0, i, 0)),
            pl.BlockSpec(memory_space=pltpu.SMEM),
            pl.BlockSpec((POOL, D), lambda i: (0, 0)),
        ],
        out_specs=[
            pl.BlockSpec((B, K), lambda i: (0, 0)),
            pl.BlockSpec((POOL, D), lambda i: (0, 0)),
            pl.BlockSpec((B, D), lambda i: (0, 0)),
            pl.BlockSpec((B, POOL), lambda i: (0, 0)),
            pl.BlockSpec((1, 1), lambda i: (0, 0)),
        ],
        out_shape=[
            jax.ShapeDtypeStruct((B, K), jnp.int32),
            jax.ShapeDtypeStruct((POOL, D), jnp.float32),
            jax.ShapeDtypeStruct((B, D), jnp.float32),
            jax.ShapeDtypeStruct((B, POOL), jnp.float32),
            jax.ShapeDtypeStruct((1, 1), jnp.float32),
        ],
        scratch_shapes=[pltpu.VMEM((B, D), jnp.float32)],
    )(x_embed, tid, pk)


def _sc_gather(table, fidx, pkn, idx):
    mesh = plsc.VectorSubcoreMesh(core_axis_name="c", subcore_axis_name="s",
                                  num_cores=NC, num_subcores=NS)

    @functools.partial(
        pl.kernel,
        out_type=(jax.ShapeDtypeStruct((NROWS, LP, H, HD), jnp.float32),
                  jax.ShapeDtypeStruct((B * K, D), jnp.float32)),
        mesh=mesh,
        scratch_types=[
            pltpu.VMEM((NCHUNK, 16), jnp.int32),
            pltpu.VMEM((CH, LP, H, HD), jnp.float32),
            pltpu.VMEM((1, K), jnp.int32),
            pltpu.VMEM((K, D), jnp.float32),
            pltpu.SemaphoreType.DMA,
        ],
    )
    def k(table_ref, fidx_ref, pkn_ref, idx_ref, raw_ref, selk_ref,
          idxv, buf, idx2v, kbuf, gsem):
        wid = lax.axis_index("s") * NC + lax.axis_index("c")
        base = wid * RPW
        pltpu.sync_copy(fidx_ref.at[wid], idxv)
        for c in range(NCHUNK):
            pool_rows = idxv[c]
            copies = [
                pltpu.async_copy(
                    table_ref.at[(base + c * CH + j) // (B * K), :, :,
                                 pool_rows[j], :],
                    buf.at[j], gsem)
                for j in range(CH)
            ]
            for cp in copies:
                cp.wait()
            pltpu.sync_copy(buf, raw_ref.at[pl.ds(base + c * CH, CH)])

        @pl.when(wid < B)
        def _selk():
            pltpu.sync_copy(idx_ref.at[wid], idx2v)
            pltpu.async_copy(pkn_ref.at[idx2v.at[0]], kbuf, gsem).wait()
            pltpu.sync_copy(kbuf, selk_ref.at[pl.ds(wid * K, K)])

    return k(table, fidx, pkn, idx)


def kernel(x_embed, task_id, prompt, prompt_key_param):
    tid = jnp.asarray(task_id, jnp.int32).reshape(1)
    idx, pkn, xn, sim, rs = _head(x_embed, tid, prompt_key_param)
    fidx = jnp.broadcast_to(idx.reshape(1, B * K),
                            (L * 2, B * K)).reshape(NW, NCHUNK, CH)
    fidx = jnp.zeros((NW, NCHUNK, 16), jnp.int32).at[:, :, :CH].set(fidx)
    table = jnp.transpose(prompt, (0, 1, 3, 4, 2, 5)).reshape(
        L * 2, LP, H, POOL, HD)
    raw, selk = _sc_gather(table, fidx, pkn, idx.reshape(B, 1, K))
    batched_prompt = raw.reshape(L, B, 2, K * LP, H, HD)
    selected_key = selk.reshape(B, K, D)
    return (batched_prompt, idx, selected_key, pkn, xn, sim,
            rs.reshape(()))

# --- scband reference (transcript-rebuilt; emitter-appended) ---
"""Pipeline reference for scband-mqmkprompt-pool-11974368821402 (READ-ONLY COPY).

The authoritative reference and input builder live on the scoring server;
editing this copy changes nothing except your own understanding.
"""

import jax, jax.numpy as jnp
import numpy as np

POOL_SIZE = 64
PROMPT_LENGTH = 20
EMBED_DIM = 768
NUM_HEADS = 12
HEAD_DIM = EMBED_DIM // NUM_HEADS
TOP_K = 8
NUM_LAYERS = 12
BATCH = 4
SEQ = 2048


def _normalize(x, eps=1e-12):
    square_sum = jnp.sum(x * x, axis=-1, keepdims=True)
    inv_norm = jax.lax.rsqrt(jnp.maximum(square_sum, eps))
    return x * inv_norm


def setup_inputs(seed: int = 0) -> dict:
    key = jax.random.key(seed)
    k1, k2, k3 = jax.random.split(key, 3)
    x_embed = jax.random.normal(k1, (BATCH, SEQ, EMBED_DIM), dtype=jnp.float32)
    prompt = jax.random.uniform(k2, (NUM_LAYERS, 2, POOL_SIZE, PROMPT_LENGTH, NUM_HEADS, HEAD_DIM), minval=-1.0, maxval=1.0, dtype=jnp.float32)
    prompt_key_param = jax.random.uniform(k3, (POOL_SIZE, EMBED_DIM), minval=-1.0, maxval=1.0, dtype=jnp.float32)
    return {"x_embed": x_embed, "task_id": 3, "prompt": prompt, "prompt_key_param": prompt_key_param}


def reference(x_embed, task_id, prompt, prompt_key_param):
    # embedding_key == 'cls' with cls_features=None -> max over sequence dim
    x_embed_key = jnp.max(x_embed, axis=1)
    prompt_key_norm = _normalize(prompt_key_param)            # [P, D]
    x_embed_norm = _normalize(x_embed_key)                    # [B, D]
    # single-query, single-key path
    similarity = jnp.matmul(prompt_key_norm, x_embed_norm.T).T  # [B, P]
    _, idx = jax.lax.top_k(similarity, TOP_K)                 # [B, K]
    # gather: prompt[:, :, idx] -> [L, 2, B, K, Lp, H, Hd]
    batched_prompt_raw = jnp.take(prompt, idx, axis=2)
    L = batched_prompt_raw.shape[0]
    B = idx.shape[0]
    # raw reshape (same memory reinterpretation as torch .reshape)
    batched_prompt = jnp.reshape(batched_prompt_raw, (L, B, 2, TOP_K * PROMPT_LENGTH, NUM_HEADS, HEAD_DIM))
    selected_key = prompt_key_norm[idx]                       # [B, K, D]
    # query=False, prompt_mask=None -> mask future tasks and reduce
    col = jnp.arange(similarity.shape[1])
    sim = jnp.where(col[None, :] > task_id, jnp.float32(-1.0), similarity)
    reduce_sim = jnp.sum(sim) / x_embed.shape[0]
    return (batched_prompt, idx, selected_key, prompt_key_norm, x_embed_norm, similarity, reduce_sim)

if __name__ == "__main__":
    import jax
    _d = setup_inputs()
    print(jax.jit(kernel)(*tuple(_d.values())))

</pallas_src>

<mosaic_0001>
#map = affine_map<(d0, d1) -> (0, 0, 0, 0, 0)>
#map1 = affine_map<(d0, d1) -> (0, 0, 0)>
#map2 = affine_map<(d0, d1) -> (0, 0)>
#map3 = affine_map<(d0, d1) -> (0, 0, 0, 0)>
module attributes {stable_mosaic.version = 14 : i64} {
  func.func @k(%arg0: i32, %arg1: i32, %arg2: memref<24x20x12x64x64xf32, #tpu.memory_space<hbm>>, %arg3: memref<32x8x16xi32, #tpu.memory_space<hbm>>, %arg4: memref<64x768xf32, #tpu.memory_space<hbm>>, %arg5: memref<4x1x8xi32, #tpu.memory_space<hbm>>, %arg6: memref<768x20x12x64xf32, #tpu.memory_space<hbm>>, %arg7: memref<32x768xf32, #tpu.memory_space<hbm>>, %arg8: memref<8x16xi32, #tpu.memory_space<vmem>>, %arg9: memref<3x20x12x64xf32, #tpu.memory_space<vmem>>, %arg10: memref<1x8xi32, #tpu.memory_space<vmem>>, %arg11: memref<8x768xf32, #tpu.memory_space<vmem>>, %arg12: memref<!tpu.dma_semaphore, #tpu.memory_space<semaphore_mem>>) attributes {dimension_semantics = [#tpu.dimension_semantics<core_parallel>, #tpu.dimension_semantics<subcore_parallel>], iteration_bounds = array<i64: 2, 16>, scalar_prefetch = 0 : i64, scratch_operands = 5 : i64, tpu.core_type = #tpu.core_type<sc_vector_subcore>, window_params = [{transform_indices = #map}, {transform_indices = #map1}, {transform_indices = #map2}, {transform_indices = #map1}, {transform_indices = #map3}, {transform_indices = #map2}]} {
    %mul3A = arith.constant 2 : i32
    %mul3A_0 = arith.muli %arg1, %mul3A : i32
    %add3A = arith.addi %mul3A_0, %arg0 : i32
    %mul3A_1 = arith.constant 24 : i32
    %mul3A_2 = arith.muli %add3A, %mul3A_1 : i32
    "tpu.region"() ({
      %run_scoped3A = tpu.sem_alloc : memref<!tpu.dma_semaphore, #tpu.memory_space<semaphore_mem>>
      %dma_start3A_1776 = arith.constant 0 : i32
      %dma_start3A_1777 = arith.constant 0 : i32
      %dma_start3A_1778 = tpu.memref_slice %arg3[%add3A, %dma_start3A_1776, %dma_start3A_1777] : memref<32x8x16xi32, #tpu.memory_space<hbm>> -> memref<1x8x16xi32, #tpu.memory_space<hbm>>
      %dma_start3A_1779 = tpu.memref_squeeze %dma_start3A_1778 : memref<1x8x16xi32, #tpu.memory_space<hbm>> -> memref<8x16xi32, #tpu.memory_space<hbm>>
      %dma_start3A_1780 = arith.constant 0 : i32
      %dma_start3A_1781 = arith.constant 0 : i32
      %dma_start3A_1782 = tpu.memref_slice %arg3[%add3A, %dma_start3A_1780, %dma_start3A_1781] : memref<32x8x16xi32, #tpu.memory_space<hbm>> -> memref<1x8x16xi32, #tpu.memory_space<hbm>>
      %dma_start3A_1783 = tpu.memref_squeeze %dma_start3A_1782 : memref<1x8x16xi32, #tpu.memory_space<hbm>> -> memref<8x16xi32, #tpu.memory_space<hbm>>
      tpu.enqueue_dma source(%dma_start3A_1783 : memref<8x16xi32, #tpu.memory_space<hbm>>) target(%arg8 : memref<8x16xi32, #tpu.memory_space<vmem>>) target_semaphore(%run_scoped3A : memref<!tpu.dma_semaphore, #tpu.memory_space<semaphore_mem>>)
      %dma_wait3A_1784 = arith.constant 0 : i32
      %dma_wait3A_1785 = arith.constant 0 : i32
      %dma_wait3A_1786 = tpu.memref_slice %arg3[%add3A, %dma_wait3A_1784, %dma_wait3A_1785] : memref<32x8x16xi32, #tpu.memory_space<hbm>> -> memref<1x8x16xi32, #tpu.memory_space<hbm>>
      %dma_wait3A_1787 = tpu.memref_squeeze %dma_wait3A_1786 : memref<1x8x16xi32, #tpu.memory_space<hbm>> -> memref<8x16xi32, #tpu.memory_space<hbm>>
      %dma_wait3A_1788 = arith.constant 0 : i32
      %dma_wait3A_1789 = arith.constant 0 : i32
      %dma_wait3A_1790 = tpu.memref_slice %arg3[%add3A, %dma_wait3A_1788, %dma_wait3A_1789] : memref<32x8x16xi32, #tpu.memory_space<hbm>> -> memref<1x8x16xi32, #tpu.memory_space<hbm>>
      %dma_wait3A_1791 = tpu.memref_squeeze %dma_wait3A_1790 : memref<1x8x16xi32, #tpu.memory_space<hbm>> -> memref<8x16xi32, #tpu.memory_space<hbm>>
      tpu.wait_dma2 semaphore(%run_scoped3A : memref<!tpu.dma_semaphore, #tpu.memory_space<semaphore_mem>>) src(%dma_wait3A_1791 : memref<8x16xi32, #tpu.memory_space<hbm>>) dst(%arg8 : memref<8x16xi32, #tpu.memory_space<vmem>>)
      tpu.yield
    }) : () -> ()
    %get3A = arith.constant 0 : i32
    %get3A_3 = arith.index_cast %get3A : i32 to index
    %get3A_4 = arith.constant 0 : index
    %get3A_5 = tpu.vector_load %arg8[%get3A_3, %get3A_4] {strides = array<i32>} : memref<8x16xi32, #tpu.memory_space<vmem>>, vector<1x16xi32>,
    %get3A_6 = vector.shape_cast %get3A_5 : vector<1x16xi32> to vector<16xi32>
    %add3A_7 = arith.constant 0 : i32
    %add3A_8 = arith.addi %mul3A_2, %add3A_7 : i32
    %add3A_9 = arith.constant 0 : i32
    %add3A_10 = arith.addi %add3A_8, %add3A_9 : i32
    %jit3A = arith.constant 32 : i32
    %div3A = arith.divsi %add3A_10, %jit3A : i32
    %sign3A = arith.constant 0 : i32
    %sign3A_11 = arith.cmpi sgt, %add3A_10, %sign3A : i32
    %sign3A_12 = arith.extui %sign3A_11 : i1 to i32
    %sign3A_13 = arith.constant 0 : i32
    %sign3A_14 = arith.cmpi slt, %add3A_10, %sign3A_13 : i32
    %sign3A_15 = arith.extui %sign3A_14 : i1 to i32
    %sign3A_16 = arith.subi %sign3A_12, %sign3A_15 : i32
    %sign3A_17 = arith.constant 0 : i32
    %sign3A_18 = arith.cmpi sgt, %jit3A, %sign3A_17 : i32
    %sign3A_19 = arith.extui %sign3A_18 : i1 to i32
    %sign3A_20 = arith.constant 0 : i32
    %sign3A_21 = arith.cmpi slt, %jit3A, %sign3A_20 : i32
    %sign3A_22 = arith.extui %sign3A_21 : i1 to i32
    %sign3A_23 = arith.subi %sign3A_19, %sign3A_22 : i32
    %ne3A = arith.cmpi ne, %sign3A_16, %sign3A_23 : i32
    %rem3A = arith.remsi %add3A_10, %jit3A : i32
    %ne3A_24 = arith.constant 0 : i32
    %ne3A_25 = arith.cmpi ne, %rem3A, %ne3A_24 : i32
    %and3A = arith.andi %ne3A, %ne3A_25 : i1
    %sub3A = arith.constant 1 : i32
    %sub3A_26 = arith.subi %div3A, %sub3A : i32
    %select_n3A = arith.select %and3A, %sub3A_26, %div3A : i32
    %slice3A = vector.extract_strided_slice %get3A_6 {offsets = [0], sizes = [1], strides = [1]} : vector<16xi32> to vector<1xi32>
    %squeeze3A = vector.extract %slice3A[0] : i32 from vector<1xi32>
    %dma_start3A = arith.constant 0 : i32
    %dma_start3A_27 = arith.constant 0 : i32
    %dma_start3A_28 = arith.constant 0 : i32
    %dma_start3A_29 = arith.constant 0 : i32
    %dma_start3A_30 = tpu.memref_slice %arg9[%dma_start3A, %dma_start3A_27, %dma_start3A_28, %dma_start3A_29] : memref<3x20x12x64xf32, #tpu.memory_space<vmem>> -> memref<1x20x12x64xf32, #tpu.memory_space<vmem>>
    %dma_start3A_31 = tpu.memref_squeeze %dma_start3A_30 : memref<1x20x12x64xf32, #tpu.memory_space<vmem>> -> memref<20x12x64xf32, #tpu.memory_space<vmem>>
    %dma_start3A_32 = arith.constant 0 : i32
    %dma_start3A_33 = arith.constant 0 : i32
    %dma_start3A_34 = arith.constant 0 : i32
    %dma_start3A_35 = tpu.memref_slice %arg2[%select_n3A, %dma_start3A_32, %dma_start3A_33, %squeeze3A, %dma_start3A_34] : memref<24x20x12x64x64xf32, #tpu.memory_space<hbm>> -> memref<1x20x12x1x64xf32, #tpu.memory_space<hbm>>
    %dma_start3A_36 = tpu.memref_squeeze %dma_start3A_35 : memref<1x20x12x1x64xf32, #tpu.memory_space<hbm>> -> memref<20x12x64xf32, #tpu.memory_space<hbm>>
    %dma_start3A_37 = arith.constant 0 : i32
    %dma_start3A_38 = arith.constant 0 : i32
    %dma_start3A_39 = arith.constant 0 : i32
    %dma_start3A_40 = tpu.memref_slice %arg9[%dma_start3A, %dma_start3A_37, %dma_start3A_38, %dma_start3A_39] : memref<3x20x12x64xf32, #tpu.memory_space<vmem>> -> memref<1x20x12x64xf32, #tpu.memory_space<vmem>>
    %dma_start3A_41 = tpu.memref_squeeze %dma_start3A_40 : memref<1x20x12x64xf32, #tpu.memory_space<vmem>> -> memref<20x12x64xf32, #tpu.memory_space<vmem>>
    %dma_start3A_42 = arith.constant 0 : i32
    %dma_start3A_43 = arith.constant 0 : i32
    %dma_start3A_44 = arith.constant 0 : i32
    %dma_start3A_45 = tpu.memref_slice %arg2[%select_n3A, %dma_start3A_42, %dma_start3A_43, %squeeze3A, %dma_start3A_44] : memref<24x20x12x64x64xf32, #tpu.memory_space<hbm>> -> memref<1x20x12x1x64xf32, #tpu.memory_space<hbm>>
    %dma_start3A_46 = tpu.memref_squeeze %dma_start3A_45 : memref<1x20x12x1x64xf32, #tpu.memory_space<hbm>> -> memref<20x12x64xf32, #tpu.memory_space<hbm>>
    tpu.enqueue_dma source(%dma_start3A_46 : memref<20x12x64xf32, #tpu.memory_space<hbm>>) target(%dma_start3A_41 : memref<20x12x64xf32, #tpu.memory_space<vmem>>) target_semaphore(%arg12 : memref<!tpu.dma_semaphore, #tpu.memory_space<semaphore_mem>>)
    %add3A_47 = arith.constant 0 : i32
    %add3A_48 = arith.addi %mul3A_2, %add3A_47 : i32
    %add3A_49 = arith.constant 1 : i32
    %add3A_50 = arith.addi %add3A_48, %add3A_49 : i32
    %jit3A_51 = arith.constant 32 : i32
    %div3A_52 = arith.divsi %add3A_50, %jit3A_51 : i32
    %sign3A_53 = arith.constant 0 : i32
    %sign3A_54 = arith.cmpi sgt, %add3A_50, %sign3A_53 : i32
    %sign3A_55 = arith.extui %sign3A_54 : i1 to i32
    %sign3A_56 = arith.constant 0 : i32
    %sign3A_57 = arith.cmpi slt, %add3A_50, %sign3A_56 : i32
    %sign3A_58 = arith.extui %sign3A_57 : i1 to i32
    %sign3A_59 = arith.subi %sign3A_55, %sign3A_58 : i32
    %sign3A_60 = arith.constant 0 : i32
    %sign3A_61 = arith.cmpi sgt, %jit3A_51, %sign3A_60 : i32
    %sign3A_62 = arith.extui %sign3A_61 : i1 to i32
    %sign3A_63 = arith.constant 0 : i32
    %sign3A_64 = arith.cmpi slt, %jit3A_51, %sign3A_63 : i32
    %sign3A_65 = arith.extui %sign3A_64 : i1 to i32
    %sign3A_66 = arith.subi %sign3A_62, %sign3A_65 : i32
    %ne3A_67 = arith.cmpi ne, %sign3A_59, %sign3A_66 : i32
    %rem3A_68 = arith.remsi %add3A_50, %jit3A_51 : i32
    %ne3A_69 = arith.constant 0 : i32
    %ne3A_70 = arith.cmpi ne, %rem3A_68, %ne3A_69 : i32
    %and3A_71 = arith.andi %ne3A_67, %ne3A_70 : i1
    %sub3A_72 = arith.constant 1 : i32
    %sub3A_73 = arith.subi %div3A_52, %sub3A_72 : i32
    %select_n3A_74 = arith.select %and3A_71, %sub3A_73, %div3A_52 : i32
    %slice3A_75 = vector.extract_strided_slice %get3A_6 {offsets = [1], sizes = [1], strides = [1]} : vector<16xi32> to vector<1xi32>
    %squeeze3A_76 = vector.extract %slice3A_75[0] : i32 from vector<1xi32>
    %dma_start3A_77 = arith.constant 1 : i32
    %dma_start3A_78 = arith.constant 0 : i32
    %dma_start3A_79 = arith.constant 0 : i32
    %dma_start3A_80 = arith.constant 0 : i32
    %dma_start3A_81 = tpu.memref_slice %arg9[%dma_start3A_77, %dma_start3A_78, %dma_start3A_79, %dma_start3A_80] : memref<3x20x12x64xf32, #tpu.memory_space<vmem>> -> memref<1x20x12x64xf32, #tpu.memory_space<vmem>>
    %dma_start3A_82 = tpu.memref_squeeze %dma_start3A_81 : memref<1x20x12x64xf32, #tpu.memory_space<vmem>> -> memref<20x12x64xf32, #tpu.memory_space<vmem>>
    %dma_start3A_83 = arith.constant 0 : i32
    %dma_start3A_84 = arith.constant 0 : i32
    %dma_start3A_85 = arith.constant 0 : i32
    %dma_start3A_86 = tpu.memref_slice %arg2[%select_n3A_74, %dma_start3A_83, %dma_start3A_84, %squeeze3A_76, %dma_start3A_85] : memref<24x20x12x64x64xf32, #tpu.memory_space<hbm>> -> memref<1x20x12x1x64xf32, #tpu.memory_space<hbm>>
    %dma_start3A_87 = tpu.memref_squeeze %dma_start3A_86 : memref<1x20x12x1x64xf32, #tpu.memory_space<hbm>> -> memref<20x12x64xf32, #tpu.memory_space<hbm>>
    %dma_start3A_88 = arith.constant 0 : i32
    %dma_start3A_89 = arith.constant 0 : i32
    %dma_start3A_90 = arith.constant 0 : i32
    %dma_start3A_91 = tpu.memref_slice %arg9[%dma_start3A_77, %dma_start3A_88, %dma_start3A_89, %dma_start3A_90] : memref<3x20x12x64xf32, #tpu.memory_space<vmem>> -> memref<1x20x12x64xf32, #tpu.memory_space<vmem>>
    %dma_start3A_92 = tpu.memref_squeeze %dma_start3A_91 : memref<1x20x12x64xf32, #tpu.memory_space<vmem>> -> memref<20x12x64xf32, #tpu.memory_space<vmem>>
    %dma_start3A_93 = arith.constant 0 : i32
    %dma_start3A_94 = arith.constant 0 : i32
    %dma_start3A_95 = arith.constant 0 : i32
    %dma_start3A_96 = tpu.memref_slice %arg2[%select_n3A_74, %dma_start3A_93, %dma_start3A_94, %squeeze3A_76, %dma_start3A_95] : memref<24x20x12x64x64xf32, #tpu.memory_space<hbm>> -> memref<1x20x12x1x64xf32, #tpu.memory_space<hbm>>
    %dma_start3A_97 = tpu.memref_squeeze %dma_start3A_96 : memref<1x20x12x1x64xf32, #tpu.memory_space<hbm>> -> memref<20x12x64xf32, #tpu.memory_space<hbm>>
    tpu.enqueue_dma source(%dma_start3A_97 : memref<20x12x64xf32, #tpu.memory_space<hbm>>) target(%dma_start3A_92 : memref<20x12x64xf32, #tpu.memory_space<vmem>>) target_semaphore(%arg12 : memref<!tpu.dma_semaphore, #tpu.memory_space<semaphore_mem>>)
    %add3A_98 = arith.constant 0 : i32
    %add3A_99 = arith.addi %mul3A_2, %add3A_98 : i32
    %add3A_100 = arith.constant 2 : i32
    %add3A_101 = arith.addi %add3A_99, %add3A_100 : i32
    %jit3A_102 = arith.constant 32 : i32
    %div3A_103 = arith.divsi %add3A_101, %jit3A_102 : i32
    %sign3A_104 = arith.constant 0 : i32
    %sign3A_105 = arith.cmpi sgt, %add3A_101, %sign3A_104 : i32
    %sign3A_106 = arith.extui %sign3A_105 : i1 to i32
    %sign3A_107 = arith.constant 0 : i32
    %sign3A_108 = arith.cmpi slt, %add3A_101, %sign3A_107 : i32
    %sign3A_109 = arith.extui %sign3A_108 : i1 to i32
    %sign3A_110 = arith.subi %sign3A_106, %sign3A_109 : i32
    %sign3A_111 = arith.constant 0 : i32
    %sign3A_112 = arith.cmpi sgt, %jit3A_102, %sign3A_111 : i32
    %sign3A_113 = arith.extui %sign3A_112 : i1 to i32
    %sign3A_114 = arith.constant 0 : i32
    %sign3A_115 = arith.cmpi slt, %jit3A_102, %sign3A_114 : i32
    %sign3A_116 = arith.extui %sign3A_115 : i1 to i32
    %sign3A_117 = arith.subi %sign3A_113, %sign3A_116 : i32
    %ne3A_118 = arith.cmpi ne, %sign3A_110, %sign3A_117 : i32
    %rem3A_119 = arith.remsi %add3A_101, %jit3A_102 : i32
    %ne3A_120 = arith.constant 0 : i32
    %ne3A_121 = arith.cmpi ne, %rem3A_119, %ne3A_120 : i32
    %and3A_122 = arith.andi %ne3A_118, %ne3A_121 : i1
    %sub3A_123 = arith.constant 1 : i32
    %sub3A_124 = arith.subi %div3A_103, %sub3A_123 : i32
    %select_n3A_125 = arith.select %and3A_122, %sub3A_124, %div3A_103 : i32
    %slice3A_126 = vector.extract_strided_slice %get3A_6 {offsets = [2], sizes = [1], strides = [1]} : vector<16xi32> to vector<1xi32>
    %squeeze3A_127 = vector.extract %slice3A_126[0] : i32 from vector<1xi32>
    %dma_start3A_128 = arith.constant 2 : i32
    %dma_start3A_129 = arith.constant 0 : i32
    %dma_start3A_130 = arith.constant 0 : i32
    %dma_start3A_131 = arith.constant 0 : i32
    %dma_start3A_132 = tpu.memref_slice %arg9[%dma_start3A_128, %dma_start3A_129, %dma_start3A_130, %dma_start3A_131] : memref<3x20x12x64xf32, #tpu.memory_space<vmem>> -> memref<1x20x12x64xf32, #tpu.memory_space<vmem>>
    %dma_start3A_133 = tpu.memref_squeeze %dma_start3A_132 : memref<1x20x12x64xf32, #tpu.memory_space<vmem>> -> memref<20x12x64xf32, #tpu.memory_space<vmem>>
    %dma_start3A_134 = arith.constant 0 : i32
    %dma_start3A_135 = arith.constant 0 : i32
    %dma_start3A_136 = arith.constant 0 : i32
    %dma_start3A_137 = tpu.memref_slice %arg2[%select_n3A_125, %dma_start3A_134, %dma_start3A_135, %squeeze3A_127, %dma_start3A_136] : memref<24x20x12x64x64xf32, #tpu.memory_space<hbm>> -> memref<1x20x12x1x64xf32, #tpu.memory_space<hbm>>
    %dma_start3A_138 = tpu.memref_squeeze %dma_start3A_137 : memref<1x20x12x1x64xf32, #tpu.memory_space<hbm>> -> memref<20x12x64xf32, #tpu.memory_space<hbm>>
    %dma_start3A_139 = arith.constant 0 : i32
    %dma_start3A_140 = arith.constant 0 : i32
    %dma_start3A_141 = arith.constant 0 : i32
    %dma_start3A_142 = tpu.memref_slice %arg9[%dma_start3A_128, %dma_start3A_139, %dma_start3A_140, %dma_start3A_141] : memref<3x20x12x64xf32, #tpu.memory_space<vmem>> -> memref<1x20x12x64xf32, #tpu.memory_space<vmem>>
    %dma_start3A_143 = tpu.memref_squeeze %dma_start3A_142 : memref<1x20x12x64xf32, #tpu.memory_space<vmem>> -> memref<20x12x64xf32, #tpu.memory_space<vmem>>
    %dma_start3A_144 = arith.constant 0 : i32
    %dma_start3A_145 = arith.constant 0 : i32
    %dma_start3A_146 = arith.constant 0 : i32
    %dma_start3A_147 = tpu.memref_slice %arg2[%select_n3A_125, %dma_start3A_144, %dma_start3A_145, %squeeze3A_127, %dma_start3A_146] : memref<24x20x12x64x64xf32, #tpu.memory_space<hbm>> -> memref<1x20x12x1x64xf32, #tpu.memory_space<hbm>>
    %dma_start3A_148 = tpu.memref_squeeze %dma_start3A_147 : memref<1x20x12x1x64xf32, #tpu.memory_space<hbm>> -> memref<20x12x64xf32, #tpu.memory_space<hbm>>
    tpu.enqueue_dma source(%dma_start3A_148 : memref<20x12x64xf32, #tpu.memory_space<hbm>>) target(%dma_start3A_143 : memref<20x12x64xf32, #tpu.memory_space<vmem>>) target_semaphore(%arg12 : memref<!tpu.dma_semaphore, #tpu.memory_space<semaphore_mem>>)
    %dma_wait3A = arith.constant 0 : i32
    %dma_wait3A_149 = arith.constant 0 : i32
    %dma_wait3A_150 = arith.constant 0 : i32
    %dma_wait3A_151 = arith.constant 0 : i32
    %dma_wait3A_152 = tpu.memref_slice %arg9[%dma_wait3A, %dma_wait3A_149, %dma_wait3A_150, %dma_wait3A_151] : memref<3x20x12x64xf32, #tpu.memory_space<vmem>> -> memref<1x20x12x64xf32, #tpu.memory_space<vmem>>
    %dma_wait3A_153 = tpu.memref_squeeze %dma_wait3A_152 : memref<1x20x12x64xf32, #tpu.memory_space<vmem>> -> memref<20x12x64xf32, #tpu.memory_space<vmem>>
    %dma_wait3A_154 = arith.constant 0 : i32
    %dma_wait3A_155 = arith.constant 0 : i32
    %dma_wait3A_156 = arith.constant 0 : i32
    %dma_wait3A_157 = tpu.memref_slice %arg2[%select_n3A, %dma_wait3A_154, %dma_wait3A_155, %squeeze3A, %dma_wait3A_156] : memref<24x20x12x64x64xf32, #tpu.memory_space<hbm>> -> memref<1x20x12x1x64xf32, #tpu.memory_space<hbm>>
    %dma_wait3A_158 = tpu.memref_squeeze %dma_wait3A_157 : memref<1x20x12x1x64xf32, #tpu.memory_space<hbm>> -> memref<20x12x64xf32, #tpu.memory_space<hbm>>
    %dma_wait3A_159 = arith.constant 0 : i32
    %dma_wait3A_160 = arith.constant 0 : i32
    %dma_wait3A_161 = arith.constant 0 : i32
    %dma_wait3A_162 = tpu.memref_slice %arg9[%dma_wait3A, %dma_wait3A_159, %dma_wait3A_160, %dma_wait3A_161] : memref<3x20x12x64xf32, #tpu.memory_space<vmem>> -> memref<1x20x12x64xf32, #tpu.memory_space<vmem>>
    %dma_wait3A_163 = tpu.memref_squeeze %dma_wait3A_162 : memref<1x20x12x64xf32, #tpu.memory_space<vmem>> -> memref<20x12x64xf32, #tpu.memory_space<vmem>>
    %dma_wait3A_164 = arith.constant 0 : i32
    %dma_wait3A_165 = arith.constant 0 : i32
    %dma_wait3A_166 = arith.constant 0 : i32
    %dma_wait3A_167 = tpu.memref_slice %arg2[%select_n3A, %dma_wait3A_164, %dma_wait3A_165, %squeeze3A, %dma_wait3A_166] : memref<24x20x12x64x64xf32, #tpu.memory_space<hbm>> -> memref<1x20x12x1x64xf32, #tpu.memory_space<hbm>>
    %dma_wait3A_168 = tpu.memref_squeeze %dma_wait3A_167 : memref<1x20x12x1x64xf32, #tpu.memory_space<hbm>> -> memref<20x12x64xf32, #tpu.memory_space<hbm>>
    tpu.wait_dma2 semaphore(%arg12 : memref<!tpu.dma_semaphore, #tpu.memory_space<semaphore_mem>>) src(%dma_wait3A_168 : memref<20x12x64xf32, #tpu.memory_space<hbm>>) dst(%dma_wait3A_163 : memref<20x12x64xf32, #tpu.memory_space<vmem>>)
    %dma_wait3A_169 = arith.constant 1 : i32
    %dma_wait3A_170 = arith.constant 0 : i32
    %dma_wait3A_171 = arith.constant 0 : i32
    %dma_wait3A_172 = arith.constant 0 : i32
    %dma_wait3A_173 = tpu.memref_slice %arg9[%dma_wait3A_169, %dma_wait3A_170, %dma_wait3A_171, %dma_wait3A_172] : memref<3x20x12x64xf32, #tpu.memory_space<vmem>> -> memref<1x20x12x64xf32, #tpu.memory_space<vmem>>
    %dma_wait3A_174 = tpu.memref_squeeze %dma_wait3A_173 : memref<1x20x12x64xf32, #tpu.memory_space<vmem>> -> memref<20x12x64xf32, #tpu.memory_space<vmem>>
    %dma_wait3A_175 = arith.constant 0 : i32
    %dma_wait3A_176 = arith.constant 0 : i32
    %dma_wait3A_177 = arith.constant 0 : i32
    %dma_wait3A_178 = tpu.memref_slice %arg2[%select_n3A_74, %dma_wait3A_175, %dma_wait3A_176, %squeeze3A_76, %dma_wait3A_177] : memref<24x20x12x64x64xf32, #tpu.memory_space<hbm>> -> memref<1x20x12x1x64xf32, #tpu.memory_space<hbm>>
    %dma_wait3A_179 = tpu.memref_squeeze %dma_wait3A_178 : memref<1x20x12x1x64xf32, #tpu.memory_space<hbm>> -> memref<20x12x64xf32, #tpu.memory_space<hbm>>
    %dma_wait3A_180 = arith.constant 0 : i32
    %dma_wait3A_181 = arith.constant 0 : i32
    %dma_wait3A_182 = arith.constant 0 : i32
    %dma_wait3A_183 = tpu.memref_slice %arg9[%dma_wait3A_169, %dma_wait3A_180, %dma_wait3A_181, %dma_wait3A_182] : memref<3x20x12x64xf32, #tpu.memory_space<vmem>> -> memref<1x20x12x64xf32, #tpu.memory_space<vmem>>
    %dma_wait3A_184 = tpu.memref_squeeze %dma_wait3A_183 : memref<1x20x12x64xf32, #tpu.memory_space<vmem>> -> memref<20x12x64xf32, #tpu.memory_space<vmem>>
    %dma_wait3A_185 = arith.constant 0 : i32
    %dma_wait3A_186 = arith.constant 0 : i32
    %dma_wait3A_187 = arith.constant 0 : i32
    %dma_wait3A_188 = tpu.memref_slice %arg2[%select_n3A_74, %dma_wait3A_185, %dma_wait3A_186, %squeeze3A_76, %dma_wait3A_187] : memref<24x20x12x64x64xf32, #tpu.memory_space<hbm>> -> memref<1x20x12x1x64xf32, #tpu.memory_space<hbm>>
    %dma_wait3A_189 = tpu.memref_squeeze %dma_wait3A_188 : memref<1x20x12x1x64xf32, #tpu.memory_space<hbm>> -> memref<20x12x64xf32, #tpu.memory_space<hbm>>
    tpu.wait_dma2 semaphore(%arg12 : memref<!tpu.dma_semaphore, #tpu.memory_space<semaphore_mem>>) src(%dma_wait3A_189 : memref<20x12x64xf32, #tpu.memory_space<hbm>>) dst(%dma_wait3A_184 : memref<20x12x64xf32, #tpu.memory_space<vmem>>)
    %dma_wait3A_190 = arith.constant 2 : i32
    %dma_wait3A_191 = arith.constant 0 : i32
    %dma_wait3A_192 = arith.constant 0 : i32
    %dma_wait3A_193 = arith.constant 0 : i32
    %dma_wait3A_194 = tpu.memref_slice %arg9[%dma_wait3A_190, %dma_wait3A_191, %dma_wait3A_192, %dma_wait3A_193] : memref<3x20x12x64xf32, #tpu.memory_space<vmem>> -> memref<1x20x12x64xf32, #tpu.memory_space<vmem>>
    %dma_wait3A_195 = tpu.memref_squeeze %dma_wait3A_194 : memref<1x20x12x64xf32, #tpu.memory_space<vmem>> -> memref<20x12x64xf32, #tpu.memory_space<vmem>>
    %dma_wait3A_196 = arith.constant 0 : i32
    %dma_wait3A_197 = arith.constant 0 : i32
    %dma_wait3A_198 = arith.constant 0 : i32
    %dma_wait3A_199 = tpu.memref_slice %arg2[%select_n3A_125, %dma_wait3A_196, %dma_wait3A_197, %squeeze3A_127, %dma_wait3A_198] : memref<24x20x12x64x64xf32, #tpu.memory_space<hbm>> -> memref<1x20x12x1x64xf32, #tpu.memory_space<hbm>>
    %dma_wait3A_200 = tpu.memref_squeeze %dma_wait3A_199 : memref<1x20x12x1x64xf32, #tpu.memory_space<hbm>> -> memref<20x12x64xf32, #tpu.memory_space<hbm>>
    %dma_wait3A_201 = arith.constant 0 : i32
    %dma_wait3A_202 = arith.constant 0 : i32
    %dma_wait3A_203 = arith.constant 0 : i32
    %dma_wait3A_204 = tpu.memref_slice %arg9[%dma_wait3A_190, %dma_wait3A_201, %dma_wait3A_202, %dma_wait3A_203] : memref<3x20x12x64xf32, #tpu.memory_space<vmem>> -> memref<1x20x12x64xf32, #tpu.memory_space<vmem>>
    %dma_wait3A_205 = tpu.memref_squeeze %dma_wait3A_204 : memref<1x20x12x64xf32, #tpu.memory_space<vmem>> -> memref<20x12x64xf32, #tpu.memory_space<vmem>>
    %dma_wait3A_206 = arith.constant 0 : i32
    %dma_wait3A_207 = arith.constant 0 : i32
    %dma_wait3A_208 = arith.constant 0 : i32
    %dma_wait3A_209 = tpu.memref_slice %arg2[%select_n3A_125, %dma_wait3A_206, %dma_wait3A_207, %squeeze3A_127, %dma_wait3A_208] : memref<24x20x12x64x64xf32, #tpu.memory_space<hbm>> -> memref<1x20x12x1x64xf32, #tpu.memory_space<hbm>>
    %dma_wait3A_210 = tpu.memref_squeeze %dma_wait3A_209 : memref<1x20x12x1x64xf32, #tpu.memory_space<hbm>> -> memref<20x12x64xf32, #tpu.memory_space<hbm>>
    tpu.wait_dma2 semaphore(%arg12 : memref<!tpu.dma_semaphore, #tpu.memory_space<semaphore_mem>>) src(%dma_wait3A_210 : memref<20x12x64xf32, #tpu.memory_space<hbm>>) dst(%dma_wait3A_205 : memref<20x12x64xf32, #tpu.memory_space<vmem>>)
    %add3A_211 = arith.constant 0 : i32
    %add3A_212 = arith.addi %mul3A_2, %add3A_211 : i32
    "tpu.region"() ({
      %run_scoped3A = tpu.sem_alloc : memref<!tpu.dma_semaphore, #tpu.memory_space<semaphore_mem>>
      %dma_start3A_1776 = arith.constant 0 : i32
      %dma_start3A_1777 = arith.constant 0 : i32
      %dma_start3A_1778 = arith.constant 0 : i32
      %dma_start3A_1779 = tpu.memref_slice %arg6[%add3A_212, %dma_start3A_1776, %dma_start3A_1777, %dma_start3A_1778] : memref<768x20x12x64xf32, #tpu.memory_space<hbm>> -> memref<3x20x12x64xf32, #tpu.memory_space<hbm>>
      %dma_start3A_1780 = arith.constant 0 : i32
      %dma_start3A_1781 = arith.constant 0 : i32
      %dma_start3A_1782 = arith.constant 0 : i32
      %dma_start3A_1783 = tpu.memref_slice %arg6[%add3A_212, %dma_start3A_1780, %dma_start3A_1781, %dma_start3A_1782] : memref<768x20x12x64xf32, #tpu.memory_space<hbm>> -> memref<3x20x12x64xf32, #tpu.memory_space<hbm>>
      tpu.enqueue_dma source(%arg9 : memref<3x20x12x64xf32, #tpu.memory_space<vmem>>) target(%dma_start3A_1783 : memref<3x20x12x64xf32, #tpu.memory_space<hbm>>) target_semaphore(%run_scoped3A : memref<!tpu.dma_semaphore, #tpu.memory_space<semaphore_mem>>)
      %dma_wait3A_1784 = arith.constant 0 : i32
      %dma_wait3A_1785 = arith.constant 0 : i32
      %dma_wait3A_1786 = arith.constant 0 : i32
      %dma_wait3A_1787 = tpu.memref_slice %arg6[%add3A_212, %dma_wait3A_1784, %dma_wait3A_1785, %dma_wait3A_1786] : memref<768x20x12x64xf32, #tpu.memory_space<hbm>> -> memref<3x20x12x64xf32, #tpu.memory_space<hbm>>
      %dma_wait3A_1788 = arith.constant 0 : i32
      %dma_wait3A_1789 = arith.constant 0 : i32
      %dma_wait3A_1790 = arith.constant 0 : i32
      %dma_wait3A_1791 = tpu.memref_slice %arg6[%add3A_212, %dma_wait3A_1788, %dma_wait3A_1789, %dma_wait3A_1790] : memref<768x20x12x64xf32, #tpu.memory_space<hbm>> -> memref<3x20x12x64xf32, #tpu.memory_space<hbm>>
      tpu.wait_dma2 semaphore(%run_scoped3A : memref<!tpu.dma_semaphore, #tpu.memory_space<semaphore_mem>>) src(%arg9 : memref<3x20x12x64xf32, #tpu.memory_space<vmem>>) dst(%dma_wait3A_1791 : memref<3x20x12x64xf32, #tpu.memory_space<hbm>>)
      tpu.yield
    }) : () -> ()
    %get3A_213 = arith.constant 1 : i32
    %get3A_214 = arith.index_cast %get3A_213 : i32 to index
    %get3A_215 = arith.constant 0 : index
    %get3A_216 = tpu.vector_load %arg8[%get3A_214, %get3A_215] {strides = array<i32>} : memref<8x16xi32, #tpu.memory_space<vmem>>, vector<1x16xi32>,
    %get3A_217 = vector.shape_cast %get3A_216 : vector<1x16xi32> to vector<16xi32>
    %add3A_218 = arith.constant 3 : i32
    %add3A_219 = arith.addi %mul3A_2, %add3A_218 : i32
    %add3A_220 = arith.constant 0 : i32
    %add3A_221 = arith.addi %add3A_219, %add3A_220 : i32
    %jit3A_222 = arith.constant 32 : i32
    %div3A_223 = arith.divsi %add3A_221, %jit3A_222 : i32
    %sign3A_224 = arith.constant 0 : i32
    %sign3A_225 = arith.cmpi sgt, %add3A_221, %sign3A_224 : i32
    %sign3A_226 = arith.extui %sign3A_225 : i1 to i32
    %sign3A_227 = arith.constant 0 : i32
    %sign3A_228 = arith.cmpi slt, %add3A_221, %sign3A_227 : i32
    %sign3A_229 = arith.extui %sign3A_228 : i1 to i32
    %sign3A_230 = arith.subi %sign3A_226, %sign3A_229 : i32
    %sign3A_231 = arith.constant 0 : i32
    %sign3A_232 = arith.cmpi sgt, %jit3A_222, %sign3A_231 : i32
    %sign3A_233 = arith.extui %sign3A_232 : i1 to i32
    %sign3A_234 = arith.constant 0 : i32
    %sign3A_235 = arith.cmpi slt, %jit3A_222, %sign3A_234 : i32
    %sign3A_236 = arith.extui %sign3A_235 : i1 to i32
    %sign3A_237 = arith.subi %sign3A_233, %sign3A_236 : i32
    %ne3A_238 = arith.cmpi ne, %sign3A_230, %sign3A_237 : i32
    %rem3A_239 = arith.remsi %add3A_221, %jit3A_222 : i32
    %ne3A_240 = arith.constant 0 : i32
    %ne3A_241 = arith.cmpi ne, %rem3A_239, %ne3A_240 : i32
    %and3A_242 = arith.andi %ne3A_238, %ne3A_241 : i1
    %sub3A_243 = arith.constant 1 : i32
    %sub3A_244 = arith.subi %div3A_223, %sub3A_243 : i32
    %select_n3A_245 = arith.select %and3A_242, %sub3A_244, %div3A_223 : i32
    %slice3A_246 = vector.extract_strided_slice %get3A_217 {offsets = [0], sizes = [1], strides = [1]} : vector<16xi32> to vector<1xi32>
    %squeeze3A_247 = vector.extract %slice3A_246[0] : i32 from vector<1xi32>
    %dma_start3A_248 = arith.constant 0 : i32
    %dma_start3A_249 = arith.constant 0 : i32
    %dma_start3A_250 = arith.constant 0 : i32
    %dma_start3A_251 = arith.constant 0 : i32
    %dma_start3A_252 = tpu.memref_slice %arg9[%dma_start3A_248, %dma_start3A_249, %dma_start3A_250, %dma_start3A_251] : memref<3x20x12x64xf32, #tpu.memory_space<vmem>> -> memref<1x20x12x64xf32, #tpu.memory_space<vmem>>
    %dma_start3A_253 = tpu.memref_squeeze %dma_start3A_252 : memref<1x20x12x64xf32, #tpu.memory_space<vmem>> -> memref<20x12x64xf32, #tpu.memory_space<vmem>>
    %dma_start3A_254 = arith.constant 0 : i32
    %dma_start3A_255 = arith.constant 0 : i32
    %dma_start3A_256 = arith.constant 0 : i32
    %dma_start3A_257 = tpu.memref_slice %arg2[%select_n3A_245, %dma_start3A_254, %dma_start3A_255, %squeeze3A_247, %dma_start3A_256] : memref<24x20x12x64x64xf32, #tpu.memory_space<hbm>> -> memref<1x20x12x1x64xf32, #tpu.memory_space<hbm>>
    %dma_start3A_258 = tpu.memref_squeeze %dma_start3A_257 : memref<1x20x12x1x64xf32, #tpu.memory_space<hbm>> -> memref<20x12x64xf32, #tpu.memory_space<hbm>>
    %dma_start3A_259 = arith.constant 0 : i32
    %dma_start3A_260 = arith.constant 0 : i32
    %dma_start3A_261 = arith.constant 0 : i32
    %dma_start3A_262 = tpu.memref_slice %arg9[%dma_start3A_248, %dma_start3A_259, %dma_start3A_260, %dma_start3A_261] : memref<3x20x12x64xf32, #tpu.memory_space<vmem>> -> memref<1x20x12x64xf32, #tpu.memory_space<vmem>>
    %dma_start3A_263 = tpu.memref_squeeze %dma_start3A_262 : memref<1x20x12x64xf32, #tpu.memory_space<vmem>> -> memref<20x12x64xf32, #tpu.memory_space<vmem>>
    %dma_start3A_264 = arith.constant 0 : i32
    %dma_start3A_265 = arith.constant 0 : i32
    %dma_start3A_266 = arith.constant 0 : i32
    %dma_start3A_267 = tpu.memref_slice %arg2[%select_n3A_245, %dma_start3A_264, %dma_start3A_265, %squeeze3A_247, %dma_start3A_266] : memref<24x20x12x64x64xf32, #tpu.memory_space<hbm>> -> memref<1x20x12x1x64xf32, #tpu.memory_space<hbm>>
    %dma_start3A_268 = tpu.memref_squeeze %dma_start3A_267 : memref<1x20x12x1x64xf32, #tpu.memory_space<hbm>> -> memref<20x12x64xf32, #tpu.memory_space<hbm>>
    tpu.enqueue_dma source(%dma_start3A_268 : memref<20x12x64xf32, #tpu.memory_space<hbm>>) target(%dma_start3A_263 : memref<20x12x64xf32, #tpu.memory_space<vmem>>) target_semaphore(%arg12 : memref<!tpu.dma_semaphore, #tpu.memory_space<semaphore_mem>>)
    %add3A_269 = arith.constant 3 : i32
    %add3A_270 = arith.addi %mul3A_2, %add3A_269 : i32
    %add3A_271 = arith.constant 1 : i32
    %add3A_272 = arith.addi %add3A_270, %add3A_271 : i32
    %jit3A_273 = arith.constant 32 : i32
    %div3A_274 = arith.divsi %add3A_272, %jit3A_273 : i32
    %sign3A_275 = arith.constant 0 : i32
    %sign3A_276 = arith.cmpi sgt, %add3A_272, %sign3A_275 : i32
    %sign3A_277 = arith.extui %sign3A_276 : i1 to i32
    %sign3A_278 = arith.constant 0 : i32
    %sign3A_279 = arith.cmpi slt, %add3A_272, %sign3A_278 : i32
    %sign3A_280 = arith.extui %sign3A_279 : i1 to i32
    %sign3A_281 = arith.subi %sign3A_277, %sign3A_280 : i32
    %sign3A_282 = arith.constant 0 : i32
    %sign3A_283 = arith.cmpi sgt, %jit3A_273, %sign3A_282 : i32
    %sign3A_284 = arith.extui %sign3A_283 : i1 to i32
    %sign3A_285 = arith.constant 0 : i32
    %sign3A_286 = arith.cmpi slt, %jit3A_273, %sign3A_285 : i32
    %sign3A_287 = arith.extui %sign3A_286 : i1 to i32
    %sign3A_288 = arith.subi %sign3A_284, %sign3A_287 : i32
    %ne3A_289 = arith.cmpi ne, %sign3A_281, %sign3A_288 : i32
    %rem3A_290 = arith.remsi %add3A_272, %jit3A_273 : i32
    %ne3A_291 = arith.constant 0 : i32
    %ne3A_292 = arith.cmpi ne, %rem3A_290, %ne3A_291 : i32
    %and3A_293 = arith.andi %ne3A_289, %ne3A_292 : i1
    %sub3A_294 = arith.constant 1 : i32
    %sub3A_295 = arith.subi %div3A_274, %sub3A_294 : i32
    %select_n3A_296 = arith.select %and3A_293, %sub3A_295, %div3A_274 : i32
    %slice3A_297 = vector.extract_strided_slice %get3A_217 {offsets = [1], sizes = [1], strides = [1]} : vector<16xi32> to vector<1xi32>
    %squeeze3A_298 = vector.extract %slice3A_297[0] : i32 from vector<1xi32>
    %dma_start3A_299 = arith.constant 1 : i32
    %dma_start3A_300 = arith.constant 0 : i32
    %dma_start3A_301 = arith.constant 0 : i32
    %dma_start3A_302 = arith.constant 0 : i32
    %dma_start3A_303 = tpu.memref_slice %arg9[%dma_start3A_299, %dma_start3A_300, %dma_start3A_301, %dma_start3A_302] : memref<3x20x12x64xf32, #tpu.memory_space<vmem>> -> memref<1x20x12x64xf32, #tpu.memory_space<vmem>>
    %dma_start3A_304 = tpu.memref_squeeze %dma_start3A_303 : memref<1x20x12x64xf32, #tpu.memory_space<vmem>> -> memref<20x12x64xf32, #tpu.memory_space<vmem>>
    %dma_start3A_305 = arith.constant 0 : i32
    %dma_start3A_306 = arith.constant 0 : i32
    %dma_start3A_307 = arith.constant 0 : i32
    %dma_start3A_308 = tpu.memref_slice %arg2[%select_n3A_296, %dma_start3A_305, %dma_start3A_306, %squeeze3A_298, %dma_start3A_307] : memref<24x20x12x64x64xf32, #tpu.memory_space<hbm>> -> memref<1x20x12x1x64xf32, #tpu.memory_space<hbm>>
    %dma_start3A_309 = tpu.memref_squeeze %dma_start3A_308 : memref<1x20x12x1x64xf32, #tpu.memory_space<hbm>> -> memref<20x12x64xf32, #tpu.memory_space<hbm>>
    %dma_start3A_310 = arith.constant 0 : i32
    %dma_start3A_311 = arith.constant 0 : i32
    %dma_start3A_312 = arith.constant 0 : i32
    %dma_start3A_313 = tpu.memref_slice %arg9[%dma_start3A_299, %dma_start3A_310, %dma_start3A_311, %dma_start3A_312] : memref<3x20x12x64xf32, #tpu.memory_space<vmem>> -> memref<1x20x12x64xf32, #tpu.memory_space<vmem>>
    %dma_start3A_314 = tpu.memref_squeeze %dma_start3A_313 : memref<1x20x12x64xf32, #tpu.memory_space<vmem>> -> memref<20x12x64xf32, #tpu.memory_space<vmem>>
    %dma_start3A_315 = arith.constant 0 : i32
    %dma_start3A_316 = arith.constant 0 : i32
    %dma_start3A_317 = arith.constant 0 : i32
    %dma_start3A_318 = tpu.memref_slice %arg2[%select_n3A_296, %dma_start3A_315, %dma_start3A_316, %squeeze3A_298, %dma_start3A_317] : memref<24x20x12x64x64xf32, #tpu.memory_space<hbm>> -> memref<1x20x12x1x64xf32, #tpu.memory_space<hbm>>
    %dma_start3A_319 = tpu.memref_squeeze %dma_start3A_318 : memref<1x20x12x1x64xf32, #tpu.memory_space<hbm>> -> memref<20x12x64xf32, #tpu.memory_space<hbm>>
    tpu.enqueue_dma source(%dma_start3A_319 : memref<20x12x64xf32, #tpu.memory_space<hbm>>) target(%dma_start3A_314 : memref<20x12x64xf32, #tpu.memory_space<vmem>>) target_semaphore(%arg12 : memref<!tpu.dma_semaphore, #tpu.memory_space<semaphore_mem>>)
    %add3A_320 = arith.constant 3 : i32
    %add3A_321 = arith.addi %mul3A_2, %add3A_320 : i32
    %add3A_322 = arith.constant 2 : i32
    %add3A_323 = arith.addi %add3A_321, %add3A_322 : i32
    %jit3A_324 = arith.constant 32 : i32
    %div3A_325 = arith.divsi %add3A_323, %jit3A_324 : i32
    %sign3A_326 = arith.constant 0 : i32
    %sign3A_327 = arith.cmpi sgt, %add3A_323, %sign3A_326 : i32
    %sign3A_328 = arith.extui %sign3A_327 : i1 to i32
    %sign3A_329 = arith.constant 0 : i32
    %sign3A_330 = arith.cmpi slt, %add3A_323, %sign3A_329 : i32
    %sign3A_331 = arith.extui %sign3A_330 : i1 to i32
    %sign3A_332 = arith.subi %sign3A_328, %sign3A_331 : i32
    %sign3A_333 = arith.constant 0 : i32
    %sign3A_334 = arith.cmpi sgt, %jit3A_324, %sign3A_333 : i32
    %sign3A_335 = arith.extui %sign3A_334 : i1 to i32
    %sign3A_336 = arith.constant 0 : i32
    %sign3A_337 = arith.cmpi slt, %jit3A_324, %sign3A_336 : i32
    %sign3A_338 = arith.extui %sign3A_337 : i1 to i32
    %sign3A_339 = arith.subi %sign3A_335, %sign3A_338 : i32
    %ne3A_340 = arith.cmpi ne, %sign3A_332, %sign3A_339 : i32
    %rem3A_341 = arith.remsi %add3A_323, %jit3A_324 : i32
    %ne3A_342 = arith.constant 0 : i32
    %ne3A_343 = arith.cmpi ne, %rem3A_341, %ne3A_342 : i32
    %and3A_344 = arith.andi %ne3A_340, %ne3A_343 : i1
    %sub3A_345 = arith.constant 1 : i32
    %sub3A_346 = arith.subi %div3A_325, %sub3A_345 : i32
    %select_n3A_347 = arith.select %and3A_344, %sub3A_346, %div3A_325 : i32
    %slice3A_348 = vector.extract_strided_slice %get3A_217 {offsets = [2], sizes = [1], strides = [1]} : vector<16xi32> to vector<1xi32>
    %squeeze3A_349 = vector.extract %slice3A_348[0] : i32 from vector<1xi32>
    %dma_start3A_350 = arith.constant 2 : i32
    %dma_start3A_351 = arith.constant 0 : i32
    %dma_start3A_352 = arith.constant 0 : i32
    %dma_start3A_353 = arith.constant 0 : i32
    %dma_start3A_354 = tpu.memref_slice %arg9[%dma_start3A_350, %dma_start3A_351, %dma_start3A_352, %dma_start3A_353] : memref<3x20x12x64xf32, #tpu.memory_space<vmem>> -> memref<1x20x12x64xf32, #tpu.memory_space<vmem>>
    %dma_start3A_355 = tpu.memref_squeeze %dma_start3A_354 : memref<1x20x12x64xf32, #tpu.memory_space<vmem>> -> memref<20x12x64xf32, #tpu.memory_space<vmem>>
    %dma_start3A_356 = arith.constant 0 : i32
    %dma_start3A_357 = arith.constant 0 : i32
    %dma_start3A_358 = arith.constant 0 : i32
    %dma_start3A_359 = tpu.memref_slice %arg2[%select_n3A_347, %dma_start3A_356, %dma_start3A_357, %squeeze3A_349, %dma_start3A_358] : memref<24x20x12x64x64xf32, #tpu.memory_space<hbm>> -> memref<1x20x12x1x64xf32, #tpu.memory_space<hbm>>
    %dma_start3A_360 = tpu.memref_squeeze %dma_start3A_359 : memref<1x20x12x1x64xf32, #tpu.memory_space<hbm>> -> memref<20x12x64xf32, #tpu.memory_space<hbm>>
    %dma_start3A_361 = arith.constant 0 : i32
    %dma_start3A_362 = arith.constant 0 : i32
    %dma_start3A_363 = arith.constant 0 : i32
    %dma_start3A_364 = tpu.memref_slice %arg9[%dma_start3A_350, %dma_start3A_361, %dma_start3A_362, %dma_start3A_363] : memref<3x20x12x64xf32, #tpu.memory_space<vmem>> -> memref<1x20x12x64xf32, #tpu.memory_space<vmem>>
    %dma_start3A_365 = tpu.memref_squeeze %dma_start3A_364 : memref<1x20x12x64xf32, #tpu.memory_space<vmem>> -> memref<20x12x64xf32, #tpu.memory_space<vmem>>
    %dma_start3A_366 = arith.constant 0 : i32
    %dma_start3A_367 = arith.constant 0 : i32
    %dma_start3A_368 = arith.constant 0 : i32
    %dma_start3A_369 = tpu.memref_slice %arg2[%select_n3A_347, %dma_start3A_366, %dma_start3A_367, %squeeze3A_349, %dma_start3A_368] : memref<24x20x12x64x64xf32, #tpu.memory_space<hbm>> -> memref<1x20x12x1x64xf32, #tpu.memory_space<hbm>>
    %dma_start3A_370 = tpu.memref_squeeze %dma_start3A_369 : memref<1x20x12x1x64xf32, #tpu.memory_space<hbm>> -> memref<20x12x64xf32, #tpu.memory_space<hbm>>
    tpu.enqueue_dma source(%dma_start3A_370 : memref<20x12x64xf32, #tpu.memory_space<hbm>>) target(%dma_start3A_365 : memref<20x12x64xf32, #tpu.memory_space<vmem>>) target_semaphore(%arg12 : memref<!tpu.dma_semaphore, #tpu.memory_space<semaphore_mem>>)
    %dma_wait3A_371 = arith.constant 0 : i32
    %dma_wait3A_372 = arith.constant 0 : i32
    %dma_wait3A_373 = arith.constant 0 : i32
    %dma_wait3A_374 = arith.constant 0 : i32
    %dma_wait3A_375 = tpu.memref_slice %arg9[%dma_wait3A_371, %dma_wait3A_372, %dma_wait3A_373, %dma_wait3A_374] : memref<3x20x12x64xf32, #tpu.memory_space<vmem>> -> memref<1x20x12x64xf32, #tpu.memory_space<vmem>>
    %dma_wait3A_376 = tpu.memref_squeeze %dma_wait3A_375 : memref<1x20x12x64xf32, #tpu.memory_space<vmem>> -> memref<20x12x64xf32, #tpu.memory_space<vmem>>
    %dma_wait3A_377 = arith.constant 0 : i32
    %dma_wait3A_378 = arith.constant 0 : i32
    %dma_wait3A_379 = arith.constant 0 : i32
    %dma_wait3A_380 = tpu.memref_slice %arg2[%select_n3A_245, %dma_wait3A_377, %dma_wait3A_378, %squeeze3A_247, %dma_wait3A_379] : memref<24x20x12x64x64xf32, #tpu.memory_space<hbm>> -> memref<1x20x12x1x64xf32, #tpu.memory_space<hbm>>
    %dma_wait3A_381 = tpu.memref_squeeze %dma_wait3A_380 : memref<1x20x12x1x64xf32, #tpu.memory_space<hbm>> -> memref<20x12x64xf32, #tpu.memory_space<hbm>>
    %dma_wait3A_382 = arith.constant 0 : i32
    %dma_wait3A_383 = arith.constant 0 : i32
    %dma_wait3A_384 = arith.constant 0 : i32
    %dma_wait3A_385 = tpu.memref_slice %arg9[%dma_wait3A_371, %dma_wait3A_382, %dma_wait3A_383, %dma_wait3A_384] : memref<3x20x12x64xf32, #tpu.memory_space<vmem>> -> memref<1x20x12x64xf32, #tpu.memory_space<vmem>>
    %dma_wait3A_386 = tpu.memref_squeeze %dma_wait3A_385 : memref<1x20x12x64xf32, #tpu.memory_space<vmem>> -> memref<20x12x64xf32, #tpu.memory_space<vmem>>
    %dma_wait3A_387 = arith.constant 0 : i32
    %dma_wait3A_388 = arith.constant 0 : i32
    %dma_wait3A_389 = arith.constant 0 : i32
    %dma_wait3A_390 = tpu.memref_slice %arg2[%select_n3A_245, %dma_wait3A_387, %dma_wait3A_388, %squeeze3A_247, %dma_wait3A_389] : memref<24x20x12x64x64xf32, #tpu.memory_space<hbm>> -> memref<1x20x12x1x64xf32, #tpu.memory_space<hbm>>
    %dma_wait3A_391 = tpu.memref_squeeze %dma_wait3A_390 : memref<1x20x12x1x64xf32, #tpu.memory_space<hbm>> -> memref<20x12x64xf32, #tpu.memory_space<hbm>>
    tpu.wait_dma2 semaphore(%arg12 : memref<!tpu.dma_semaphore, #tpu.memory_space<semaphore_mem>>) src(%dma_wait3A_391 : memref<20x12x64xf32, #tpu.memory_space<hbm>>) dst(%dma_wait3A_386 : memref<20x12x64xf32, #tpu.memory_space<vmem>>)
    %dma_wait3A_392 = arith.constant 1 : i32
    %dma_wait3A_393 = arith.constant 0 : i32
    %dma_wait3A_394 = arith.constant 0 : i32
    %dma_wait3A_395 = arith.constant 0 : i32
    %dma_wait3A_396 = tpu.memref_slice %arg9[%dma_wait3A_392, %dma_wait3A_393, %dma_wait3A_394, %dma_wait3A_395] : memref<3x20x12x64xf32, #tpu.memory_space<vmem>> -> memref<1x20x12x64xf32, #tpu.memory_space<vmem>>
    %dma_wait3A_397 = tpu.memref_squeeze %dma_wait3A_396 : memref<1x20x12x64xf32, #tpu.memory_space<vmem>> -> memref<20x12x64xf32, #tpu.memory_space<vmem>>
    %dma_wait3A_398 = arith.constant 0 : i32
    %dma_wait3A_399 = arith.constant 0 : i32
    %dma_wait3A_400 = arith.constant 0 : i32
    %dma_wait3A_401 = tpu.memref_slice %arg2[%select_n3A_296, %dma_wait3A_398, %dma_wait3A_399, %squeeze3A_298, %dma_wait3A_400] : memref<24x20x12x64x64xf32, #tpu.memory_space<hbm>> -> memref<1x20x12x1x64xf32, #tpu.memory_space<hbm>>
    %dma_wait3A_402 = tpu.memref_squeeze %dma_wait3A_401 : memref<1x20x12x1x64xf32, #tpu.memory_space<hbm>> -> memref<20x12x64xf32, #tpu.memory_space<hbm>>
    %dma_wait3A_403 = arith.constant 0 : i32
    %dma_wait3A_404 = arith.constant 0 : i32
    %dma_wait3A_405 = arith.constant 0 : i32
    %dma_wait3A_406 = tpu.memref_slice %arg9[%dma_wait3A_392, %dma_wait3A_403, %dma_wait3A_404, %dma_wait3A_405] : memref<3x20x12x64xf32, #tpu.memory_space<vmem>> -> memref<1x20x12x64xf32, #tpu.memory_space<vmem>>
    %dma_wait3A_407 = tpu.memref_squeeze %dma_wait3A_406 : memref<1x20x12x64xf32, #tpu.memory_space<vmem>> -> memref<20x12x64xf32, #tpu.memory_space<vmem>>
    %dma_wait3A_408 = arith.constant 0 : i32
    %dma_wait3A_409 = arith.constant 0 : i32
    %dma_wait3A_410 = arith.constant 0 : i32
    %dma_wait3A_411 = tpu.memref_slice %arg2[%select_n3A_296, %dma_wait3A_408, %dma_wait3A_409, %squeeze3A_298, %dma_wait3A_410] : memref<24x20x12x64x64xf32, #tpu.memory_space<hbm>> -> memref<1x20x12x1x64xf32, #tpu.memory_space<hbm>>
    %dma_wait3A_412 = tpu.memref_squeeze %dma_wait3A_411 : memref<1x20x12x1x64xf32, #tpu.memory_space<hbm>> -> memref<20x12x64xf32, #tpu.memory_space<hbm>>
    tpu.wait_dma2 semaphore(%arg12 : memref<!tpu.dma_semaphore, #tpu.memory_space<semaphore_mem>>) src(%dma_wait3A_412 : memref<20x12x64xf32, #tpu.memory_space<hbm>>) dst(%dma_wait3A_407 : memref<20x12x64xf32, #tpu.memory_space<vmem>>)
    %dma_wait3A_413 = arith.constant 2 : i32
    %dma_wait3A_414 = arith.constant 0 : i32
    %dma_wait3A_415 = arith.constant 0 : i32
    %dma_wait3A_416 = arith.constant 0 : i32
    %dma_wait3A_417 = tpu.memref_slice %arg9[%dma_wait3A_413, %dma_wait3A_414, %dma_wait3A_415, %dma_wait3A_416] : memref<3x20x12x64xf32, #tpu.memory_space<vmem>> -> memref<1x20x12x64xf32, #tpu.memory_space<vmem>>
    %dma_wait3A_418 = tpu.memref_squeeze %dma_wait3A_417 : memref<1x20x12x64xf32, #tpu.memory_space<vmem>> -> memref<20x12x64xf32, #tpu.memory_space<vmem>>
    %dma_wait3A_419 = arith.constant 0 : i32
    %dma_wait3A_420 = arith.constant 0 : i32
    %dma_wait3A_421 = arith.constant 0 : i32
    %dma_wait3A_422 = tpu.memref_slice %arg2[%select_n3A_347, %dma_wait3A_419, %dma_wait3A_420, %squeeze3A_349, %dma_wait3A_421] : memref<24x20x12x64x64xf32, #tpu.memory_space<hbm>> -> memref<1x20x12x1x64xf32, #tpu.memory_space<hbm>>
    %dma_wait3A_423 = tpu.memref_squeeze %dma_wait3A_422 : memref<1x20x12x1x64xf32, #tpu.memory_space<hbm>> -> memref<20x12x64xf32, #tpu.memory_space<hbm>>
    %dma_wait3A_424 = arith.constant 0 : i32
    %dma_wait3A_425 = arith.constant 0 : i32
    %dma_wait3A_426 = arith.constant 0 : i32
    %dma_wait3A_427 = tpu.memref_slice %arg9[%dma_wait3A_413, %dma_wait3A_424, %dma_wait3A_425, %dma_wait3A_426] : memref<3x20x12x64xf32, #tpu.memory_space<vmem>> -> memref<1x20x12x64xf32, #tpu.memory_space<vmem>>
    %dma_wait3A_428 = tpu.memref_squeeze %dma_wait3A_427 : memref<1x20x12x64xf32, #tpu.memory_space<vmem>> -> memref<20x12x64xf32, #tpu.memory_space<vmem>>
    %dma_wait3A_429 = arith.constant 0 : i32
    %dma_wait3A_430 = arith.constant 0 : i32
    %dma_wait3A_431 = arith.constant 0 : i32
    %dma_wait3A_432 = tpu.memref_slice %arg2[%select_n3A_347, %dma_wait3A_429, %dma_wait3A_430, %squeeze3A_349, %dma_wait3A_431] : memref<24x20x12x64x64xf32, #tpu.memory_space<hbm>> -> memref<1x20x12x1x64xf32, #tpu.memory_space<hbm>>
    %dma_wait3A_433 = tpu.memref_squeeze %dma_wait3A_432 : memref<1x20x12x1x64xf32, #tpu.memory_space<hbm>> -> memref<20x12x64xf32, #tpu.memory_space<hbm>>
    tpu.wait_dma2 semaphore(%arg12 : memref<!tpu.dma_semaphore, #tpu.memory_space<semaphore_mem>>) src(%dma_wait3A_433 : memref<20x12x64xf32, #tpu.memory_space<hbm>>) dst(%dma_wait3A_428 : memref<20x12x64xf32, #tpu.memory_space<vmem>>)
    %add3A_434 = arith.constant 3 : i32
    %add3A_435 = arith.addi %mul3A_2, %add3A_434 : i32
    "tpu.region"() ({
      %run_scoped3A = tpu.sem_alloc : memref<!tpu.dma_semaphore, #tpu.memory_space<semaphore_mem>>
      %dma_start3A_1776 = arith.constant 0 : i32
      %dma_start3A_1777 = arith.constant 0 : i32
      %dma_start3A_1778 = arith.constant 0 : i32
      %dma_start3A_1779 = tpu.memref_slice %arg6[%add3A_435, %dma_start3A_1776, %dma_start3A_1777, %dma_start3A_1778] : memref<768x20x12x64xf32, #tpu.memory_space<hbm>> -> memref<3x20x12x64xf32, #tpu.memory_space<hbm>>
      %dma_start3A_1780 = arith.constant 0 : i32
      %dma_start3A_1781 = arith.constant 0 : i32
      %dma_start3A_1782 = arith.constant 0 : i32
      %dma_start3A_1783 = tpu.memref_slice %arg6[%add3A_435, %dma_start3A_1780, %dma_start3A_1781, %dma_start3A_1782] : memref<768x20x12x64xf32, #tpu.memory_space<hbm>> -> memref<3x20x12x64xf32, #tpu.memory_space<hbm>>
      tpu.enqueue_dma source(%arg9 : memref<3x20x12x64xf32, #tpu.memory_space<vmem>>) target(%dma_start3A_1783 : memref<3x20x12x64xf32, #tpu.memory_space<hbm>>) target_semaphore(%run_scoped3A : memref<!tpu.dma_semaphore, #tpu.memory_space<semaphore_mem>>)
      %dma_wait3A_1784 = arith.constant 0 : i32
      %dma_wait3A_1785 = arith.constant 0 : i32
      %dma_wait3A_1786 = arith.constant 0 : i32
      %dma_wait3A_1787 = tpu.memref_slice %arg6[%add3A_435, %dma_wait3A_1784, %dma_wait3A_1785, %dma_wait3A_1786] : memref<768x20x12x64xf32, #tpu.memory_space<hbm>> -> memref<3x20x12x64xf32, #tpu.memory_space<hbm>>
      %dma_wait3A_1788 = arith.constant 0 : i32
      %dma_wait3A_1789 = arith.constant 0 : i32
      %dma_wait3A_1790 = arith.constant 0 : i32
      %dma_wait3A_1791 = tpu.memref_slice %arg6[%add3A_435, %dma_wait3A_1788, %dma_wait3A_1789, %dma_wait3A_1790] : memref<768x20x12x64xf32, #tpu.memory_space<hbm>> -> memref<3x20x12x64xf32, #tpu.memory_space<hbm>>
      tpu.wait_dma2 semaphore(%run_scoped3A : memref<!tpu.dma_semaphore, #tpu.memory_space<semaphore_mem>>) src(%arg9 : memref<3x20x12x64xf32, #tpu.memory_space<vmem>>) dst(%dma_wait3A_1791 : memref<3x20x12x64xf32, #tpu.memory_space<hbm>>)
      tpu.yield
    }) : () -> ()
    %get3A_436 = arith.constant 2 : i32
    %get3A_437 = arith.index_cast %get3A_436 : i32 to index
    %get3A_438 = arith.constant 0 : index
    %get3A_439 = tpu.vector_load %arg8[%get3A_437, %get3A_438] {strides = array<i32>} : memref<8x16xi32, #tpu.memory_space<vmem>>, vector<1x16xi32>,
    %get3A_440 = vector.shape_cast %get3A_439 : vector<1x16xi32> to vector<16xi32>
    %add3A_441 = arith.constant 6 : i32
    %add3A_442 = arith.addi %mul3A_2, %add3A_441 : i32
    %add3A_443 = arith.constant 0 : i32
    %add3A_444 = arith.addi %add3A_442, %add3A_443 : i32
    %jit3A_445 = arith.constant 32 : i32
    %div3A_446 = arith.divsi %add3A_444, %jit3A_445 : i32
    %sign3A_447 = arith.constant 0 : i32
    %sign3A_448 = arith.cmpi sgt, %add3A_444, %sign3A_447 : i32
    %sign3A_449 = arith.extui %sign3A_448 : i1 to i32
    %sign3A_450 = arith.constant 0 : i32
    %sign3A_451 = arith.cmpi slt, %add3A_444, %sign3A_450 : i32
    %sign3A_452 = arith.extui %sign3A_451 : i1 to i32
    %sign3A_453 = arith.subi %sign3A_449, %sign3A_452 : i32
    %sign3A_454 = arith.constant 0 : i32
    %sign3A_455 = arith.cmpi sgt, %jit3A_445, %sign3A_454 : i32
    %sign3A_456 = arith.extui %sign3A_455 : i1 to i32
    %sign3A_457 = arith.constant 0 : i32
    %sign3A_458 = arith.cmpi slt, %jit3A_445, %sign3A_457 : i32
    %sign3A_459 = arith.extui %sign3A_458 : i1 to i32
    %sign3A_460 = arith.subi %sign3A_456, %sign3A_459 : i32
    %ne3A_461 = arith.cmpi ne, %sign3A_453, %sign3A_460 : i32
    %rem3A_462 = arith.remsi %add3A_444, %jit3A_445 : i32
    %ne3A_463 = arith.constant 0 : i32
    %ne3A_464 = arith.cmpi ne, %rem3A_462, %ne3A_463 : i32
    %and3A_465 = arith.andi %ne3A_461, %ne3A_464 : i1
    %sub3A_466 = arith.constant 1 : i32
    %sub3A_467 = arith.subi %div3A_446, %sub3A_466 : i32
    %select_n3A_468 = arith.select %and3A_465, %sub3A_467, %div3A_446 : i32
    %slice3A_469 = vector.extract_strided_slice %get3A_440 {offsets = [0], sizes = [1], strides = [1]} : vector<16xi32> to vector<1xi32>
    %squeeze3A_470 = vector.extract %slice3A_469[0] : i32 from vector<1xi32>
    %dma_start3A_471 = arith.constant 0 : i32
    %dma_start3A_472 = arith.constant 0 : i32
    %dma_start3A_473 = arith.constant 0 : i32
    %dma_start3A_474 = arith.constant 0 : i32
    %dma_start3A_475 = tpu.memref_slice %arg9[%dma_start3A_471, %dma_start3A_472, %dma_start3A_473, %dma_start3A_474] : memref<3x20x12x64xf32, #tpu.memory_space<vmem>> -> memref<1x20x12x64xf32, #tpu.memory_space<vmem>>
    %dma_start3A_476 = tpu.memref_squeeze %dma_start3A_475 : memref<1x20x12x64xf32, #tpu.memory_space<vmem>> -> memref<20x12x64xf32, #tpu.memory_space<vmem>>
    %dma_start3A_477 = arith.constant 0 : i32
    %dma_start3A_478 = arith.constant 0 : i32
    %dma_start3A_479 = arith.constant 0 : i32
    %dma_start3A_480 = tpu.memref_slice %arg2[%select_n3A_468, %dma_start3A_477, %dma_start3A_478, %squeeze3A_470, %dma_start3A_479] : memref<24x20x12x64x64xf32, #tpu.memory_space<hbm>> -> memref<1x20x12x1x64xf32, #tpu.memory_space<hbm>>
    %dma_start3A_481 = tpu.memref_squeeze %dma_start3A_480 : memref<1x20x12x1x64xf32, #tpu.memory_space<hbm>> -> memref<20x12x64xf32, #tpu.memory_space<hbm>>
    %dma_start3A_482 = arith.constant 0 : i32
    %dma_start3A_483 = arith.constant 0 : i32
    %dma_start3A_484 = arith.constant 0 : i32
    %dma_start3A_485 = tpu.memref_slice %arg9[%dma_start3A_471, %dma_start3A_482, %dma_start3A_483, %dma_start3A_484] : memref<3x20x12x64xf32, #tpu.memory_space<vmem>> -> memref<1x20x12x64xf32, #tpu.memory_space<vmem>>
    %dma_start3A_486 = tpu.memref_squeeze %dma_start3A_485 : memref<1x20x12x64xf32, #tpu.memory_space<vmem>> -> memref<20x12x64xf32, #tpu.memory_space<vmem>>
    %dma_start3A_487 = arith.constant 0 : i32
    %dma_start3A_488 = arith.constant 0 : i32
    %dma_start3A_489 = arith.constant 0 : i32
    %dma_start3A_490 = tpu.memref_slice %arg2[%select_n3A_468, %dma_start3A_487, %dma_start3A_488, %squeeze3A_470, %dma_start3A_489] : memref<24x20x12x64x64xf32, #tpu.memory_space<hbm>> -> memref<1x20x12x1x64xf32, #tpu.memory_space<hbm>>
    %dma_start3A_491 = tpu.memref_squeeze %dma_start3A_490 : memref<1x20x12x1x64xf32, #tpu.memory_space<hbm>> -> memref<20x12x64xf32, #tpu.memory_space<hbm>>
    tpu.enqueue_dma source(%dma_start3A_491 : memref<20x12x64xf32, #tpu.memory_space<hbm>>) target(%dma_start3A_486 : memref<20x12x64xf32, #tpu.memory_space<vmem>>) target_semaphore(%arg12 : memref<!tpu.dma_semaphore, #tpu.memory_space<semaphore_mem>>)
    %add3A_492 = arith.constant 6 : i32
    %add3A_493 = arith.addi %mul3A_2, %add3A_492 : i32
    %add3A_494 = arith.constant 1 : i32
    %add3A_495 = arith.addi %add3A_493, %add3A_494 : i32
    %jit3A_496 = arith.constant 32 : i32
    %div3A_497 = arith.divsi %add3A_495, %jit3A_496 : i32
    %sign3A_498 = arith.constant 0 : i32
    %sign3A_499 = arith.cmpi sgt, %add3A_495, %sign3A_498 : i32
    %sign3A_500 = arith.extui %sign3A_499 : i1 to i32
    %sign3A_501 = arith.constant 0 : i32
    %sign3A_502 = arith.cmpi slt, %add3A_495, %sign3A_501 : i32
    %sign3A_503 = arith.extui %sign3A_502 : i1 to i32
    %sign3A_504 = arith.subi %sign3A_500, %sign3A_503 : i32
    %sign3A_505 = arith.constant 0 : i32
    %sign3A_506 = arith.cmpi sgt, %jit3A_496, %sign3A_505 : i32
    %sign3A_507 = arith.extui %sign3A_506 : i1 to i32
    %sign3A_508 = arith.constant 0 : i32
    %sign3A_509 = arith.cmpi slt, %jit3A_496, %sign3A_508 : i32
    %sign3A_510 = arith.extui %sign3A_509 : i1 to i32
    %sign3A_511 = arith.subi %sign3A_507, %sign3A_510 : i32
    %ne3A_512 = arith.cmpi ne, %sign3A_504, %sign3A_511 : i32
    %rem3A_513 = arith.remsi %add3A_495, %jit3A_496 : i32
    %ne3A_514 = arith.constant 0 : i32
    %ne3A_515 = arith.cmpi ne, %rem3A_513, %ne3A_514 : i32
    %and3A_516 = arith.andi %ne3A_512, %ne3A_515 : i1
    %sub3A_517 = arith.constant 1 : i32
    %sub3A_518 = arith.subi %div3A_497, %sub3A_517 : i32
    %select_n3A_519 = arith.select %and3A_516, %sub3A_518, %div3A_497 : i32
    %slice3A_520 = vector.extract_strided_slice %get3A_440 {offsets = [1], sizes = [1], strides = [1]} : vector<16xi32> to vector<1xi32>
    %squeeze3A_521 = vector.extract %slice3A_520[0] : i32 from vector<1xi32>
    %dma_start3A_522 = arith.constant 1 : i32
    %dma_start3A_523 = arith.constant 0 : i32
    %dma_start3A_524 = arith.constant 0 : i32
    %dma_start3A_525 = arith.constant 0 : i32
    %dma_start3A_526 = tpu.memref_slice %arg9[%dma_start3A_522, %dma_start3A_523, %dma_start3A_524, %dma_start3A_525] : memref<3x20x12x64xf32, #tpu.memory_space<vmem>> -> memref<1x20x12x64xf32, #tpu.memory_space<vmem>>
    %dma_start3A_527 = tpu.memref_squeeze %dma_start3A_526 : memref<1x20x12x64xf32, #tpu.memory_space<vmem>> -> memref<20x12x64xf32, #tpu.memory_space<vmem>>
    %dma_start3A_528 = arith.constant 0 : i32
    %dma_start3A_529 = arith.constant 0 : i32
    %dma_start3A_530 = arith.constant 0 : i32
    %dma_start3A_531 = tpu.memref_slice %arg2[%select_n3A_519, %dma_start3A_528, %dma_start3A_529, %squeeze3A_521, %dma_start3A_530] : memref<24x20x12x64x64xf32, #tpu.memory_space<hbm>> -> memref<1x20x12x1x64xf32, #tpu.memory_space<hbm>>
    %dma_start3A_532 = tpu.memref_squeeze %dma_start3A_531 : memref<1x20x12x1x64xf32, #tpu.memory_space<hbm>> -> memref<20x12x64xf32, #tpu.memory_space<hbm>>
    %dma_start3A_533 = arith.constant 0 : i32
    %dma_start3A_534 = arith.constant 0 : i32
    %dma_start3A_535 = arith.constant 0 : i32
    %dma_start3A_536 = tpu.memref_slice %arg9[%dma_start3A_522, %dma_start3A_533, %dma_start3A_534, %dma_start3A_535] : memref<3x20x12x64xf32, #tpu.memory_space<vmem>> -> memref<1x20x12x64xf32, #tpu.memory_space<vmem>>
    %dma_start3A_537 = tpu.memref_squeeze %dma_start3A_536 : memref<1x20x12x64xf32, #tpu.memory_space<vmem>> -> memref<20x12x64xf32, #tpu.memory_space<vmem>>
    %dma_start3A_538 = arith.constant 0 : i32
    %dma_start3A_539 = arith.constant 0 : i32
    %dma_start3A_540 = arith.constant 0 : i32
    %dma_start3A_541 = tpu.memref_slice %arg2[%select_n3A_519, %dma_start3A_538, %dma_start3A_539, %squeeze3A_521, %dma_start3A_540] : memref<24x20x12x64x64xf32, #tpu.memory_space<hbm>> -> memref<1x20x12x1x64xf32, #tpu.memory_space<hbm>>
    %dma_start3A_542 = tpu.memref_squeeze %dma_start3A_541 : memref<1x20x12x1x64xf32, #tpu.memory_space<hbm>> -> memref<20x12x64xf32, #tpu.memory_space<hbm>>
    tpu.enqueue_dma source(%dma_start3A_542 : memref<20x12x64xf32, #tpu.memory_space<hbm>>) target(%dma_start3A_537 : memref<20x12x64xf32, #tpu.memory_space<vmem>>) target_semaphore(%arg12 : memref<!tpu.dma_semaphore, #tpu.memory_space<semaphore_mem>>)
    %add3A_543 = arith.constant 6 : i32
    %add3A_544 = arith.addi %mul3A_2, %add3A_543 : i32
    %add3A_545 = arith.constant 2 : i32
    %add3A_546 = arith.addi %add3A_544, %add3A_545 : i32
    %jit3A_547 = arith.constant 32 : i32
    %div3A_548 = arith.divsi %add3A_546, %jit3A_547 : i32
    %sign3A_549 = arith.constant 0 : i32
    %sign3A_550 = arith.cmpi sgt, %add3A_546, %sign3A_549 : i32
    %sign3A_551 = arith.extui %sign3A_550 : i1 to i32
    %sign3A_552 = arith.constant 0 : i32
    %sign3A_553 = arith.cmpi slt, %add3A_546, %sign3A_552 : i32
    %sign3A_554 = arith.extui %sign3A_553 : i1 to i32
    %sign3A_555 = arith.subi %sign3A_551, %sign3A_554 : i32
    %sign3A_556 = arith.constant 0 : i32
    %sign3A_557 = arith.cmpi sgt, %jit3A_547, %sign3A_556 : i32
    %sign3A_558 = arith.extui %sign3A_557 : i1 to i32
    %sign3A_559 = arith.constant 0 : i32
    %sign3A_560 = arith.cmpi slt, %jit3A_547, %sign3A_559 : i32
    %sign3A_561 = arith.extui %sign3A_560 : i1 to i32
    %sign3A_562 = arith.subi %sign3A_558, %sign3A_561 : i32
    %ne3A_563 = arith.cmpi ne, %sign3A_555, %sign3A_562 : i32
    %rem3A_564 = arith.remsi %add3A_546, %jit3A_547 : i32
    %ne3A_565 = arith.constant 0 : i32
    %ne3A_566 = arith.cmpi ne, %rem3A_564, %ne3A_565 : i32
    %and3A_567 = arith.andi %ne3A_563, %ne3A_566 : i1
    %sub3A_568 = arith.constant 1 : i32
    %sub3A_569 = arith.subi %div3A_548, %sub3A_568 : i32
    %select_n3A_570 = arith.select %and3A_567, %sub3A_569, %div3A_548 : i32
    %slice3A_571 = vector.extract_strided_slice %get3A_440 {offsets = [2], sizes = [1], strides = [1]} : vector<16xi32> to vector<1xi32>
    %squeeze3A_572 = vector.extract %slice3A_571[0] : i32 from vector<1xi32>
    %dma_start3A_573 = arith.constant 2 : i32
    %dma_start3A_574 = arith.constant 0 : i32
    %dma_start3A_575 = arith.constant 0 : i32
    %dma_start3A_576 = arith.constant 0 : i32
    %dma_start3A_577 = tpu.memref_slice %arg9[%dma_start3A_573, %dma_start3A_574, %dma_start3A_575, %dma_start3A_576] : memref<3x20x12x64xf32, #tpu.memory_space<vmem>> -> memref<1x20x12x64xf32, #tpu.memory_space<vmem>>
    %dma_start3A_578 = tpu.memref_squeeze %dma_start3A_577 : memref<1x20x12x64xf32, #tpu.memory_space<vmem>> -> memref<20x12x64xf32, #tpu.memory_space<vmem>>
    %dma_start3A_579 = arith.constant 0 : i32
    %dma_start3A_580 = arith.constant 0 : i32
    %dma_start3A_581 = arith.constant 0 : i32
    %dma_start3A_582 = tpu.memref_slice %arg2[%select_n3A_570, %dma_start3A_579, %dma_start3A_580, %squeeze3A_572, %dma_start3A_581] : memref<24x20x12x64x64xf32, #tpu.memory_space<hbm>> -> memref<1x20x12x1x64xf32, #tpu.memory_space<hbm>>
    %dma_start3A_583 = tpu.memref_squeeze %dma_start3A_582 : memref<1x20x12x1x64xf32, #tpu.memory_space<hbm>> -> memref<20x12x64xf32, #tpu.memory_space<hbm>>
    %dma_start3A_584 = arith.constant 0 : i32
    %dma_start3A_585 = arith.constant 0 : i32
    %dma_start3A_586 = arith.constant 0 : i32
    %dma_start3A_587 = tpu.memref_slice %arg9[%dma_start3A_573, %dma_start3A_584, %dma_start3A_585, %dma_start3A_586] : memref<3x20x12x64xf32, #tpu.memory_space<vmem>> -> memref<1x20x12x64xf32, #tpu.memory_space<vmem>>
    %dma_start3A_588 = tpu.memref_squeeze %dma_start3A_587 : memref<1x20x12x64xf32, #tpu.memory_space<vmem>> -> memref<20x12x64xf32, #tpu.memory_space<vmem>>
    %dma_start3A_589 = arith.constant 0 : i32
    %dma_start3A_590 = arith.constant 0 : i32
    %dma_start3A_591 = arith.constant 0 : i32
    %dma_start3A_592 = tpu.memref_slice %arg2[%select_n3A_570, %dma_start3A_589, %dma_start3A_590, %squeeze3A_572, %dma_start3A_591] : memref<24x20x12x64x64xf32, #tpu.memory_space<hbm>> -> memref<1x20x12x1x64xf32, #tpu.memory_space<hbm>>
    %dma_start3A_593 = tpu.memref_squeeze %dma_start3A_592 : memref<1x20x12x1x64xf32, #tpu.memory_space<hbm>> -> memref<20x12x64xf32, #tpu.memory_space<hbm>>
    tpu.enqueue_dma source(%dma_start3A_593 : memref<20x12x64xf32, #tpu.memory_space<hbm>>) target(%dma_start3A_588 : memref<20x12x64xf32, #tpu.memory_space<vmem>>) target_semaphore(%arg12 : memref<!tpu.dma_semaphore, #tpu.memory_space<semaphore_mem>>)
    %dma_wait3A_594 = arith.constant 0 : i32
    %dma_wait3A_595 = arith.constant 0 : i32
    %dma_wait3A_596 = arith.constant 0 : i32
    %dma_wait3A_597 = arith.constant 0 : i32
    %dma_wait3A_598 = tpu.memref_slice %arg9[%dma_wait3A_594, %dma_wait3A_595, %dma_wait3A_596, %dma_wait3A_597] : memref<3x20x12x64xf32, #tpu.memory_space<vmem>> -> memref<1x20x12x64xf32, #tpu.memory_space<vmem>>
    %dma_wait3A_599 = tpu.memref_squeeze %dma_wait3A_598 : memref<1x20x12x64xf32, #tpu.memory_space<vmem>> -> memref<20x12x64xf32, #tpu.memory_space<vmem>>
    %dma_wait3A_600 = arith.constant 0 : i32
    %dma_wait3A_601 = arith.constant 0 : i32
    %dma_wait3A_602 = arith.constant 0 : i32
    %dma_wait3A_603 = tpu.memref_slice %arg2[%select_n3A_468, %dma_wait3A_600, %dma_wait3A_601, %squeeze3A_470, %dma_wait3A_602] : memref<24x20x12x64x64xf32, #tpu.memory_space<hbm>> -> memref<1x20x12x1x64xf32, #tpu.memory_space<hbm>>
    %dma_wait3A_604 = tpu.memref_squeeze %dma_wait3A_603 : memref<1x20x12x1x64xf32, #tpu.memory_space<hbm>> -> memref<20x12x64xf32, #tpu.memory_space<hbm>>
    %dma_wait3A_605 = arith.constant 0 : i32
    %dma_wait3A_606 = arith.constant 0 : i32
    %dma_wait3A_607 = arith.constant 0 : i32
    %dma_wait3A_608 = tpu.memref_slice %arg9[%dma_wait3A_594, %dma_wait3A_605, %dma_wait3A_606, %dma_wait3A_607] : memref<3x20x12x64xf32, #tpu.memory_space<vmem>> -> memref<1x20x12x64xf32, #tpu.memory_space<vmem>>
    %dma_wait3A_609 = tpu.memref_squeeze %dma_wait3A_608 : memref<1x20x12x64xf32, #tpu.memory_space<vmem>> -> memref<20x12x64xf32, #tpu.memory_space<vmem>>
    %dma_wait3A_610 = arith.constant 0 : i32
    %dma_wait3A_611 = arith.constant 0 : i32
    %dma_wait3A_612 = arith.constant 0 : i32
    %dma_wait3A_613 = tpu.memref_slice %arg2[%select_n3A_468, %dma_wait3A_610, %dma_wait3A_611, %squeeze3A_470, %dma_wait3A_612] : memref<24x20x12x64x64xf32, #tpu.memory_space<hbm>> -> memref<1x20x12x1x64xf32, #tpu.memory_space<hbm>>
    %dma_wait3A_614 = tpu.memref_squeeze %dma_wait3A_613 : memref<1x20x12x1x64xf32, #tpu.memory_space<hbm>> -> memref<20x12x64xf32, #tpu.memory_space<hbm>>
    tpu.wait_dma2 semaphore(%arg12 : memref<!tpu.dma_semaphore, #tpu.memory_space<semaphore_mem>>) src(%dma_wait3A_614 : memref<20x12x64xf32, #tpu.memory_space<hbm>>) dst(%dma_wait3A_609 : memref<20x12x64xf32, #tpu.memory_space<vmem>>)
    %dma_wait3A_615 = arith.constant 1 : i32
    %dma_wait3A_616 = arith.constant 0 : i32
    %dma_wait3A_617 = arith.constant 0 : i32
    %dma_wait3A_618 = arith.constant 0 : i32
    %dma_wait3A_619 = tpu.memref_slice %arg9[%dma_wait3A_615, %dma_wait3A_616, %dma_wait3A_617, %dma_wait3A_618] : memref<3x20x12x64xf32, #tpu.memory_space<vmem>> -> memref<1x20x12x64xf32, #tpu.memory_space<vmem>>
    %dma_wait3A_620 = tpu.memref_squeeze %dma_wait3A_619 : memref<1x20x12x64xf32, #tpu.memory_space<vmem>> -> memref<20x12x64xf32, #tpu.memory_space<vmem>>
    %dma_wait3A_621 = arith.constant 0 : i32
    %dma_wait3A_622 = arith.constant 0 : i32
    %dma_wait3A_623 = arith.constant 0 : i32
    %dma_wait3A_624 = tpu.memref_slice %arg2[%select_n3A_519, %dma_wait3A_621, %dma_wait3A_622, %squeeze3A_521, %dma_wait3A_623] : memref<24x20x12x64x64xf32, #tpu.memory_space<hbm>> -> memref<1x20x12x1x64xf32, #tpu.memory_space<hbm>>
    %dma_wait3A_625 = tpu.memref_squeeze %dma_wait3A_624 : memref<1x20x12x1x64xf32, #tpu.memory_space<hbm>> -> memref<20x12x64xf32, #tpu.memory_space<hbm>>
    %dma_wait3A_626 = arith.constant 0 : i32
    %dma_wait3A_627 = arith.constant 0 : i32
    %dma_wait3A_628 = arith.constant 0 : i32
    %dma_wait3A_629 = tpu.memref_slice %arg9[%dma_wait3A_615, %dma_wait3A_626, %dma_wait3A_627, %dma_wait3A_628] : memref<3x20x12x64xf32, #tpu.memory_space<vmem>> -> memref<1x20x12x64xf32, #tpu.memory_space<vmem>>
    %dma_wait3A_630 = tpu.memref_squeeze %dma_wait3A_629 : memref<1x20x12x64xf32, #tpu.memory_space<vmem>> -> memref<20x12x64xf32, #tpu.memory_space<vmem>>
    %dma_wait3A_631 = arith.constant 0 : i32
    %dma_wait3A_632 = arith.constant 0 : i32
    %dma_wait3A_633 = arith.constant 0 : i32
    %dma_wait3A_634 = tpu.memref_slice %arg2[%select_n3A_519, %dma_wait3A_631, %dma_wait3A_632, %squeeze3A_521, %dma_wait3A_633] : memref<24x20x12x64x64xf32, #tpu.memory_space<hbm>> -> memref<1x20x12x1x64xf32, #tpu.memory_space<hbm>>
    %dma_wait3A_635 = tpu.memref_squeeze %dma_wait3A_634 : memref<1x20x12x1x64xf32, #tpu.memory_space<hbm>> -> memref<20x12x64xf32, #tpu.memory_space<hbm>>
    tpu.wait_dma2 semaphore(%arg12 : memref<!tpu.dma_semaphore, #tpu.memory_space<semaphore_mem>>) src(%dma_wait3A_635 : memref<20x12x64xf32, #tpu.memory_space<hbm>>) dst(%dma_wait3A_630 : memref<20x12x64xf32, #tpu.memory_space<vmem>>)
    %dma_wait3A_636 = arith.constant 2 : i32
    %dma_wait3A_637 = arith.constant 0 : i32
    %dma_wait3A_638 = arith.constant 0 : i32
    %dma_wait3A_639 = arith.constant 0 : i32
    %dma_wait3A_640 = tpu.memref_slice %arg9[%dma_wait3A_636, %dma_wait3A_637, %dma_wait3A_638, %dma_wait3A_639] : memref<3x20x12x64xf32, #tpu.memory_space<vmem>> -> memref<1x20x12x64xf32, #tpu.memory_space<vmem>>
    %dma_wait3A_641 = tpu.memref_squeeze %dma_wait3A_640 : memref<1x20x12x64xf32, #tpu.memory_space<vmem>> -> memref<20x12x64xf32, #tpu.memory_space<vmem>>
    %dma_wait3A_642 = arith.constant 0 : i32
    %dma_wait3A_643 = arith.constant 0 : i32
    %dma_wait3A_644 = arith.constant 0 : i32
    %dma_wait3A_645 = tpu.memref_slice %arg2[%select_n3A_570, %dma_wait3A_642, %dma_wait3A_643, %squeeze3A_572, %dma_wait3A_644] : memref<24x20x12x64x64xf32, #tpu.memory_space<hbm>> -> memref<1x20x12x1x64xf32, #tpu.memory_space<hbm>>
    %dma_wait3A_646 = tpu.memref_squeeze %dma_wait3A_645 : memref<1x20x12x1x64xf32, #tpu.memory_space<hbm>> -> memref<20x12x64xf32, #tpu.memory_space<hbm>>
    %dma_wait3A_647 = arith.constant 0 : i32
    %dma_wait3A_648 = arith.constant 0 : i32
    %dma_wait3A_649 = arith.constant 0 : i32
    %dma_wait3A_650 = tpu.memref_slice %arg9[%dma_wait3A_636, %dma_wait3A_647, %dma_wait3A_648, %dma_wait3A_649] : memref<3x20x12x64xf32, #tpu.memory_space<vmem>> -> memref<1x20x12x64xf32, #tpu.memory_space<vmem>>
    %dma_wait3A_651 = tpu.memref_squeeze %dma_wait3A_650 : memref<1x20x12x64xf32, #tpu.memory_space<vmem>> -> memref<20x12x64xf32, #tpu.memory_space<vmem>>
    %dma_wait3A_652 = arith.constant 0 : i32
    %dma_wait3A_653 = arith.constant 0 : i32
    %dma_wait3A_654 = arith.constant 0 : i32
    %dma_wait3A_655 = tpu.memref_slice %arg2[%select_n3A_570, %dma_wait3A_652, %dma_wait3A_653, %squeeze3A_572, %dma_wait3A_654] : memref<24x20x12x64x64xf32, #tpu.memory_space<hbm>> -> memref<1x20x12x1x64xf32, #tpu.memory_space<hbm>>
    %dma_wait3A_656 = tpu.memref_squeeze %dma_wait3A_655 : memref<1x20x12x1x64xf32, #tpu.memory_space<hbm>> -> memref<20x12x64xf32, #tpu.memory_space<hbm>>
    tpu.wait_dma2 semaphore(%arg12 : memref<!tpu.dma_semaphore, #tpu.memory_space<semaphore_mem>>) src(%dma_wait3A_656 : memref<20x12x64xf32, #tpu.memory_space<hbm>>) dst(%dma_wait3A_651 : memref<20x12x64xf32, #tpu.memory_space<vmem>>)
    %add3A_657 = arith.constant 6 : i32
    %add3A_658 = arith.addi %mul3A_2, %add3A_657 : i32
    "tpu.region"() ({
      %run_scoped3A = tpu.sem_alloc : memref<!tpu.dma_semaphore, #tpu.memory_space<semaphore_mem>>
      %dma_start3A_1776 = arith.constant 0 : i32
      %dma_start3A_1777 = arith.constant 0 : i32
      %dma_start3A_1778 = arith.constant 0 : i32
      %dma_start3A_1779 = tpu.memref_slice %arg6[%add3A_658, %dma_start3A_1776, %dma_start3A_1777, %dma_start3A_1778] : memref<768x20x12x64xf32, #tpu.memory_space<hbm>> -> memref<3x20x12x64xf32, #tpu.memory_space<hbm>>
      %dma_start3A_1780 = arith.constant 0 : i32
      %dma_start3A_1781 = arith.constant 0 : i32
      %dma_start3A_1782 = arith.constant 0 : i32
      %dma_start3A_1783 = tpu.memref_slice %arg6[%add3A_658, %dma_start3A_1780, %dma_start3A_1781, %dma_start3A_1782] : memref<768x20x12x64xf32, #tpu.memory_space<hbm>> -> memref<3x20x12x64xf32, #tpu.memory_space<hbm>>
      tpu.enqueue_dma source(%arg9 : memref<3x20x12x64xf32, #tpu.memory_space<vmem>>) target(%dma_start3A_1783 : memref<3x20x12x64xf32, #tpu.memory_space<hbm>>) target_semaphore(%run_scoped3A : memref<!tpu.dma_semaphore, #tpu.memory_space<semaphore_mem>>)
      %dma_wait3A_1784 = arith.constant 0 : i32
      %dma_wait3A_1785 = arith.constant 0 : i32
      %dma_wait3A_1786 = arith.constant 0 : i32
      %dma_wait3A_1787 = tpu.memref_slice %arg6[%add3A_658, %dma_wait3A_1784, %dma_wait3A_1785, %dma_wait3A_1786] : memref<768x20x12x64xf32, #tpu.memory_space<hbm>> -> memref<3x20x12x64xf32, #tpu.memory_space<hbm>>
      %dma_wait3A_1788 = arith.constant 0 : i32
      %dma_wait3A_1789 = arith.constant 0 : i32
      %dma_wait3A_1790 = arith.constant 0 : i32
      %dma_wait3A_1791 = tpu.memref_slice %arg6[%add3A_658, %dma_wait3A_1788, %dma_wait3A_1789, %dma_wait3A_1790] : memref<768x20x12x64xf32, #tpu.memory_space<hbm>> -> memref<3x20x12x64xf32, #tpu.memory_space<hbm>>
      tpu.wait_dma2 semaphore(%run_scoped3A : memref<!tpu.dma_semaphore, #tpu.memory_space<semaphore_mem>>) src(%arg9 : memref<3x20x12x64xf32, #tpu.memory_space<vmem>>) dst(%dma_wait3A_1791 : memref<3x20x12x64xf32, #tpu.memory_space<hbm>>)
      tpu.yield
    }) : () -> ()
    %get3A_659 = arith.constant 3 : i32
    %get3A_660 = arith.index_cast %get3A_659 : i32 to index
    %get3A_661 = arith.constant 0 : index
    %get3A_662 = tpu.vector_load %arg8[%get3A_660, %get3A_661] {strides = array<i32>} : memref<8x16xi32, #tpu.memory_space<vmem>>, vector<1x16xi32>,
    %get3A_663 = vector.shape_cast %get3A_662 : vector<1x16xi32> to vector<16xi32>
    %add3A_664 = arith.constant 9 : i32
    %add3A_665 = arith.addi %mul3A_2, %add3A_664 : i32
    %add3A_666 = arith.constant 0 : i32
    %add3A_667 = arith.addi %add3A_665, %add3A_666 : i32
    %jit3A_668 = arith.constant 32 : i32
    %div3A_669 = arith.divsi %add3A_667, %jit3A_668 : i32
    %sign3A_670 = arith.constant 0 : i32
    %sign3A_671 = arith.cmpi sgt, %add3A_667, %sign3A_670 : i32
    %sign3A_672 = arith.extui %sign3A_671 : i1 to i32
    %sign3A_673 = arith.constant 0 : i32
    %sign3A_674 = arith.cmpi slt, %add3A_667, %sign3A_673 : i32
    %sign3A_675 = arith.extui %sign3A_674 : i1 to i32
    %sign3A_676 = arith.subi %sign3A_672, %sign3A_675 : i32
    %sign3A_677 = arith.constant 0 : i32
    %sign3A_678 = arith.cmpi sgt, %jit3A_668, %sign3A_677 : i32
    %sign3A_679 = arith.extui %sign3A_678 : i1 to i32
    %sign3A_680 = arith.constant 0 : i32
    %sign3A_681 = arith.cmpi slt, %jit3A_668, %sign3A_680 : i32
    %sign3A_682 = arith.extui %sign3A_681 : i1 to i32
    %sign3A_683 = arith.subi %sign3A_679, %sign3A_682 : i32
    %ne3A_684 = arith.cmpi ne, %sign3A_676, %sign3A_683 : i32
    %rem3A_685 = arith.remsi %add3A_667, %jit3A_668 : i32
    %ne3A_686 = arith.constant 0 : i32
    %ne3A_687 = arith.cmpi ne, %rem3A_685, %ne3A_686 : i32
    %and3A_688 = arith.andi %ne3A_684, %ne3A_687 : i1
    %sub3A_689 = arith.constant 1 : i32
    %sub3A_690 = arith.subi %div3A_669, %sub3A_689 : i32
    %select_n3A_691 = arith.select %and3A_688, %sub3A_690, %div3A_669 : i32
    %slice3A_692 = vector.extract_strided_slice %get3A_663 {offsets = [0], sizes = [1], strides = [1]} : vector<16xi32> to vector<1xi32>
    %squeeze3A_693 = vector.extract %slice3A_692[0] : i32 from vector<1xi32>
    %dma_start3A_694 = arith.constant 0 : i32
    %dma_start3A_695 = arith.constant 0 : i32
    %dma_start3A_696 = arith.constant 0 : i32
    %dma_start3A_697 = arith.constant 0 : i32
    %dma_start3A_698 = tpu.memref_slice %arg9[%dma_start3A_694, %dma_start3A_695, %dma_start3A_696, %dma_start3A_697] : memref<3x20x12x64xf32, #tpu.memory_space<vmem>> -> memref<1x20x12x64xf32, #tpu.memory_space<vmem>>
    %dma_start3A_699 = tpu.memref_squeeze %dma_start3A_698 : memref<1x20x12x64xf32, #tpu.memory_space<vmem>> -> memref<20x12x64xf32, #tpu.memory_space<vmem>>
    %dma_start3A_700 = arith.constant 0 : i32
    %dma_start3A_701 = arith.constant 0 : i32
    %dma_start3A_702 = arith.constant 0 : i32
    %dma_start3A_703 = tpu.memref_slice %arg2[%select_n3A_691, %dma_start3A_700, %dma_start3A_701, %squeeze3A_693, %dma_start3A_702] : memref<24x20x12x64x64xf32, #tpu.memory_space<hbm>> -> memref<1x20x12x1x64xf32, #tpu.memory_space<hbm>>
    %dma_start3A_704 = tpu.memref_squeeze %dma_start3A_703 : memref<1x20x12x1x64xf32, #tpu.memory_space<hbm>> -> memref<20x12x64xf32, #tpu.memory_space<hbm>>
    %dma_start3A_705 = arith.constant 0 : i32
    %dma_start3A_706 = arith.constant 0 : i32
    %dma_start3A_707 = arith.constant 0 : i32
    %dma_start3A_708 = tpu.memref_slice %arg9[%dma_start3A_694, %dma_start3A_705, %dma_start3A_706, %dma_start3A_707] : memref<3x20x12x64xf32, #tpu.memory_space<vmem>> -> memref<1x20x12x64xf32, #tpu.memory_space<vmem>>
    %dma_start3A_709 = tpu.memref_squeeze %dma_start3A_708 : memref<1x20x12x64xf32, #tpu.memory_space<vmem>> -> memref<20x12x64xf32, #tpu.memory_space<vmem>>
    %dma_start3A_710 = arith.constant 0 : i32
    %dma_start3A_711 = arith.constant 0 : i32
    %dma_start3A_712 = arith.constant 0 : i32
    %dma_start3A_713 = tpu.memref_slice %arg2[%select_n3A_691, %dma_start3A_710, %dma_start3A_711, %squeeze3A_693, %dma_start3A_712] : memref<24x20x12x64x64xf32, #tpu.memory_space<hbm>> -> memref<1x20x12x1x64xf32, #tpu.memory_space<hbm>>
    %dma_start3A_714 = tpu.memref_squeeze %dma_start3A_713 : memref<1x20x12x1x64xf32, #tpu.memory_space<hbm>> -> memref<20x12x64xf32, #tpu.memory_space<hbm>>
    tpu.enqueue_dma source(%dma_start3A_714 : memref<20x12x64xf32, #tpu.memory_space<hbm>>) target(%dma_start3A_709 : memref<20x12x64xf32, #tpu.memory_space<vmem>>) target_semaphore(%arg12 : memref<!tpu.dma_semaphore, #tpu.memory_space<semaphore_mem>>)
    %add3A_715 = arith.constant 9 : i32
    %add3A_716 = arith.addi %mul3A_2, %add3A_715 : i32
    %add3A_717 = arith.constant 1 : i32
    %add3A_718 = arith.addi %add3A_716, %add3A_717 : i32
    %jit3A_719 = arith.constant 32 : i32
    %div3A_720 = arith.divsi %add3A_718, %jit3A_719 : i32
    %sign3A_721 = arith.constant 0 : i32
    %sign3A_722 = arith.cmpi sgt, %add3A_718, %sign3A_721 : i32
    %sign3A_723 = arith.extui %sign3A_722 : i1 to i32
    %sign3A_724 = arith.constant 0 : i32
    %sign3A_725 = arith.cmpi slt, %add3A_718, %sign3A_724 : i32
    %sign3A_726 = arith.extui %sign3A_725 : i1 to i32
    %sign3A_727 = arith.subi %sign3A_723, %sign3A_726 : i32
    %sign3A_728 = arith.constant 0 : i32
    %sign3A_729 = arith.cmpi sgt, %jit3A_719, %sign3A_728 : i32
    %sign3A_730 = arith.extui %sign3A_729 : i1 to i32
    %sign3A_731 = arith.constant 0 : i32
    %sign3A_732 = arith.cmpi slt, %jit3A_719, %sign3A_731 : i32
    %sign3A_733 = arith.extui %sign3A_732 : i1 to i32
    %sign3A_734 = arith.subi %sign3A_730, %sign3A_733 : i32
    %ne3A_735 = arith.cmpi ne, %sign3A_727, %sign3A_734 : i32
    %rem3A_736 = arith.remsi %add3A_718, %jit3A_719 : i32
    %ne3A_737 = arith.constant 0 : i32
    %ne3A_738 = arith.cmpi ne, %rem3A_736, %ne3A_737 : i32
    %and3A_739 = arith.andi %ne3A_735, %ne3A_738 : i1
    %sub3A_740 = arith.constant 1 : i32
    %sub3A_741 = arith.subi %div3A_720, %sub3A_740 : i32
    %select_n3A_742 = arith.select %and3A_739, %sub3A_741, %div3A_720 : i32
    %slice3A_743 = vector.extract_strided_slice %get3A_663 {offsets = [1], sizes = [1], strides = [1]} : vector<16xi32> to vector<1xi32>
    %squeeze3A_744 = vector.extract %slice3A_743[0] : i32 from vector<1xi32>
    %dma_start3A_745 = arith.constant 1 : i32
    %dma_start3A_746 = arith.constant 0 : i32
    %dma_start3A_747 = arith.constant 0 : i32
    %dma_start3A_748 = arith.constant 0 : i32
    %dma_start3A_749 = tpu.memref_slice %arg9[%dma_start3A_745, %dma_start3A_746, %dma_start3A_747, %dma_start3A_748] : memref<3x20x12x64xf32, #tpu.memory_space<vmem>> -> memref<1x20x12x64xf32, #tpu.memory_space<vmem>>
    %dma_start3A_750 = tpu.memref_squeeze %dma_start3A_749 : memref<1x20x12x64xf32, #tpu.memory_space<vmem>> -> memref<20x12x64xf32, #tpu.memory_space<vmem>>
    %dma_start3A_751 = arith.constant 0 : i32
    %dma_start3A_752 = arith.constant 0 : i32
    %dma_start3A_753 = arith.constant 0 : i32
    %dma_start3A_754 = tpu.memref_slice %arg2[%select_n3A_742, %dma_start3A_751, %dma_start3A_752, %squeeze3A_744, %dma_start3A_753] : memref<24x20x12x64x64xf32, #tpu.memory_space<hbm>> -> memref<1x20x12x1x64xf32, #tpu.memory_space<hbm>>
    %dma_start3A_755 = tpu.memref_squeeze %dma_start3A_754 : memref<1x20x12x1x64xf32, #tpu.memory_space<hbm>> -> memref<20x12x64xf32, #tpu.memory_space<hbm>>
    %dma_start3A_756 = arith.constant 0 : i32
    %dma_start3A_757 = arith.constant 0 : i32
    %dma_start3A_758 = arith.constant 0 : i32
    %dma_start3A_759 = tpu.memref_slice %arg9[%dma_start3A_745, %dma_start3A_756, %dma_start3A_757, %dma_start3A_758] : memref<3x20x12x64xf32, #tpu.memory_space<vmem>> -> memref<1x20x12x64xf32, #tpu.memory_space<vmem>>
    %dma_start3A_760 = tpu.memref_squeeze %dma_start3A_759 : memref<1x20x12x64xf32, #tpu.memory_space<vmem>> -> memref<20x12x64xf32, #tpu.memory_space<vmem>>
    %dma_start3A_761 = arith.constant 0 : i32
    %dma_start3A_762 = arith.constant 0 : i32
    %dma_start3A_763 = arith.constant 0 : i32
    %dma_start3A_764 = tpu.memref_slice %arg2[%select_n3A_742, %dma_start3A_761, %dma_start3A_762, %squeeze3A_744, %dma_start3A_763] : memref<24x20x12x64x64xf32, #tpu.memory_space<hbm>> -> memref<1x20x12x1x64xf32, #tpu.memory_space<hbm>>
    %dma_start3A_765 = tpu.memref_squeeze %dma_start3A_764 : memref<1x20x12x1x64xf32, #tpu.memory_space<hbm>> -> memref<20x12x64xf32, #tpu.memory_space<hbm>>
    tpu.enqueue_dma source(%dma_start3A_765 : memref<20x12x64xf32, #tpu.memory_space<hbm>>) target(%dma_start3A_760 : memref<20x12x64xf32, #tpu.memory_space<vmem>>) target_semaphore(%arg12 : memref<!tpu.dma_semaphore, #tpu.memory_space<semaphore_mem>>)
    %add3A_766 = arith.constant 9 : i32
    %add3A_767 = arith.addi %mul3A_2, %add3A_766 : i32
    %add3A_768 = arith.constant 2 : i32
    %add3A_769 = arith.addi %add3A_767, %add3A_768 : i32
    %jit3A_770 = arith.constant 32 : i32
    %div3A_771 = arith.divsi %add3A_769, %jit3A_770 : i32
    %sign3A_772 = arith.constant 0 : i32
    %sign3A_773 = arith.cmpi sgt, %add3A_769, %sign3A_772 : i32
    %sign3A_774 = arith.extui %sign3A_773 : i1 to i32
    %sign3A_775 = arith.constant 0 : i32
    %sign3A_776 = arith.cmpi slt, %add3A_769, %sign3A_775 : i32
    %sign3A_777 = arith.extui %sign3A_776 : i1 to i32
    %sign3A_778 = arith.subi %sign3A_774, %sign3A_777 : i32
    %sign3A_779 = arith.constant 0 : i32
    %sign3A_780 = arith.cmpi sgt, %jit3A_770, %sign3A_779 : i32
    %sign3A_781 = arith.extui %sign3A_780 : i1 to i32
    %sign3A_782 = arith.constant 0 : i32
    %sign3A_783 = arith.cmpi slt, %jit3A_770, %sign3A_782 : i32
    %sign3A_784 = arith.extui %sign3A_783 : i1 to i32
    %sign3A_785 = arith.subi %sign3A_781, %sign3A_784 : i32
    %ne3A_786 = arith.cmpi ne, %sign3A_778, %sign3A_785 : i32
    %rem3A_787 = arith.remsi %add3A_769, %jit3A_770 : i32
    %ne3A_788 = arith.constant 0 : i32
    %ne3A_789 = arith.cmpi ne, %rem3A_787, %ne3A_788 : i32
    %and3A_790 = arith.andi %ne3A_786, %ne3A_789 : i1
    %sub3A_791 = arith.constant 1 : i32
    %sub3A_792 = arith.subi %div3A_771, %sub3A_791 : i32
    %select_n3A_793 = arith.select %and3A_790, %sub3A_792, %div3A_771 : i32
    %slice3A_794 = vector.extract_strided_slice %get3A_663 {offsets = [2], sizes = [1], strides = [1]} : vector<16xi32> to vector<1xi32>
    %squeeze3A_795 = vector.extract %slice3A_794[0] : i32 from vector<1xi32>
    %dma_start3A_796 = arith.constant 2 : i32
    %dma_start3A_797 = arith.constant 0 : i32
    %dma_start3A_798 = arith.constant 0 : i32
    %dma_start3A_799 = arith.constant 0 : i32
    %dma_start3A_800 = tpu.memref_slice %arg9[%dma_start3A_796, %dma_start3A_797, %dma_start3A_798, %dma_start3A_799] : memref<3x20x12x64xf32, #tpu.memory_space<vmem>> -> memref<1x20x12x64xf32, #tpu.memory_space<vmem>>
    %dma_start3A_801 = tpu.memref_squeeze %dma_start3A_800 : memref<1x20x12x64xf32, #tpu.memory_space<vmem>> -> memref<20x12x64xf32, #tpu.memory_space<vmem>>
    %dma_start3A_802 = arith.constant 0 : i32
    %dma_start3A_803 = arith.constant 0 : i32
    %dma_start3A_804 = arith.constant 0 : i32
    %dma_start3A_805 = tpu.memref_slice %arg2[%select_n3A_793, %dma_start3A_802, %dma_start3A_803, %squeeze3A_795, %dma_start3A_804] : memref<24x20x12x64x64xf32, #tpu.memory_space<hbm>> -> memref<1x20x12x1x64xf32, #tpu.memory_space<hbm>>
    %dma_start3A_806 = tpu.memref_squeeze %dma_start3A_805 : memref<1x20x12x1x64xf32, #tpu.memory_space<hbm>> -> memref<20x12x64xf32, #tpu.memory_space<hbm>>
    %dma_start3A_807 = arith.constant 0 : i32
    %dma_start3A_808 = arith.constant 0 : i32
    %dma_start3A_809 = arith.constant 0 : i32
    %dma_start3A_810 = tpu.memref_slice %arg9[%dma_start3A_796, %dma_start3A_807, %dma_start3A_808, %dma_start3A_809] : memref<3x20x12x64xf32, #tpu.memory_space<vmem>> -> memref<1x20x12x64xf32, #tpu.memory_space<vmem>>
    %dma_start3A_811 = tpu.memref_squeeze %dma_start3A_810 : memref<1x20x12x64xf32, #tpu.memory_space<vmem>> -> memref<20x12x64xf32, #tpu.memory_space<vmem>>
    %dma_start3A_812 = arith.constant 0 : i32
    %dma_start3A_813 = arith.constant 0 : i32
    %dma_start3A_814 = arith.constant 0 : i32
    %dma_start3A_815 = tpu.memref_slice %arg2[%select_n3A_793, %dma_start3A_812, %dma_start3A_813, %squeeze3A_795, %dma_start3A_814] : memref<24x20x12x64x64xf32, #tpu.memory_space<hbm>> -> memref<1x20x12x1x64xf32, #tpu.memory_space<hbm>>
    %dma_start3A_816 = tpu.memref_squeeze %dma_start3A_815 : memref<1x20x12x1x64xf32, #tpu.memory_space<hbm>> -> memref<20x12x64xf32, #tpu.memory_space<hbm>>
    tpu.enqueue_dma source(%dma_start3A_816 : memref<20x12x64xf32, #tpu.memory_space<hbm>>) target(%dma_start3A_811 : memref<20x12x64xf32, #tpu.memory_space<vmem>>) target_semaphore(%arg12 : memref<!tpu.dma_semaphore, #tpu.memory_space<semaphore_mem>>)
    %dma_wait3A_817 = arith.constant 0 : i32
    %dma_wait3A_818 = arith.constant 0 : i32
    %dma_wait3A_819 = arith.constant 0 : i32
    %dma_wait3A_820 = arith.constant 0 : i32
    %dma_wait3A_821 = tpu.memref_slice %arg9[%dma_wait3A_817, %dma_wait3A_818, %dma_wait3A_819, %dma_wait3A_820] : memref<3x20x12x64xf32, #tpu.memory_space<vmem>> -> memref<1x20x12x64xf32, #tpu.memory_space<vmem>>
    %dma_wait3A_822 = tpu.memref_squeeze %dma_wait3A_821 : memref<1x20x12x64xf32, #tpu.memory_space<vmem>> -> memref<20x12x64xf32, #tpu.memory_space<vmem>>
    %dma_wait3A_823 = arith.constant 0 : i32
    %dma_wait3A_824 = arith.constant 0 : i32
    %dma_wait3A_825 = arith.constant 0 : i32
    %dma_wait3A_826 = tpu.memref_slice %arg2[%select_n3A_691, %dma_wait3A_823, %dma_wait3A_824, %squeeze3A_693, %dma_wait3A_825] : memref<24x20x12x64x64xf32, #tpu.memory_space<hbm>> -> memref<1x20x12x1x64xf32, #tpu.memory_space<hbm>>
    %dma_wait3A_827 = tpu.memref_squeeze %dma_wait3A_826 : memref<1x20x12x1x64xf32, #tpu.memory_space<hbm>> -> memref<20x12x64xf32, #tpu.memory_space<hbm>>
    %dma_wait3A_828 = arith.constant 0 : i32
    %dma_wait3A_829 = arith.constant 0 : i32
    %dma_wait3A_830 = arith.constant 0 : i32
    %dma_wait3A_831 = tpu.memref_slice %arg9[%dma_wait3A_817, %dma_wait3A_828, %dma_wait3A_829, %dma_wait3A_830] : memref<3x20x12x64xf32, #tpu.memory_space<vmem>> -> memref<1x20x12x64xf32, #tpu.memory_space<vmem>>
    %dma_wait3A_832 = tpu.memref_squeeze %dma_wait3A_831 : memref<1x20x12x64xf32, #tpu.memory_space<vmem>> -> memref<20x12x64xf32, #tpu.memory_space<vmem>>
    %dma_wait3A_833 = arith.constant 0 : i32
    %dma_wait3A_834 = arith.constant 0 : i32
    %dma_wait3A_835 = arith.constant 0 : i32
    %dma_wait3A_836 = tpu.memref_slice %arg2[%select_n3A_691, %dma_wait3A_833, %dma_wait3A_834, %squeeze3A_693, %dma_wait3A_835] : memref<24x20x12x64x64xf32, #tpu.memory_space<hbm>> -> memref<1x20x12x1x64xf32, #tpu.memory_space<hbm>>
    %dma_wait3A_837 = tpu.memref_squeeze %dma_wait3A_836 : memref<1x20x12x1x64xf32, #tpu.memory_space<hbm>> -> memref<20x12x64xf32, #tpu.memory_space<hbm>>
    tpu.wait_dma2 semaphore(%arg12 : memref<!tpu.dma_semaphore, #tpu.memory_space<semaphore_mem>>) src(%dma_wait3A_837 : memref<20x12x64xf32, #tpu.memory_space<hbm>>) dst(%dma_wait3A_832 : memref<20x12x64xf32, #tpu.memory_space<vmem>>)
    %dma_wait3A_838 = arith.constant 1 : i32
    %dma_wait3A_839 = arith.constant 0 : i32
    %dma_wait3A_840 = arith.constant 0 : i32
    %dma_wait3A_841 = arith.constant 0 : i32
    %dma_wait3A_842 = tpu.memref_slice %arg9[%dma_wait3A_838, %dma_wait3A_839, %dma_wait3A_840, %dma_wait3A_841] : memref<3x20x12x64xf32, #tpu.memory_space<vmem>> -> memref<1x20x12x64xf32, #tpu.memory_space<vmem>>
    %dma_wait3A_843 = tpu.memref_squeeze %dma_wait3A_842 : memref<1x20x12x64xf32, #tpu.memory_space<vmem>> -> memref<20x12x64xf32, #tpu.memory_space<vmem>>
    %dma_wait3A_844 = arith.constant 0 : i32
    %dma_wait3A_845 = arith.constant 0 : i32
    %dma_wait3A_846 = arith.constant 0 : i32
    %dma_wait3A_847 = tpu.memref_slice %arg2[%select_n3A_742, %dma_wait3A_844, %dma_wait3A_845, %squeeze3A_744, %dma_wait3A_846] : memref<24x20x12x64x64xf32, #tpu.memory_space<hbm>> -> memref<1x20x12x1x64xf32, #tpu.memory_space<hbm>>
    %dma_wait3A_848 = tpu.memref_squeeze %dma_wait3A_847 : memref<1x20x12x1x64xf32, #tpu.memory_space<hbm>> -> memref<20x12x64xf32, #tpu.memory_space<hbm>>
    %dma_wait3A_849 = arith.constant 0 : i32
    %dma_wait3A_850 = arith.constant 0 : i32
    %dma_wait3A_851 = arith.constant 0 : i32
    %dma_wait3A_852 = tpu.memref_slice %arg9[%dma_wait3A_838, %dma_wait3A_849, %dma_wait3A_850, %dma_wait3A_851] : memref<3x20x12x64xf32, #tpu.memory_space<vmem>> -> memref<1x20x12x64xf32, #tpu.memory_space<vmem>>
    %dma_wait3A_853 = tpu.memref_squeeze %dma_wait3A_852 : memref<1x20x12x64xf32, #tpu.memory_space<vmem>> -> memref<20x12x64xf32, #tpu.memory_space<vmem>>
    %dma_wait3A_854 = arith.constant 0 : i32
    %dma_wait3A_855 = arith.constant 0 : i32
    %dma_wait3A_856 = arith.constant 0 : i32
    %dma_wait3A_857 = tpu.memref_slice %arg2[%select_n3A_742, %dma_wait3A_854, %dma_wait3A_855, %squeeze3A_744, %dma_wait3A_856] : memref<24x20x12x64x64xf32, #tpu.memory_space<hbm>> -> memref<1x20x12x1x64xf32, #tpu.memory_space<hbm>>
    %dma_wait3A_858 = tpu.memref_squeeze %dma_wait3A_857 : memref<1x20x12x1x64xf32, #tpu.memory_space<hbm>> -> memref<20x12x64xf32, #tpu.memory_space<hbm>>
    tpu.wait_dma2 semaphore(%arg12 : memref<!tpu.dma_semaphore, #tpu.memory_space<semaphore_mem>>) src(%dma_wait3A_858 : memref<20x12x64xf32, #tpu.memory_space<hbm>>) dst(%dma_wait3A_853 : memref<20x12x64xf32, #tpu.memory_space<vmem>>)
    %dma_wait3A_859 = arith.constant 2 : i32
    %dma_wait3A_860 = arith.constant 0 : i32
    %dma_wait3A_861 = arith.constant 0 : i32
    %dma_wait3A_862 = arith.constant 0 : i32
    %dma_wait3A_863 = tpu.memref_slice %arg9[%dma_wait3A_859, %dma_wait3A_860, %dma_wait3A_861, %dma_wait3A_862] : memref<3x20x12x64xf32, #tpu.memory_space<vmem>> -> memref<1x20x12x64xf32, #tpu.memory_space<vmem>>
    %dma_wait3A_864 = tpu.memref_squeeze %dma_wait3A_863 : memref<1x20x12x64xf32, #tpu.memory_space<vmem>> -> memref<20x12x64xf32, #tpu.memory_space<vmem>>
    %dma_wait3A_865 = arith.constant 0 : i32
    %dma_wait3A_866 = arith.constant 0 : i32
    %dma_wait3A_867 = arith.constant 0 : i32
    %dma_wait3A_868 = tpu.memref_slice %arg2[%select_n3A_793, %dma_wait3A_865, %dma_wait3A_866, %squeeze3A_795, %dma_wait3A_867] : memref<24x20x12x64x64xf32, #tpu.memory_space<hbm>> -> memref<1x20x12x1x64xf32, #tpu.memory_space<hbm>>
    %dma_wait3A_869 = tpu.memref_squeeze %dma_wait3A_868 : memref<1x20x12x1x64xf32, #tpu.memory_space<hbm>> -> memref<20x12x64xf32, #tpu.memory_space<hbm>>
    %dma_wait3A_870 = arith.constant 0 : i32
    %dma_wait3A_871 = arith.constant 0 : i32
    %dma_wait3A_872 = arith.constant 0 : i32
    %dma_wait3A_873 = tpu.memref_slice %arg9[%dma_wait3A_859, %dma_wait3A_870, %dma_wait3A_871, %dma_wait3A_872] : memref<3x20x12x64xf32, #tpu.memory_space<vmem>> -> memref<1x20x12x64xf32, #tpu.memory_space<vmem>>
    %dma_wait3A_874 = tpu.memref_squeeze %dma_wait3A_873 : memref<1x20x12x64xf32, #tpu.memory_space<vmem>> -> memref<20x12x64xf32, #tpu.memory_space<vmem>>
    %dma_wait3A_875 = arith.constant 0 : i32
    %dma_wait3A_876 = arith.constant 0 : i32
    %dma_wait3A_877 = arith.constant 0 : i32
    %dma_wait3A_878 = tpu.memref_slice %arg2[%select_n3A_793, %dma_wait3A_875, %dma_wait3A_876, %squeeze3A_795, %dma_wait3A_877] : memref<24x20x12x64x64xf32, #tpu.memory_space<hbm>> -> memref<1x20x12x1x64xf32, #tpu.memory_space<hbm>>
    %dma_wait3A_879 = tpu.memref_squeeze %dma_wait3A_878 : memref<1x20x12x1x64xf32, #tpu.memory_space<hbm>> -> memref<20x12x64xf32, #tpu.memory_space<hbm>>
    tpu.wait_dma2 semaphore(%arg12 : memref<!tpu.dma_semaphore, #tpu.memory_space<semaphore_mem>>) src(%dma_wait3A_879 : memref<20x12x64xf32, #tpu.memory_space<hbm>>) dst(%dma_wait3A_874 : memref<20x12x64xf32, #tpu.memory_space<vmem>>)
    %add3A_880 = arith.constant 9 : i32
    %add3A_881 = arith.addi %mul3A_2, %add3A_880 : i32
    "tpu.region"() ({
      %run_scoped3A = tpu.sem_alloc : memref<!tpu.dma_semaphore, #tpu.memory_space<semaphore_mem>>
      %dma_start3A_1776 = arith.constant 0 : i32
      %dma_start3A_1777 = arith.constant 0 : i32
      %dma_start3A_1778 = arith.constant 0 : i32
      %dma_start3A_1779 = tpu.memref_slice %arg6[%add3A_881, %dma_start3A_1776, %dma_start3A_1777, %dma_start3A_1778] : memref<768x20x12x64xf32, #tpu.memory_space<hbm>> -> memref<3x20x12x64xf32, #tpu.memory_space<hbm>>
      %dma_start3A_1780 = arith.constant 0 : i32
      %dma_start3A_1781 = arith.constant 0 : i32
      %dma_start3A_1782 = arith.constant 0 : i32
      %dma_start3A_1783 = tpu.memref_slice %arg6[%add3A_881, %dma_start3A_1780, %dma_start3A_1781, %dma_start3A_1782] : memref<768x20x12x64xf32, #tpu.memory_space<hbm>> -> memref<3x20x12x64xf32, #tpu.memory_space<hbm>>
      tpu.enqueue_dma source(%arg9 : memref<3x20x12x64xf32, #tpu.memory_space<vmem>>) target(%dma_start3A_1783 : memref<3x20x12x64xf32, #tpu.memory_space<hbm>>) target_semaphore(%run_scoped3A : memref<!tpu.dma_semaphore, #tpu.memory_space<semaphore_mem>>)
      %dma_wait3A_1784 = arith.constant 0 : i32
      %dma_wait3A_1785 = arith.constant 0 : i32
      %dma_wait3A_1786 = arith.constant 0 : i32
      %dma_wait3A_1787 = tpu.memref_slice %arg6[%add3A_881, %dma_wait3A_1784, %dma_wait3A_1785, %dma_wait3A_1786] : memref<768x20x12x64xf32, #tpu.memory_space<hbm>> -> memref<3x20x12x64xf32, #tpu.memory_space<hbm>>
      %dma_wait3A_1788 = arith.constant 0 : i32
      %dma_wait3A_1789 = arith.constant 0 : i32
      %dma_wait3A_1790 = arith.constant 0 : i32
      %dma_wait3A_1791 = tpu.memref_slice %arg6[%add3A_881, %dma_wait3A_1788, %dma_wait3A_1789, %dma_wait3A_1790] : memref<768x20x12x64xf32, #tpu.memory_space<hbm>> -> memref<3x20x12x64xf32, #tpu.memory_space<hbm>>
      tpu.wait_dma2 semaphore(%run_scoped3A : memref<!tpu.dma_semaphore, #tpu.memory_space<semaphore_mem>>) src(%arg9 : memref<3x20x12x64xf32, #tpu.memory_space<vmem>>) dst(%dma_wait3A_1791 : memref<3x20x12x64xf32, #tpu.memory_space<hbm>>)
      tpu.yield
    }) : () -> ()
    %get3A_882 = arith.constant 4 : i32
    %get3A_883 = arith.index_cast %get3A_882 : i32 to index
    %get3A_884 = arith.constant 0 : index
    %get3A_885 = tpu.vector_load %arg8[%get3A_883, %get3A_884] {strides = array<i32>} : memref<8x16xi32, #tpu.memory_space<vmem>>, vector<1x16xi32>,
    %get3A_886 = vector.shape_cast %get3A_885 : vector<1x16xi32> to vector<16xi32>
    %add3A_887 = arith.constant 12 : i32
    %add3A_888 = arith.addi %mul3A_2, %add3A_887 : i32
    %add3A_889 = arith.constant 0 : i32
    %add3A_890 = arith.addi %add3A_888, %add3A_889 : i32
    %jit3A_891 = arith.constant 32 : i32
    %div3A_892 = arith.divsi %add3A_890, %jit3A_891 : i32
    %sign3A_893 = arith.constant 0 : i32
    %sign3A_894 = arith.cmpi sgt, %add3A_890, %sign3A_893 : i32
    %sign3A_895 = arith.extui %sign3A_894 : i1 to i32
    %sign3A_896 = arith.constant 0 : i32
    %sign3A_897 = arith.cmpi slt, %add3A_890, %sign3A_896 : i32
    %sign3A_898 = arith.extui %sign3A_897 : i1 to i32
    %sign3A_899 = arith.subi %sign3A_895, %sign3A_898 : i32
    %sign3A_900 = arith.constant 0 : i32
    %sign3A_901 = arith.cmpi sgt, %jit3A_891, %sign3A_900 : i32
    %sign3A_902 = arith.extui %sign3A_901 : i1 to i32
    %sign3A_903 = arith.constant 0 : i32
    %sign3A_904 = arith.cmpi slt, %jit3A_891, %sign3A_903 : i32
    %sign3A_905 = arith.extui %sign3A_904 : i1 to i32
    %sign3A_906 = arith.subi %sign3A_902, %sign3A_905 : i32
    %ne3A_907 = arith.cmpi ne, %sign3A_899, %sign3A_906 : i32
    %rem3A_908 = arith.remsi %add3A_890, %jit3A_891 : i32
    %ne3A_909 = arith.constant 0 : i32
    %ne3A_910 = arith.cmpi ne, %rem3A_908, %ne3A_909 : i32
    %and3A_911 = arith.andi %ne3A_907, %ne3A_910 : i1
    %sub3A_912 = arith.constant 1 : i32
    %sub3A_913 = arith.subi %div3A_892, %sub3A_912 : i32
    %select_n3A_914 = arith.select %and3A_911, %sub3A_913, %div3A_892 : i32
    %slice3A_915 = vector.extract_strided_slice %get3A_886 {offsets = [0], sizes = [1], strides = [1]} : vector<16xi32> to vector<1xi32>
    %squeeze3A_916 = vector.extract %slice3A_915[0] : i32 from vector<1xi32>
    %dma_start3A_917 = arith.constant 0 : i32
    %dma_start3A_918 = arith.constant 0 : i32
    %dma_start3A_919 = arith.constant 0 : i32
    %dma_start3A_920 = arith.constant 0 : i32
    %dma_start3A_921 = tpu.memref_slice %arg9[%dma_start3A_917, %dma_start3A_918, %dma_start3A_919, %dma_start3A_920] : memref<3x20x12x64xf32, #tpu.memory_space<vmem>> -> memref<1x20x12x64xf32, #tpu.memory_space<vmem>>
    %dma_start3A_922 = tpu.memref_squeeze %dma_start3A_921 : memref<1x20x12x64xf32, #tpu.memory_space<vmem>> -> memref<20x12x64xf32, #tpu.memory_space<vmem>>
    %dma_start3A_923 = arith.constant 0 : i32
    %dma_start3A_924 = arith.constant 0 : i32
    %dma_start3A_925 = arith.constant 0 : i32
    %dma_start3A_926 = tpu.memref_slice %arg2[%select_n3A_914, %dma_start3A_923, %dma_start3A_924, %squeeze3A_916, %dma_start3A_925] : memref<24x20x12x64x64xf32, #tpu.memory_space<hbm>> -> memref<1x20x12x1x64xf32, #tpu.memory_space<hbm>>
    %dma_start3A_927 = tpu.memref_squeeze %dma_start3A_926 : memref<1x20x12x1x64xf32, #tpu.memory_space<hbm>> -> memref<20x12x64xf32, #tpu.memory_space<hbm>>
    %dma_start3A_928 = arith.constant 0 : i32
    %dma_start3A_929 = arith.constant 0 : i32
    %dma_start3A_930 = arith.constant 0 : i32
    %dma_start3A_931 = tpu.memref_slice %arg9[%dma_start3A_917, %dma_start3A_928, %dma_start3A_929, %dma_start3A_930] : memref<3x20x12x64xf32, #tpu.memory_space<vmem>> -> memref<1x20x12x64xf32, #tpu.memory_space<vmem>>
    %dma_start3A_932 = tpu.memref_squeeze %dma_start3A_931 : memref<1x20x12x64xf32, #tpu.memory_space<vmem>> -> memref<20x12x64xf32, #tpu.memory_space<vmem>>
    %dma_start3A_933 = arith.constant 0 : i32
    %dma_start3A_934 = arith.constant 0 : i32
    %dma_start3A_935 = arith.constant 0 : i32
    %dma_start3A_936 = tpu.memref_slice %arg2[%select_n3A_914, %dma_start3A_933, %dma_start3A_934, %squeeze3A_916, %dma_start3A_935] : memref<24x20x12x64x64xf32, #tpu.memory_space<hbm>> -> memref<1x20x12x1x64xf32, #tpu.memory_space<hbm>>
    %dma_start3A_937 = tpu.memref_squeeze %dma_start3A_936 : memref<1x20x12x1x64xf32, #tpu.memory_space<hbm>> -> memref<20x12x64xf32, #tpu.memory_space<hbm>>
    tpu.enqueue_dma source(%dma_start3A_937 : memref<20x12x64xf32, #tpu.memory_space<hbm>>) target(%dma_start3A_932 : memref<20x12x64xf32, #tpu.memory_space<vmem>>) target_semaphore(%arg12 : memref<!tpu.dma_semaphore, #tpu.memory_space<semaphore_mem>>)
    %add3A_938 = arith.constant 12 : i32
    %add3A_939 = arith.addi %mul3A_2, %add3A_938 : i32
    %add3A_940 = arith.constant 1 : i32
    %add3A_941 = arith.addi %add3A_939, %add3A_940 : i32
    %jit3A_942 = arith.constant 32 : i32
    %div3A_943 = arith.divsi %add3A_941, %jit3A_942 : i32
    %sign3A_944 = arith.constant 0 : i32
    %sign3A_945 = arith.cmpi sgt, %add3A_941, %sign3A_944 : i32
    %sign3A_946 = arith.extui %sign3A_945 : i1 to i32
    %sign3A_947 = arith.constant 0 : i32
    %sign3A_948 = arith.cmpi slt, %add3A_941, %sign3A_947 : i32
    %sign3A_949 = arith.extui %sign3A_948 : i1 to i32
    %sign3A_950 = arith.subi %sign3A_946, %sign3A_949 : i32
    %sign3A_951 = arith.constant 0 : i32
    %sign3A_952 = arith.cmpi sgt, %jit3A_942, %sign3A_951 : i32
    %sign3A_953 = arith.extui %sign3A_952 : i1 to i32
    %sign3A_954 = arith.constant 0 : i32
    %sign3A_955 = arith.cmpi slt, %jit3A_942, %sign3A_954 : i32
    %sign3A_956 = arith.extui %sign3A_955 : i1 to i32
    %sign3A_957 = arith.subi %sign3A_953, %sign3A_956 : i32
    %ne3A_958 = arith.cmpi ne, %sign3A_950, %sign3A_957 : i32
    %rem3A_959 = arith.remsi %add3A_941, %jit3A_942 : i32
    %ne3A_960 = arith.constant 0 : i32
    %ne3A_961 = arith.cmpi ne, %rem3A_959, %ne3A_960 : i32
    %and3A_962 = arith.andi %ne3A_958, %ne3A_961 : i1
    %sub3A_963 = arith.constant 1 : i32
    %sub3A_964 = arith.subi %div3A_943, %sub3A_963 : i32
    %select_n3A_965 = arith.select %and3A_962, %sub3A_964, %div3A_943 : i32
    %slice3A_966 = vector.extract_strided_slice %get3A_886 {offsets = [1], sizes = [1], strides = [1]} : vector<16xi32> to vector<1xi32>
    %squeeze3A_967 = vector.extract %slice3A_966[0] : i32 from vector<1xi32>
    %dma_start3A_968 = arith.constant 1 : i32
    %dma_start3A_969 = arith.constant 0 : i32
    %dma_start3A_970 = arith.constant 0 : i32
    %dma_start3A_971 = arith.constant 0 : i32
    %dma_start3A_972 = tpu.memref_slice %arg9[%dma_start3A_968, %dma_start3A_969, %dma_start3A_970, %dma_start3A_971] : memref<3x20x12x64xf32, #tpu.memory_space<vmem>> -> memref<1x20x12x64xf32, #tpu.memory_space<vmem>>
    %dma_start3A_973 = tpu.memref_squeeze %dma_start3A_972 : memref<1x20x12x64xf32, #tpu.memory_space<vmem>> -> memref<20x12x64xf32, #tpu.memory_space<vmem>>
    %dma_start3A_974 = arith.constant 0 : i32
    %dma_start3A_975 = arith.constant 0 : i32
    %dma_start3A_976 = arith.constant 0 : i32
    %dma_start3A_977 = tpu.memref_slice %arg2[%select_n3A_965, %dma_start3A_974, %dma_start3A_975, %squeeze3A_967, %dma_start3A_976] : memref<24x20x12x64x64xf32, #tpu.memory_space<hbm>> -> memref<1x20x12x1x64xf32, #tpu.memory_space<hbm>>
    %dma_start3A_978 = tpu.memref_squeeze %dma_start3A_977 : memref<1x20x12x1x64xf32, #tpu.memory_space<hbm>> -> memref<20x12x64xf32, #tpu.memory_space<hbm>>
    %dma_start3A_979 = arith.constant 0 : i32
    %dma_start3A_980 = arith.constant 0 : i32
    %dma_start3A_981 = arith.constant 0 : i32
    %dma_start3A_982 = tpu.memref_slice %arg9[%dma_start3A_968, %dma_start3A_979, %dma_start3A_980, %dma_start3A_981] : memref<3x20x12x64xf32, #tpu.memory_space<vmem>> -> memref<1x20x12x64xf32, #tpu.memory_space<vmem>>
    %dma_start3A_983 = tpu.memref_squeeze %dma_start3A_982 : memref<1x20x12x64xf32, #tpu.memory_space<vmem>> -> memref<20x12x64xf32, #tpu.memory_space<vmem>>
    %dma_start3A_984 = arith.constant 0 : i32
    %dma_start3A_985 = arith.constant 0 : i32
    %dma_start3A_986 = arith.constant 0 : i32
    %dma_start3A_987 = tpu.memref_slice %arg2[%select_n3A_965, %dma_start3A_984, %dma_start3A_985, %squeeze3A_967, %dma_start3A_986] : memref<24x20x12x64x64xf32, #tpu.memory_space<hbm>> -> memref<1x20x12x1x64xf32, #tpu.memory_space<hbm>>
    %dma_start3A_988 = tpu.memref_squeeze %dma_start3A_987 : memref<1x20x12x1x64xf32, #tpu.memory_space<hbm>> -> memref<20x12x64xf32, #tpu.memory_space<hbm>>
    tpu.enqueue_dma source(%dma_start3A_988 : memref<20x12x64xf32, #tpu.memory_space<hbm>>) target(%dma_start3A_983 : memref<20x12x64xf32, #tpu.memory_space<vmem>>) target_semaphore(%arg12 : memref<!tpu.dma_semaphore, #tpu.memory_space<semaphore_mem>>)
    %add3A_989 = arith.constant 12 : i32
    %add3A_990 = arith.addi %mul3A_2, %add3A_989 : i32
    %add3A_991 = arith.constant 2 : i32
    %add3A_992 = arith.addi %add3A_990, %add3A_991 : i32
    %jit3A_993 = arith.constant 32 : i32
    %div3A_994 = arith.divsi %add3A_992, %jit3A_993 : i32
    %sign3A_995 = arith.constant 0 : i32
    %sign3A_996 = arith.cmpi sgt, %add3A_992, %sign3A_995 : i32
    %sign3A_997 = arith.extui %sign3A_996 : i1 to i32
    %sign3A_998 = arith.constant 0 : i32
    %sign3A_999 = arith.cmpi slt, %add3A_992, %sign3A_998 : i32
    %sign3A_1000 = arith.extui %sign3A_999 : i1 to i32
    %sign3A_1001 = arith.subi %sign3A_997, %sign3A_1000 : i32
    %sign3A_1002 = arith.constant 0 : i32
    %sign3A_1003 = arith.cmpi sgt, %jit3A_993, %sign3A_1002 : i32
    %sign3A_1004 = arith.extui %sign3A_1003 : i1 to i32
    %sign3A_1005 = arith.constant 0 : i32
    %sign3A_1006 = arith.cmpi slt, %jit3A_993, %sign3A_1005 : i32
    %sign3A_1007 = arith.extui %sign3A_1006 : i1 to i32
    %sign3A_1008 = arith.subi %sign3A_1004, %sign3A_1007 : i32
    %ne3A_1009 = arith.cmpi ne, %sign3A_1001, %sign3A_1008 : i32
    %rem3A_1010 = arith.remsi %add3A_992, %jit3A_993 : i32
    %ne3A_1011 = arith.constant 0 : i32
    %ne3A_1012 = arith.cmpi ne, %rem3A_1010, %ne3A_1011 : i32
    %and3A_1013 = arith.andi %ne3A_1009, %ne3A_1012 : i1
    %sub3A_1014 = arith.constant 1 : i32
    %sub3A_1015 = arith.subi %div3A_994, %sub3A_1014 : i32
    %select_n3A_1016 = arith.select %and3A_1013, %sub3A_1015, %div3A_994 : i32
    %slice3A_1017 = vector.extract_strided_slice %get3A_886 {offsets = [2], sizes = [1], strides = [1]} : vector<16xi32> to vector<1xi32>
    %squeeze3A_1018 = vector.extract %slice3A_1017[0] : i32 from vector<1xi32>
    %dma_start3A_1019 = arith.constant 2 : i32
    %dma_start3A_1020 = arith.constant 0 : i32
    %dma_start3A_1021 = arith.constant 0 : i32
    %dma_start3A_1022 = arith.constant 0 : i32
    %dma_start3A_1023 = tpu.memref_slice %arg9[%dma_start3A_1019, %dma_start3A_1020, %dma_start3A_1021, %dma_start3A_1022] : memref<3x20x12x64xf32, #tpu.memory_space<vmem>> -> memref<1x20x12x64xf32, #tpu.memory_space<vmem>>
    %dma_start3A_1024 = tpu.memref_squeeze %dma_start3A_1023 : memref<1x20x12x64xf32, #tpu.memory_space<vmem>> -> memref<20x12x64xf32, #tpu.memory_space<vmem>>
    %dma_start3A_1025 = arith.constant 0 : i32
    %dma_start3A_1026 = arith.constant 0 : i32
    %dma_start3A_1027 = arith.constant 0 : i32
    %dma_start3A_1028 = tpu.memref_slice %arg2[%select_n3A_1016, %dma_start3A_1025, %dma_start3A_1026, %squeeze3A_1018, %dma_start3A_1027] : memref<24x20x12x64x64xf32, #tpu.memory_space<hbm>> -> memref<1x20x12x1x64xf32, #tpu.memory_space<hbm>>
    %dma_start3A_1029 = tpu.memref_squeeze %dma_start3A_1028 : memref<1x20x12x1x64xf32, #tpu.memory_space<hbm>> -> memref<20x12x64xf32, #tpu.memory_space<hbm>>
    %dma_start3A_1030 = arith.constant 0 : i32
    %dma_start3A_1031 = arith.constant 0 : i32
    %dma_start3A_1032 = arith.constant 0 : i32
    %dma_start3A_1033 = tpu.memref_slice %arg9[%dma_start3A_1019, %dma_start3A_1030, %dma_start3A_1031, %dma_start3A_1032] : memref<3x20x12x64xf32, #tpu.memory_space<vmem>> -> memref<1x20x12x64xf32, #tpu.memory_space<vmem>>
    %dma_start3A_1034 = tpu.memref_squeeze %dma_start3A_1033 : memref<1x20x12x64xf32, #tpu.memory_space<vmem>> -> memref<20x12x64xf32, #tpu.memory_space<vmem>>
    %dma_start3A_1035 = arith.constant 0 : i32
    %dma_start3A_1036 = arith.constant 0 : i32
    %dma_start3A_1037 = arith.constant 0 : i32
    %dma_start3A_1038 = tpu.memref_slice %arg2[%select_n3A_1016, %dma_start3A_1035, %dma_start3A_1036, %squeeze3A_1018, %dma_start3A_1037] : memref<24x20x12x64x64xf32, #tpu.memory_space<hbm>> -> memref<1x20x12x1x64xf32, #tpu.memory_space<hbm>>
    %dma_start3A_1039 = tpu.memref_squeeze %dma_start3A_1038 : memref<1x20x12x1x64xf32, #tpu.memory_space<hbm>> -> memref<20x12x64xf32, #tpu.memory_space<hbm>>
    tpu.enqueue_dma source(%dma_start3A_1039 : memref<20x12x64xf32, #tpu.memory_space<hbm>>) target(%dma_start3A_1034 : memref<20x12x64xf32, #tpu.memory_space<vmem>>) target_semaphore(%arg12 : memref<!tpu.dma_semaphore, #tpu.memory_space<semaphore_mem>>)
    %dma_wait3A_1040 = arith.constant 0 : i32
    %dma_wait3A_1041 = arith.constant 0 : i32
    %dma_wait3A_1042 = arith.constant 0 : i32
    %dma_wait3A_1043 = arith.constant 0 : i32
    %dma_wait3A_1044 = tpu.memref_slice %arg9[%dma_wait3A_1040, %dma_wait3A_1041, %dma_wait3A_1042, %dma_wait3A_1043] : memref<3x20x12x64xf32, #tpu.memory_space<vmem>> -> memref<1x20x12x64xf32, #tpu.memory_space<vmem>>
    %dma_wait3A_1045 = tpu.memref_squeeze %dma_wait3A_1044 : memref<1x20x12x64xf32, #tpu.memory_space<vmem>> -> memref<20x12x64xf32, #tpu.memory_space<vmem>>
    %dma_wait3A_1046 = arith.constant 0 : i32
    %dma_wait3A_1047 = arith.constant 0 : i32
    %dma_wait3A_1048 = arith.constant 0 : i32
    %dma_wait3A_1049 = tpu.memref_slice %arg2[%select_n3A_914, %dma_wait3A_1046, %dma_wait3A_1047, %squeeze3A_916, %dma_wait3A_1048] : memref<24x20x12x64x64xf32, #tpu.memory_space<hbm>> -> memref<1x20x12x1x64xf32, #tpu.memory_space<hbm>>
    %dma_wait3A_1050 = tpu.memref_squeeze %dma_wait3A_1049 : memref<1x20x12x1x64xf32, #tpu.memory_space<hbm>> -> memref<20x12x64xf32, #tpu.memory_space<hbm>>
    %dma_wait3A_1051 = arith.constant 0 : i32
    %dma_wait3A_1052 = arith.constant 0 : i32
    %dma_wait3A_1053 = arith.constant 0 : i32
    %dma_wait3A_1054 = tpu.memref_slice %arg9[%dma_wait3A_1040, %dma_wait3A_1051, %dma_wait3A_1052, %dma_wait3A_1053] : memref<3x20x12x64xf32, #tpu.memory_space<vmem>> -> memref<1x20x12x64xf32, #tpu.memory_space<vmem>>
    %dma_wait3A_1055 = tpu.memref_squeeze %dma_wait3A_1054 : memref<1x20x12x64xf32, #tpu.memory_space<vmem>> -> memref<20x12x64xf32, #tpu.memory_space<vmem>>
    %dma_wait3A_1056 = arith.constant 0 : i32
    %dma_wait3A_1057 = arith.constant 0 : i32
    %dma_wait3A_1058 = arith.constant 0 : i32
    %dma_wait3A_1059 = tpu.memref_slice %arg2[%select_n3A_914, %dma_wait3A_1056, %dma_wait3A_1057, %squeeze3A_916, %dma_wait3A_1058] : memref<24x20x12x64x64xf32, #tpu.memory_space<hbm>> -> memref<1x20x12x1x64xf32, #tpu.memory_space<hbm>>
    %dma_wait3A_1060 = tpu.memref_squeeze %dma_wait3A_1059 : memref<1x20x12x1x64xf32, #tpu.memory_space<hbm>> -> memref<20x12x64xf32, #tpu.memory_space<hbm>>
    tpu.wait_dma2 semaphore(%arg12 : memref<!tpu.dma_semaphore, #tpu.memory_space<semaphore_mem>>) src(%dma_wait3A_1060 : memref<20x12x64xf32, #tpu.memory_space<hbm>>) dst(%dma_wait3A_1055 : memref<20x12x64xf32, #tpu.memory_space<vmem>>)
    %dma_wait3A_1061 = arith.constant 1 : i32
    %dma_wait3A_1062 = arith.constant 0 : i32
    %dma_wait3A_1063 = arith.constant 0 : i32
    %dma_wait3A_1064 = arith.constant 0 : i32
    %dma_wait3A_1065 = tpu.memref_slice %arg9[%dma_wait3A_1061, %dma_wait3A_1062, %dma_wait3A_1063, %dma_wait3A_1064] : memref<3x20x12x64xf32, #tpu.memory_space<vmem>> -> memref<1x20x12x64xf32, #tpu.memory_space<vmem>>
    %dma_wait3A_1066 = tpu.memref_squeeze %dma_wait3A_1065 : memref<1x20x12x64xf32, #tpu.memory_space<vmem>> -> memref<20x12x64xf32, #tpu.memory_space<vmem>>
    %dma_wait3A_1067 = arith.constant 0 : i32
    %dma_wait3A_1068 = arith.constant 0 : i32
    %dma_wait3A_1069 = arith.constant 0 : i32
    %dma_wait3A_1070 = tpu.memref_slice %arg2[%select_n3A_965, %dma_wait3A_1067, %dma_wait3A_1068, %squeeze3A_967, %dma_wait3A_1069] : memref<24x20x12x64x64xf32, #tpu.memory_space<hbm>> -> memref<1x20x12x1x64xf32, #tpu.memory_space<hbm>>
    %dma_wait3A_1071 = tpu.memref_squeeze %dma_wait3A_1070 : memref<1x20x12x1x64xf32, #tpu.memory_space<hbm>> -> memref<20x12x64xf32, #tpu.memory_space<hbm>>
    %dma_wait3A_1072 = arith.constant 0 : i32
    %dma_wait3A_1073 = arith.constant 0 : i32
    %dma_wait3A_1074 = arith.constant 0 : i32
    %dma_wait3A_1075 = tpu.memref_slice %arg9[%dma_wait3A_1061, %dma_wait3A_1072, %dma_wait3A_1073, %dma_wait3A_1074] : memref<3x20x12x64xf32, #tpu.memory_space<vmem>> -> memref<1x20x12x64xf32, #tpu.memory_space<vmem>>
    %dma_wait3A_1076 = tpu.memref_squeeze %dma_wait3A_1075 : memref<1x20x12x64xf32, #tpu.memory_space<vmem>> -> memref<20x12x64xf32, #tpu.memory_space<vmem>>
    %dma_wait3A_1077 = arith.constant 0 : i32
    %dma_wait3A_1078 = arith.constant 0 : i32
    %dma_wait3A_1079 = arith.constant 0 : i32
    %dma_wait3A_1080 = tpu.memref_slice %arg2[%select_n3A_965, %dma_wait3A_1077, %dma_wait3A_1078, %squeeze3A_967, %dma_wait3A_1079] : memref<24x20x12x64x64xf32, #tpu.memory_space<hbm>> -> memref<1x20x12x1x64xf32, #tpu.memory_space<hbm>>
    %dma_wait3A_1081 = tpu.memref_squeeze %dma_wait3A_1080 : memref<1x20x12x1x64xf32, #tpu.memory_space<hbm>> -> memref<20x12x64xf32, #tpu.memory_space<hbm>>
    tpu.wait_dma2 semaphore(%arg12 : memref<!tpu.dma_semaphore, #tpu.memory_space<semaphore_mem>>) src(%dma_wait3A_1081 : memref<20x12x64xf32, #tpu.memory_space<hbm>>) dst(%dma_wait3A_1076 : memref<20x12x64xf32, #tpu.memory_space<vmem>>)
    %dma_wait3A_1082 = arith.constant 2 : i32
    %dma_wait3A_1083 = arith.constant 0 : i32
    %dma_wait3A_1084 = arith.constant 0 : i32
    %dma_wait3A_1085 = arith.constant 0 : i32
    %dma_wait3A_1086 = tpu.memref_slice %arg9[%dma_wait3A_1082, %dma_wait3A_1083, %dma_wait3A_1084, %dma_wait3A_1085] : memref<3x20x12x64xf32, #tpu.memory_space<vmem>> -> memref<1x20x12x64xf32, #tpu.memory_space<vmem>>
    %dma_wait3A_1087 = tpu.memref_squeeze %dma_wait3A_1086 : memref<1x20x12x64xf32, #tpu.memory_space<vmem>> -> memref<20x12x64xf32, #tpu.memory_space<vmem>>
    %dma_wait3A_1088 = arith.constant 0 : i32
    %dma_wait3A_1089 = arith.constant 0 : i32
    %dma_wait3A_1090 = arith.constant 0 : i32
    %dma_wait3A_1091 = tpu.memref_slice %arg2[%select_n3A_1016, %dma_wait3A_1088, %dma_wait3A_1089, %squeeze3A_1018, %dma_wait3A_1090] : memref<24x20x12x64x64xf32, #tpu.memory_space<hbm>> -> memref<1x20x12x1x64xf32, #tpu.memory_space<hbm>>
    %dma_wait3A_1092 = tpu.memref_squeeze %dma_wait3A_1091 : memref<1x20x12x1x64xf32, #tpu.memory_space<hbm>> -> memref<20x12x64xf32, #tpu.memory_space<hbm>>
    %dma_wait3A_1093 = arith.constant 0 : i32
    %dma_wait3A_1094 = arith.constant 0 : i32
    %dma_wait3A_1095 = arith.constant 0 : i32
    %dma_wait3A_1096 = tpu.memref_slice %arg9[%dma_wait3A_1082, %dma_wait3A_1093, %dma_wait3A_1094, %dma_wait3A_1095] : memref<3x20x12x64xf32, #tpu.memory_space<vmem>> -> memref<1x20x12x64xf32, #tpu.memory_space<vmem>>
    %dma_wait3A_1097 = tpu.memref_squeeze %dma_wait3A_1096 : memref<1x20x12x64xf32, #tpu.memory_space<vmem>> -> memref<20x12x64xf32, #tpu.memory_space<vmem>>
    %dma_wait3A_1098 = arith.constant 0 : i32
    %dma_wait3A_1099 = arith.constant 0 : i32
    %dma_wait3A_1100 = arith.constant 0 : i32
    %dma_wait3A_1101 = tpu.memref_slice %arg2[%select_n3A_1016, %dma_wait3A_1098, %dma_wait3A_1099, %squeeze3A_1018, %dma_wait3A_1100] : memref<24x20x12x64x64xf32, #tpu.memory_space<hbm>> -> memref<1x20x12x1x64xf32, #tpu.memory_space<hbm>>
    %dma_wait3A_1102 = tpu.memref_squeeze %dma_wait3A_1101 : memref<1x20x12x1x64xf32, #tpu.memory_space<hbm>> -> memref<20x12x64xf32, #tpu.memory_space<hbm>>
    tpu.wait_dma2 semaphore(%arg12 : memref<!tpu.dma_semaphore, #tpu.memory_space<semaphore_mem>>) src(%dma_wait3A_1102 : memref<20x12x64xf32, #tpu.memory_space<hbm>>) dst(%dma_wait3A_1097 : memref<20x12x64xf32, #tpu.memory_space<vmem>>)
    %add3A_1103 = arith.constant 12 : i32
    %add3A_1104 = arith.addi %mul3A_2, %add3A_1103 : i32
    "tpu.region"() ({
      %run_scoped3A = tpu.sem_alloc : memref<!tpu.dma_semaphore, #tpu.memory_space<semaphore_mem>>
      %dma_start3A_1776 = arith.constant 0 : i32
      %dma_start3A_1777 = arith.constant 0 : i32
      %dma_start3A_1778 = arith.constant 0 : i32
      %dma_start3A_1779 = tpu.memref_slice %arg6[%add3A_1104, %dma_start3A_1776, %dma_start3A_1777, %dma_start3A_1778] : memref<768x20x12x64xf32, #tpu.memory_space<hbm>> -> memref<3x20x12x64xf32, #tpu.memory_space<hbm>>
      %dma_start3A_1780 = arith.constant 0 : i32
      %dma_start3A_1781 = arith.constant 0 : i32
      %dma_start3A_1782 = arith.constant 0 : i32
      %dma_start3A_1783 = tpu.memref_slice %arg6[%add3A_1104, %dma_start3A_1780, %dma_start3A_1781, %dma_start3A_1782] : memref<768x20x12x64xf32, #tpu.memory_space<hbm>> -> memref<3x20x12x64xf32, #tpu.memory_space<hbm>>
      tpu.enqueue_dma source(%arg9 : memref<3x20x12x64xf32, #tpu.memory_space<vmem>>) target(%dma_start3A_1783 : memref<3x20x12x64xf32, #tpu.memory_space<hbm>>) target_semaphore(%run_scoped3A : memref<!tpu.dma_semaphore, #tpu.memory_space<semaphore_mem>>)
      %dma_wait3A_1784 = arith.constant 0 : i32
      %dma_wait3A_1785 = arith.constant 0 : i32
      %dma_wait3A_1786 = arith.constant 0 : i32
      %dma_wait3A_1787 = tpu.memref_slice %arg6[%add3A_1104, %dma_wait3A_1784, %dma_wait3A_1785, %dma_wait3A_1786] : memref<768x20x12x64xf32, #tpu.memory_space<hbm>> -> memref<3x20x12x64xf32, #tpu.memory_space<hbm>>
      %dma_wait3A_1788 = arith.constant 0 : i32
      %dma_wait3A_1789 = arith.constant 0 : i32
      %dma_wait3A_1790 = arith.constant 0 : i32
      %dma_wait3A_1791 = tpu.memref_slice %arg6[%add3A_1104, %dma_wait3A_1788, %dma_wait3A_1789, %dma_wait3A_1790] : memref<768x20x12x64xf32, #tpu.memory_space<hbm>> -> memref<3x20x12x64xf32, #tpu.memory_space<hbm>>
      tpu.wait_dma2 semaphore(%run_scoped3A : memref<!tpu.dma_semaphore, #tpu.memory_space<semaphore_mem>>) src(%arg9 : memref<3x20x12x64xf32, #tpu.memory_space<vmem>>) dst(%dma_wait3A_1791 : memref<3x20x12x64xf32, #tpu.memory_space<hbm>>)
      tpu.yield
    }) : () -> ()
    %get3A_1105 = arith.constant 5 : i32
    %get3A_1106 = arith.index_cast %get3A_1105 : i32 to index
    %get3A_1107 = arith.constant 0 : index
    %get3A_1108 = tpu.vector_load %arg8[%get3A_1106, %get3A_1107] {strides = array<i32>} : memref<8x16xi32, #tpu.memory_space<vmem>>, vector<1x16xi32>,
    %get3A_1109 = vector.shape_cast %get3A_1108 : vector<1x16xi32> to vector<16xi32>
    %add3A_1110 = arith.constant 15 : i32
    %add3A_1111 = arith.addi %mul3A_2, %add3A_1110 : i32
    %add3A_1112 = arith.constant 0 : i32
    %add3A_1113 = arith.addi %add3A_1111, %add3A_1112 : i32
    %jit3A_1114 = arith.constant 32 : i32
    %div3A_1115 = arith.divsi %add3A_1113, %jit3A_1114 : i32
    %sign3A_1116 = arith.constant 0 : i32
    %sign3A_1117 = arith.cmpi sgt, %add3A_1113, %sign3A_1116 : i32
    %sign3A_1118 = arith.extui %sign3A_1117 : i1 to i32
    %sign3A_1119 = arith.constant 0 : i32
    %sign3A_1120 = arith.cmpi slt, %add3A_1113, %sign3A_1119 : i32
    %sign3A_1121 = arith.extui %sign3A_1120 : i1 to i32
    %sign3A_1122 = arith.subi %sign3A_1118, %sign3A_1121 : i32
    %sign3A_1123 = arith.constant 0 : i32
    %sign3A_1124 = arith.cmpi sgt, %jit3A_1114, %sign3A_1123 : i32
    %sign3A_1125 = arith.extui %sign3A_1124 : i1 to i32
    %sign3A_1126 = arith.constant 0 : i32
    %sign3A_1127 = arith.cmpi slt, %jit3A_1114, %sign3A_1126 : i32
    %sign3A_1128 = arith.extui %sign3A_1127 : i1 to i32
    %sign3A_1129 = arith.subi %sign3A_1125, %sign3A_1128 : i32
    %ne3A_1130 = arith.cmpi ne, %sign3A_1122, %sign3A_1129 : i32
    %rem3A_1131 = arith.remsi %add3A_1113, %jit3A_1114 : i32
    %ne3A_1132 = arith.constant 0 : i32
    %ne3A_1133 = arith.cmpi ne, %rem3A_1131, %ne3A_1132 : i32
    %and3A_1134 = arith.andi %ne3A_1130, %ne3A_1133 : i1
    %sub3A_1135 = arith.constant 1 : i32
    %sub3A_1136 = arith.subi %div3A_1115, %sub3A_1135 : i32
    %select_n3A_1137 = arith.select %and3A_1134, %sub3A_1136, %div3A_1115 : i32
    %slice3A_1138 = vector.extract_strided_slice %get3A_1109 {offsets = [0], sizes = [1], strides = [1]} : vector<16xi32> to vector<1xi32>
    %squeeze3A_1139 = vector.extract %slice3A_1138[0] : i32 from vector<1xi32>
    %dma_start3A_1140 = arith.constant 0 : i32
    %dma_start3A_1141 = arith.constant 0 : i32
    %dma_start3A_1142 = arith.constant 0 : i32
    %dma_start3A_1143 = arith.constant 0 : i32
    %dma_start3A_1144 = tpu.memref_slice %arg9[%dma_start3A_1140, %dma_start3A_1141, %dma_start3A_1142, %dma_start3A_1143] : memref<3x20x12x64xf32, #tpu.memory_space<vmem>> -> memref<1x20x12x64xf32, #tpu.memory_space<vmem>>
    %dma_start3A_1145 = tpu.memref_squeeze %dma_start3A_1144 : memref<1x20x12x64xf32, #tpu.memory_space<vmem>> -> memref<20x12x64xf32, #tpu.memory_space<vmem>>
    %dma_start3A_1146 = arith.constant 0 : i32
    %dma_start3A_1147 = arith.constant 0 : i32
    %dma_start3A_1148 = arith.constant 0 : i32
    %dma_start3A_1149 = tpu.memref_slice %arg2[%select_n3A_1137, %dma_start3A_1146, %dma_start3A_1147, %squeeze3A_1139, %dma_start3A_1148] : memref<24x20x12x64x64xf32, #tpu.memory_space<hbm>> -> memref<1x20x12x1x64xf32, #tpu.memory_space<hbm>>
    %dma_start3A_1150 = tpu.memref_squeeze %dma_start3A_1149 : memref<1x20x12x1x64xf32, #tpu.memory_space<hbm>> -> memref<20x12x64xf32, #tpu.memory_space<hbm>>
    %dma_start3A_1151 = arith.constant 0 : i32
    %dma_start3A_1152 = arith.constant 0 : i32
    %dma_start3A_1153 = arith.constant 0 : i32
    %dma_start3A_1154 = tpu.memref_slice %arg9[%dma_start3A_1140, %dma_start3A_1151, %dma_start3A_1152, %dma_start3A_1153] : memref<3x20x12x64xf32, #tpu.memory_space<vmem>> -> memref<1x20x12x64xf32, #tpu.memory_space<vmem>>
    %dma_start3A_1155 = tpu.memref_squeeze %dma_start3A_1154 : memref<1x20x12x64xf32, #tpu.memory_space<vmem>> -> memref<20x12x64xf32, #tpu.memory_space<vmem>>
    %dma_start3A_1156 = arith.constant 0 : i32
    %dma_start3A_1157 = arith.constant 0 : i32
    %dma_start3A_1158 = arith.constant 0 : i32
    %dma_start3A_1159 = tpu.memref_slice %arg2[%select_n3A_1137, %dma_start3A_1156, %dma_start3A_1157, %squeeze3A_1139, %dma_start3A_1158] : memref<24x20x12x64x64xf32, #tpu.memory_space<hbm>> -> memref<1x20x12x1x64xf32, #tpu.memory_space<hbm>>
    %dma_start3A_1160 = tpu.memref_squeeze %dma_start3A_1159 : memref<1x20x12x1x64xf32, #tpu.memory_space<hbm>> -> memref<20x12x64xf32, #tpu.memory_space<hbm>>
    tpu.enqueue_dma source(%dma_start3A_1160 : memref<20x12x64xf32, #tpu.memory_space<hbm>>) target(%dma_start3A_1155 : memref<20x12x64xf32, #tpu.memory_space<vmem>>) target_semaphore(%arg12 : memref<!tpu.dma_semaphore, #tpu.memory_space<semaphore_mem>>)
    %add3A_1161 = arith.constant 15 : i32
    %add3A_1162 = arith.addi %mul3A_2, %add3A_1161 : i32
    %add3A_1163 = arith.constant 1 : i32
    %add3A_1164 = arith.addi %add3A_1162, %add3A_1163 : i32
    %jit3A_1165 = arith.constant 32 : i32
    %div3A_1166 = arith.divsi %add3A_1164, %jit3A_1165 : i32
    %sign3A_1167 = arith.constant 0 : i32
    %sign3A_1168 = arith.cmpi sgt, %add3A_1164, %sign3A_1167 : i32
    %sign3A_1169 = arith.extui %sign3A_1168 : i1 to i32
    %sign3A_1170 = arith.constant 0 : i32
    %sign3A_1171 = arith.cmpi slt, %add3A_1164, %sign3A_1170 : i32
    %sign3A_1172 = arith.extui %sign3A_1171 : i1 to i32
    %sign3A_1173 = arith.subi %sign3A_1169, %sign3A_1172 : i32
    %sign3A_1174 = arith.constant 0 : i32
    %sign3A_1175 = arith.cmpi sgt, %jit3A_1165, %sign3A_1174 : i32
    %sign3A_1176 = arith.extui %sign3A_1175 : i1 to i32
    %sign3A_1177 = arith.constant 0 : i32
    %sign3A_1178 = arith.cmpi slt, %jit3A_1165, %sign3A_1177 : i32
    %sign3A_1179 = arith.extui %sign3A_1178 : i1 to i32
    %sign3A_1180 = arith.subi %sign3A_1176, %sign3A_1179 : i32
    %ne3A_1181 = arith.cmpi ne, %sign3A_1173, %sign3A_1180 : i32
    %rem3A_1182 = arith.remsi %add3A_1164, %jit3A_1165 : i32
    %ne3A_1183 = arith.constant 0 : i32
    %ne3A_1184 = arith.cmpi ne, %rem3A_1182, %ne3A_1183 : i32
    %and3A_1185 = arith.andi %ne3A_1181, %ne3A_1184 : i1
    %sub3A_1186 = arith.constant 1 : i32
    %sub3A_1187 = arith.subi %div3A_1166, %sub3A_1186 : i32
    %select_n3A_1188 = arith.select %and3A_1185, %sub3A_1187, %div3A_1166 : i32
    %slice3A_1189 = vector.extract_strided_slice %get3A_1109 {offsets = [1], sizes = [1], strides = [1]} : vector<16xi32> to vector<1xi32>
    %squeeze3A_1190 = vector.extract %slice3A_1189[0] : i32 from vector<1xi32>
    %dma_start3A_1191 = arith.constant 1 : i32
    %dma_start3A_1192 = arith.constant 0 : i32
    %dma_start3A_1193 = arith.constant 0 : i32
    %dma_start3A_1194 = arith.constant 0 : i32
    %dma_start3A_1195 = tpu.memref_slice %arg9[%dma_start3A_1191, %dma_start3A_1192, %dma_start3A_1193, %dma_start3A_1194] : memref<3x20x12x64xf32, #tpu.memory_space<vmem>> -> memref<1x20x12x64xf32, #tpu.memory_space<vmem>>
    %dma_start3A_1196 = tpu.memref_squeeze %dma_start3A_1195 : memref<1x20x12x64xf32, #tpu.memory_space<vmem>> -> memref<20x12x64xf32, #tpu.memory_space<vmem>>
    %dma_start3A_1197 = arith.constant 0 : i32
    %dma_start3A_1198 = arith.constant 0 : i32
    %dma_start3A_1199 = arith.constant 0 : i32
    %dma_start3A_1200 = tpu.memref_slice %arg2[%select_n3A_1188, %dma_start3A_1197, %dma_start3A_1198, %squeeze3A_1190, %dma_start3A_1199] : memref<24x20x12x64x64xf32, #tpu.memory_space<hbm>> -> memref<1x20x12x1x64xf32, #tpu.memory_space<hbm>>
    %dma_start3A_1201 = tpu.memref_squeeze %dma_start3A_1200 : memref<1x20x12x1x64xf32, #tpu.memory_space<hbm>> -> memref<20x12x64xf32, #tpu.memory_space<hbm>>
    %dma_start3A_1202 = arith.constant 0 : i32
    %dma_start3A_1203 = arith.constant 0 : i32
    %dma_start3A_1204 = arith.constant 0 : i32
    %dma_start3A_1205 = tpu.memref_slice %arg9[%dma_start3A_1191, %dma_start3A_1202, %dma_start3A_1203, %dma_start3A_1204] : memref<3x20x12x64xf32, #tpu.memory_space<vmem>> -> memref<1x20x12x64xf32, #tpu.memory_space<vmem>>
    %dma_start3A_1206 = tpu.memref_squeeze %dma_start3A_1205 : memref<1x20x12x64xf32, #tpu.memory_space<vmem>> -> memref<20x12x64xf32, #tpu.memory_space<vmem>>
    %dma_start3A_1207 = arith.constant 0 : i32
    %dma_start3A_1208 = arith.constant 0 : i32
    %dma_start3A_1209 = arith.constant 0 : i32
    %dma_start3A_1210 = tpu.memref_slice %arg2[%select_n3A_1188, %dma_start3A_1207, %dma_start3A_1208, %squeeze3A_1190, %dma_start3A_1209] : memref<24x20x12x64x64xf32, #tpu.memory_space<hbm>> -> memref<1x20x12x1x64xf32, #tpu.memory_space<hbm>>
    %dma_start3A_1211 = tpu.memref_squeeze %dma_start3A_1210 : memref<1x20x12x1x64xf32, #tpu.memory_space<hbm>> -> memref<20x12x64xf32, #tpu.memory_space<hbm>>
    tpu.enqueue_dma source(%dma_start3A_1211 : memref<20x12x64xf32, #tpu.memory_space<hbm>>) target(%dma_start3A_1206 : memref<20x12x64xf32, #tpu.memory_space<vmem>>) target_semaphore(%arg12 : memref<!tpu.dma_semaphore, #tpu.memory_space<semaphore_mem>>)
    %add3A_1212 = arith.constant 15 : i32
    %add3A_1213 = arith.addi %mul3A_2, %add3A_1212 : i32
    %add3A_1214 = arith.constant 2 : i32
    %add3A_1215 = arith.addi %add3A_1213, %add3A_1214 : i32
    %jit3A_1216 = arith.constant 32 : i32
    %div3A_1217 = arith.divsi %add3A_1215, %jit3A_1216 : i32
    %sign3A_1218 = arith.constant 0 : i32
    %sign3A_1219 = arith.cmpi sgt, %add3A_1215, %sign3A_1218 : i32
    %sign3A_1220 = arith.extui %sign3A_1219 : i1 to i32
    %sign3A_1221 = arith.constant 0 : i32
    %sign3A_1222 = arith.cmpi slt, %add3A_1215, %sign3A_1221 : i32
    %sign3A_1223 = arith.extui %sign3A_1222 : i1 to i32
    %sign3A_1224 = arith.subi %sign3A_1220, %sign3A_1223 : i32
    %sign3A_1225 = arith.constant 0 : i32
    %sign3A_1226 = arith.cmpi sgt, %jit3A_1216, %sign3A_1225 : i32
    %sign3A_1227 = arith.extui %sign3A_1226 : i1 to i32
    %sign3A_1228 = arith.constant 0 : i32
    %sign3A_1229 = arith.cmpi slt, %jit3A_1216, %sign3A_1228 : i32
    %sign3A_1230 = arith.extui %sign3A_1229 : i1 to i32
    %sign3A_1231 = arith.subi %sign3A_1227, %sign3A_1230 : i32
    %ne3A_1232 = arith.cmpi ne, %sign3A_1224, %sign3A_1231 : i32
    %rem3A_1233 = arith.remsi %add3A_1215, %jit3A_1216 : i32
    %ne3A_1234 = arith.constant 0 : i32
    %ne3A_1235 = arith.cmpi ne, %rem3A_1233, %ne3A_1234 : i32
    %and3A_1236 = arith.andi %ne3A_1232, %ne3A_1235 : i1
    %sub3A_1237 = arith.constant 1 : i32
    %sub3A_1238 = arith.subi %div3A_1217, %sub3A_1237 : i32
    %select_n3A_1239 = arith.select %and3A_1236, %sub3A_1238, %div3A_1217 : i32
    %slice3A_1240 = vector.extract_strided_slice %get3A_1109 {offsets = [2], sizes = [1], strides = [1]} : vector<16xi32> to vector<1xi32>
    %squeeze3A_1241 = vector.extract %slice3A_1240[0] : i32 from vector<1xi32>
    %dma_start3A_1242 = arith.constant 2 : i32
    %dma_start3A_1243 = arith.constant 0 : i32
    %dma_start3A_1244 = arith.constant 0 : i32
    %dma_start3A_1245 = arith.constant 0 : i32
    %dma_start3A_1246 = tpu.memref_slice %arg9[%dma_start3A_1242, %dma_start3A_1243, %dma_start3A_1244, %dma_start3A_1245] : memref<3x20x12x64xf32, #tpu.memory_space<vmem>> -> memref<1x20x12x64xf32, #tpu.memory_space<vmem>>
    %dma_start3A_1247 = tpu.memref_squeeze %dma_start3A_1246 : memref<1x20x12x64xf32, #tpu.memory_space<vmem>> -> memref<20x12x64xf32, #tpu.memory_space<vmem>>
    %dma_start3A_1248 = arith.constant 0 : i32
    %dma_start3A_1249 = arith.constant 0 : i32
    %dma_start3A_1250 = arith.constant 0 : i32
    %dma_start3A_1251 = tpu.memref_slice %arg2[%select_n3A_1239, %dma_start3A_1248, %dma_start3A_1249, %squeeze3A_1241, %dma_start3A_1250] : memref<24x20x12x64x64xf32, #tpu.memory_space<hbm>> -> memref<1x20x12x1x64xf32, #tpu.memory_space<hbm>>
    %dma_start3A_1252 = tpu.memref_squeeze %dma_start3A_1251 : memref<1x20x12x1x64xf32, #tpu.memory_space<hbm>> -> memref<20x12x64xf32, #tpu.memory_space<hbm>>
    %dma_start3A_1253 = arith.constant 0 : i32
    %dma_start3A_1254 = arith.constant 0 : i32
    %dma_start3A_1255 = arith.constant 0 : i32
    %dma_start3A_1256 = tpu.memref_slice %arg9[%dma_start3A_1242, %dma_start3A_1253, %dma_start3A_1254, %dma_start3A_1255] : memref<3x20x12x64xf32, #tpu.memory_space<vmem>> -> memref<1x20x12x64xf32, #tpu.memory_space<vmem>>
    %dma_start3A_1257 = tpu.memref_squeeze %dma_start3A_1256 : memref<1x20x12x64xf32, #tpu.memory_space<vmem>> -> memref<20x12x64xf32, #tpu.memory_space<vmem>>
    %dma_start3A_1258 = arith.constant 0 : i32
    %dma_start3A_1259 = arith.constant 0 : i32
    %dma_start3A_1260 = arith.constant 0 : i32
    %dma_start3A_1261 = tpu.memref_slice %arg2[%select_n3A_1239, %dma_start3A_1258, %dma_start3A_1259, %squeeze3A_1241, %dma_start3A_1260] : memref<24x20x12x64x64xf32, #tpu.memory_space<hbm>> -> memref<1x20x12x1x64xf32, #tpu.memory_space<hbm>>
    %dma_start3A_1262 = tpu.memref_squeeze %dma_start3A_1261 : memref<1x20x12x1x64xf32, #tpu.memory_space<hbm>> -> memref<20x12x64xf32, #tpu.memory_space<hbm>>
    tpu.enqueue_dma source(%dma_start3A_1262 : memref<20x12x64xf32, #tpu.memory_space<hbm>>) target(%dma_start3A_1257 : memref<20x12x64xf32, #tpu.memory_space<vmem>>) target_semaphore(%arg12 : memref<!tpu.dma_semaphore, #tpu.memory_space<semaphore_mem>>)
    %dma_wait3A_1263 = arith.constant 0 : i32
    %dma_wait3A_1264 = arith.constant 0 : i32
    %dma_wait3A_1265 = arith.constant 0 : i32
    %dma_wait3A_1266 = arith.constant 0 : i32
    %dma_wait3A_1267 = tpu.memref_slice %arg9[%dma_wait3A_1263, %dma_wait3A_1264, %dma_wait3A_1265, %dma_wait3A_1266] : memref<3x20x12x64xf32, #tpu.memory_space<vmem>> -> memref<1x20x12x64xf32, #tpu.memory_space<vmem>>
    %dma_wait3A_1268 = tpu.memref_squeeze %dma_wait3A_1267 : memref<1x20x12x64xf32, #tpu.memory_space<vmem>> -> memref<20x12x64xf32, #tpu.memory_space<vmem>>
    %dma_wait3A_1269 = arith.constant 0 : i32
    %dma_wait3A_1270 = arith.constant 0 : i32
    %dma_wait3A_1271 = arith.constant 0 : i32
    %dma_wait3A_1272 = tpu.memref_slice %arg2[%select_n3A_1137, %dma_wait3A_1269, %dma_wait3A_1270, %squeeze3A_1139, %dma_wait3A_1271] : memref<24x20x12x64x64xf32, #tpu.memory_space<hbm>> -> memref<1x20x12x1x64xf32, #tpu.memory_space<hbm>>
    %dma_wait3A_1273 = tpu.memref_squeeze %dma_wait3A_1272 : memref<1x20x12x1x64xf32, #tpu.memory_space<hbm>> -> memref<20x12x64xf32, #tpu.memory_space<hbm>>
    %dma_wait3A_1274 = arith.constant 0 : i32
    %dma_wait3A_1275 = arith.constant 0 : i32
    %dma_wait3A_1276 = arith.constant 0 : i32
    %dma_wait3A_1277 = tpu.memref_slice %arg9[%dma_wait3A_1263, %dma_wait3A_1274, %dma_wait3A_1275, %dma_wait3A_1276] : memref<3x20x12x64xf32, #tpu.memory_space<vmem>> -> memref<1x20x12x64xf32, #tpu.memory_space<vmem>>
    %dma_wait3A_1278 = tpu.memref_squeeze %dma_wait3A_1277 : memref<1x20x12x64xf32, #tpu.memory_space<vmem>> -> memref<20x12x64xf32, #tpu.memory_space<vmem>>
    %dma_wait3A_1279 = arith.constant 0 : i32
    %dma_wait3A_1280 = arith.constant 0 : i32
    %dma_wait3A_1281 = arith.constant 0 : i32
    %dma_wait3A_1282 = tpu.memref_slice %arg2[%select_n3A_1137, %dma_wait3A_1279, %dma_wait3A_1280, %squeeze3A_1139, %dma_wait3A_1281] : memref<24x20x12x64x64xf32, #tpu.memory_space<hbm>> -> memref<1x20x12x1x64xf32, #tpu.memory_space<hbm>>
    %dma_wait3A_1283 = tpu.memref_squeeze %dma_wait3A_1282 : memref<1x20x12x1x64xf32, #tpu.memory_space<hbm>> -> memref<20x12x64xf32, #tpu.memory_space<hbm>>
    tpu.wait_dma2 semaphore(%arg12 : memref<!tpu.dma_semaphore, #tpu.memory_space<semaphore_mem>>) src(%dma_wait3A_1283 : memref<20x12x64xf32, #tpu.memory_space<hbm>>) dst(%dma_wait3A_1278 : memref<20x12x64xf32, #tpu.memory_space<vmem>>)
    %dma_wait3A_1284 = arith.constant 1 : i32
    %dma_wait3A_1285 = arith.constant 0 : i32
    %dma_wait3A_1286 = arith.constant 0 : i32
    %dma_wait3A_1287 = arith.constant 0 : i32
    %dma_wait3A_1288 = tpu.memref_slice %arg9[%dma_wait3A_1284, %dma_wait3A_1285, %dma_wait3A_1286, %dma_wait3A_1287] : memref<3x20x12x64xf32, #tpu.memory_space<vmem>> -> memref<1x20x12x64xf32, #tpu.memory_space<vmem>>
    %dma_wait3A_1289 = tpu.memref_squeeze %dma_wait3A_1288 : memref<1x20x12x64xf32, #tpu.memory_space<vmem>> -> memref<20x12x64xf32, #tpu.memory_space<vmem>>
    %dma_wait3A_1290 = arith.constant 0 : i32
    %dma_wait3A_1291 = arith.constant 0 : i32
    %dma_wait3A_1292 = arith.constant 0 : i32
    %dma_wait3A_1293 = tpu.memref_slice %arg2[%select_n3A_1188, %dma_wait3A_1290, %dma_wait3A_1291, %squeeze3A_1190, %dma_wait3A_1292] : memref<24x20x12x64x64xf32, #tpu.memory_space<hbm>> -> memref<1x20x12x1x64xf32, #tpu.memory_space<hbm>>
    %dma_wait3A_1294 = tpu.memref_squeeze %dma_wait3A_1293 : memref<1x20x12x1x64xf32, #tpu.memory_space<hbm>> -> memref<20x12x64xf32, #tpu.memory_space<hbm>>
    %dma_wait3A_1295 = arith.constant 0 : i32
    %dma_wait3A_1296 = arith.constant 0 : i32
    %dma_wait3A_1297 = arith.constant 0 : i32
    %dma_wait3A_1298 = tpu.memref_slice %arg9[%dma_wait3A_1284, %dma_wait3A_1295, %dma_wait3A_1296, %dma_wait3A_1297] : memref<3x20x12x64xf32, #tpu.memory_space<vmem>> -> memref<1x20x12x64xf32, #tpu.memory_space<vmem>>
    %dma_wait3A_1299 = tpu.memref_squeeze %dma_wait3A_1298 : memref<1x20x12x64xf32, #tpu.memory_space<vmem>> -> memref<20x12x64xf32, #tpu.memory_space<vmem>>
    %dma_wait3A_1300 = arith.constant 0 : i32
    %dma_wait3A_1301 = arith.constant 0 : i32
    %dma_wait3A_1302 = arith.constant 0 : i32
    %dma_wait3A_1303 = tpu.memref_slice %arg2[%select_n3A_1188, %dma_wait3A_1300, %dma_wait3A_1301, %squeeze3A_1190, %dma_wait3A_1302] : memref<24x20x12x64x64xf32, #tpu.memory_space<hbm>> -> memref<1x20x12x1x64xf32, #tpu.memory_space<hbm>>
    %dma_wait3A_1304 = tpu.memref_squeeze %dma_wait3A_1303 : memref<1x20x12x1x64xf32, #tpu.memory_space<hbm>> -> memref<20x12x64xf32, #tpu.memory_space<hbm>>
    tpu.wait_dma2 semaphore(%arg12 : memref<!tpu.dma_semaphore, #tpu.memory_space<semaphore_mem>>) src(%dma_wait3A_1304 : memref<20x12x64xf32, #tpu.memory_space<hbm>>) dst(%dma_wait3A_1299 : memref<20x12x64xf32, #tpu.memory_space<vmem>>)
    %dma_wait3A_1305 = arith.constant 2 : i32
    %dma_wait3A_1306 = arith.constant 0 : i32
    %dma_wait3A_1307 = arith.constant 0 : i32
    %dma_wait3A_1308 = arith.constant 0 : i32
    %dma_wait3A_1309 = tpu.memref_slice %arg9[%dma_wait3A_1305, %dma_wait3A_1306, %dma_wait3A_1307, %dma_wait3A_1308] : memref<3x20x12x64xf32, #tpu.memory_space<vmem>> -> memref<1x20x12x64xf32, #tpu.memory_space<vmem>>
    %dma_wait3A_1310 = tpu.memref_squeeze %dma_wait3A_1309 : memref<1x20x12x64xf32, #tpu.memory_space<vmem>> -> memref<20x12x64xf32, #tpu.memory_space<vmem>>
    %dma_wait3A_1311 = arith.constant 0 : i32
    %dma_wait3A_1312 = arith.constant 0 : i32
    %dma_wait3A_1313 = arith.constant 0 : i32
    %dma_wait3A_1314 = tpu.memref_slice %arg2[%select_n3A_1239, %dma_wait3A_1311, %dma_wait3A_1312, %squeeze3A_1241, %dma_wait3A_1313] : memref<24x20x12x64x64xf32, #tpu.memory_space<hbm>> -> memref<1x20x12x1x64xf32, #tpu.memory_space<hbm>>
    %dma_wait3A_1315 = tpu.memref_squeeze %dma_wait3A_1314 : memref<1x20x12x1x64xf32, #tpu.memory_space<hbm>> -> memref<20x12x64xf32, #tpu.memory_space<hbm>>
    %dma_wait3A_1316 = arith.constant 0 : i32
    %dma_wait3A_1317 = arith.constant 0 : i32
    %dma_wait3A_1318 = arith.constant 0 : i32
    %dma_wait3A_1319 = tpu.memref_slice %arg9[%dma_wait3A_1305, %dma_wait3A_1316, %dma_wait3A_1317, %dma_wait3A_1318] : memref<3x20x12x64xf32, #tpu.memory_space<vmem>> -> memref<1x20x12x64xf32, #tpu.memory_space<vmem>>
    %dma_wait3A_1320 = tpu.memref_squeeze %dma_wait3A_1319 : memref<1x20x12x64xf32, #tpu.memory_space<vmem>> -> memref<20x12x64xf32, #tpu.memory_space<vmem>>
    %dma_wait3A_1321 = arith.constant 0 : i32
    %dma_wait3A_1322 = arith.constant 0 : i32
    %dma_wait3A_1323 = arith.constant 0 : i32
    %dma_wait3A_1324 = tpu.memref_slice %arg2[%select_n3A_1239, %dma_wait3A_1321, %dma_wait3A_1322, %squeeze3A_1241, %dma_wait3A_1323] : memref<24x20x12x64x64xf32, #tpu.memory_space<hbm>> -> memref<1x20x12x1x64xf32, #tpu.memory_space<hbm>>
    %dma_wait3A_1325 = tpu.memref_squeeze %dma_wait3A_1324 : memref<1x20x12x1x64xf32, #tpu.memory_space<hbm>> -> memref<20x12x64xf32, #tpu.memory_space<hbm>>
    tpu.wait_dma2 semaphore(%arg12 : memref<!tpu.dma_semaphore, #tpu.memory_space<semaphore_mem>>) src(%dma_wait3A_1325 : memref<20x12x64xf32, #tpu.memory_space<hbm>>) dst(%dma_wait3A_1320 : memref<20x12x64xf32, #tpu.memory_space<vmem>>)
    %add3A_1326 = arith.constant 15 : i32
    %add3A_1327 = arith.addi %mul3A_2, %add3A_1326 : i32
    "tpu.region"() ({
      %run_scoped3A = tpu.sem_alloc : memref<!tpu.dma_semaphore, #tpu.memory_space<semaphore_mem>>
      %dma_start3A_1776 = arith.constant 0 : i32
      %dma_start3A_1777 = arith.constant 0 : i32
      %dma_start3A_1778 = arith.constant 0 : i32
      %dma_start3A_1779 = tpu.memref_slice %arg6[%add3A_1327, %dma_start3A_1776, %dma_start3A_1777, %dma_start3A_1778] : memref<768x20x12x64xf32, #tpu.memory_space<hbm>> -> memref<3x20x12x64xf32, #tpu.memory_space<hbm>>
      %dma_start3A_1780 = arith.constant 0 : i32
      %dma_start3A_1781 = arith.constant 0 : i32
      %dma_start3A_1782 = arith.constant 0 : i32
      %dma_start3A_1783 = tpu.memref_slice %arg6[%add3A_1327, %dma_start3A_1780, %dma_start3A_1781, %dma_start3A_1782] : memref<768x20x12x64xf32, #tpu.memory_space<hbm>> -> memref<3x20x12x64xf32, #tpu.memory_space<hbm>>
      tpu.enqueue_dma source(%arg9 : memref<3x20x12x64xf32, #tpu.memory_space<vmem>>) target(%dma_start3A_1783 : memref<3x20x12x64xf32, #tpu.memory_space<hbm>>) target_semaphore(%run_scoped3A : memref<!tpu.dma_semaphore, #tpu.memory_space<semaphore_mem>>)
      %dma_wait3A_1784 = arith.constant 0 : i32
      %dma_wait3A_1785 = arith.constant 0 : i32
      %dma_wait3A_1786 = arith.constant 0 : i32
      %dma_wait3A_1787 = tpu.memref_slice %arg6[%add3A_1327, %dma_wait3A_1784, %dma_wait3A_1785, %dma_wait3A_1786] : memref<768x20x12x64xf32, #tpu.memory_space<hbm>> -> memref<3x20x12x64xf32, #tpu.memory_space<hbm>>
      %dma_wait3A_1788 = arith.constant 0 : i32
      %dma_wait3A_1789 = arith.constant 0 : i32
      %dma_wait3A_1790 = arith.constant 0 : i32
      %dma_wait3A_1791 = tpu.memref_slice %arg6[%add3A_1327, %dma_wait3A_1788, %dma_wait3A_1789, %dma_wait3A_1790] : memref<768x20x12x64xf32, #tpu.memory_space<hbm>> -> memref<3x20x12x64xf32, #tpu.memory_space<hbm>>
      tpu.wait_dma2 semaphore(%run_scoped3A : memref<!tpu.dma_semaphore, #tpu.memory_space<semaphore_mem>>) src(%arg9 : memref<3x20x12x64xf32, #tpu.memory_space<vmem>>) dst(%dma_wait3A_1791 : memref<3x20x12x64xf32, #tpu.memory_space<hbm>>)
      tpu.yield
    }) : () -> ()
    %get3A_1328 = arith.constant 6 : i32
    %get3A_1329 = arith.index_cast %get3A_1328 : i32 to index
    %get3A_1330 = arith.constant 0 : index
    %get3A_1331 = tpu.vector_load %arg8[%get3A_1329, %get3A_1330] {strides = array<i32>} : memref<8x16xi32, #tpu.memory_space<vmem>>, vector<1x16xi32>,
    %get3A_1332 = vector.shape_cast %get3A_1331 : vector<1x16xi32> to vector<16xi32>
    %add3A_1333 = arith.constant 18 : i32
    %add3A_1334 = arith.addi %mul3A_2, %add3A_1333 : i32
    %add3A_1335 = arith.constant 0 : i32
    %add3A_1336 = arith.addi %add3A_1334, %add3A_1335 : i32
    %jit3A_1337 = arith.constant 32 : i32
    %div3A_1338 = arith.divsi %add3A_1336, %jit3A_1337 : i32
    %sign3A_1339 = arith.constant 0 : i32
    %sign3A_1340 = arith.cmpi sgt, %add3A_1336, %sign3A_1339 : i32
    %sign3A_1341 = arith.extui %sign3A_1340 : i1 to i32
    %sign3A_1342 = arith.constant 0 : i32
    %sign3A_1343 = arith.cmpi slt, %add3A_1336, %sign3A_1342 : i32
    %sign3A_1344 = arith.extui %sign3A_1343 : i1 to i32
    %sign3A_1345 = arith.subi %sign3A_1341, %sign3A_1344 : i32
    %sign3A_1346 = arith.constant 0 : i32
    %sign3A_1347 = arith.cmpi sgt, %jit3A_1337, %sign3A_1346 : i32
    %sign3A_1348 = arith.extui %sign3A_1347 : i1 to i32
    %sign3A_1349 = arith.constant 0 : i32
    %sign3A_1350 = arith.cmpi slt, %jit3A_1337, %sign3A_1349 : i32
    %sign3A_1351 = arith.extui %sign3A_1350 : i1 to i32
    %sign3A_1352 = arith.subi %sign3A_1348, %sign3A_1351 : i32
    %ne3A_1353 = arith.cmpi ne, %sign3A_1345, %sign3A_1352 : i32
    %rem3A_1354 = arith.remsi %add3A_1336, %jit3A_1337 : i32
    %ne3A_1355 = arith.constant 0 : i32
    %ne3A_1356 = arith.cmpi ne, %rem3A_1354, %ne3A_1355 : i32
    %and3A_1357 = arith.andi %ne3A_1353, %ne3A_1356 : i1
    %sub3A_1358 = arith.constant 1 : i32
    %sub3A_1359 = arith.subi %div3A_1338, %sub3A_1358 : i32
    %select_n3A_1360 = arith.select %and3A_1357, %sub3A_1359, %div3A_1338 : i32
    %slice3A_1361 = vector.extract_strided_slice %get3A_1332 {offsets = [0], sizes = [1], strides = [1]} : vector<16xi32> to vector<1xi32>
    %squeeze3A_1362 = vector.extract %slice3A_1361[0] : i32 from vector<1xi32>
    %dma_start3A_1363 = arith.constant 0 : i32
    %dma_start3A_1364 = arith.constant 0 : i32
    %dma_start3A_1365 = arith.constant 0 : i32
    %dma_start3A_1366 = arith.constant 0 : i32
    %dma_start3A_1367 = tpu.memref_slice %arg9[%dma_start3A_1363, %dma_start3A_1364, %dma_start3A_1365, %dma_start3A_1366] : memref<3x20x12x64xf32, #tpu.memory_space<vmem>> -> memref<1x20x12x64xf32, #tpu.memory_space<vmem>>
    %dma_start3A_1368 = tpu.memref_squeeze %dma_start3A_1367 : memref<1x20x12x64xf32, #tpu.memory_space<vmem>> -> memref<20x12x64xf32, #tpu.memory_space<vmem>>
    %dma_start3A_1369 = arith.constant 0 : i32
    %dma_start3A_1370 = arith.constant 0 : i32
    %dma_start3A_1371 = arith.constant 0 : i32
    %dma_start3A_1372 = tpu.memref_slice %arg2[%select_n3A_1360, %dma_start3A_1369, %dma_start3A_1370, %squeeze3A_1362, %dma_start3A_1371] : memref<24x20x12x64x64xf32, #tpu.memory_space<hbm>> -> memref<1x20x12x1x64xf32, #tpu.memory_space<hbm>>
    %dma_start3A_1373 = tpu.memref_squeeze %dma_start3A_1372 : memref<1x20x12x1x64xf32, #tpu.memory_space<hbm>> -> memref<20x12x64xf32, #tpu.memory_space<hbm>>
    %dma_start3A_1374 = arith.constant 0 : i32
    %dma_start3A_1375 = arith.constant 0 : i32
    %dma_start3A_1376 = arith.constant 0 : i32
    %dma_start3A_1377 = tpu.memref_slice %arg9[%dma_start3A_1363, %dma_start3A_1374, %dma_start3A_1375, %dma_start3A_1376] : memref<3x20x12x64xf32, #tpu.memory_space<vmem>> -> memref<1x20x12x64xf32, #tpu.memory_space<vmem>>
    %dma_start3A_1378 = tpu.memref_squeeze %dma_start3A_1377 : memref<1x20x12x64xf32, #tpu.memory_space<vmem>> -> memref<20x12x64xf32, #tpu.memory_space<vmem>>
    %dma_start3A_1379 = arith.constant 0 : i32
    %dma_start3A_1380 = arith.constant 0 : i32
    %dma_start3A_1381 = arith.constant 0 : i32
    %dma_start3A_1382 = tpu.memref_slice %arg2[%select_n3A_1360, %dma_start3A_1379, %dma_start3A_1380, %squeeze3A_1362, %dma_start3A_1381] : memref<24x20x12x64x64xf32, #tpu.memory_space<hbm>> -> memref<1x20x12x1x64xf32, #tpu.memory_space<hbm>>
    %dma_start3A_1383 = tpu.memref_squeeze %dma_start3A_1382 : memref<1x20x12x1x64xf32, #tpu.memory_space<hbm>> -> memref<20x12x64xf32, #tpu.memory_space<hbm>>
    tpu.enqueue_dma source(%dma_start3A_1383 : memref<20x12x64xf32, #tpu.memory_space<hbm>>) target(%dma_start3A_1378 : memref<20x12x64xf32, #tpu.memory_space<vmem>>) target_semaphore(%arg12 : memref<!tpu.dma_semaphore, #tpu.memory_space<semaphore_mem>>)
    %add3A_1384 = arith.constant 18 : i32
    %add3A_1385 = arith.addi %mul3A_2, %add3A_1384 : i32
    %add3A_1386 = arith.constant 1 : i32
    %add3A_1387 = arith.addi %add3A_1385, %add3A_1386 : i32
    %jit3A_1388 = arith.constant 32 : i32
    %div3A_1389 = arith.divsi %add3A_1387, %jit3A_1388 : i32
    %sign3A_1390 = arith.constant 0 : i32
    %sign3A_1391 = arith.cmpi sgt, %add3A_1387, %sign3A_1390 : i32
    %sign3A_1392 = arith.extui %sign3A_1391 : i1 to i32
    %sign3A_1393 = arith.constant 0 : i32
    %sign3A_1394 = arith.cmpi slt, %add3A_1387, %sign3A_1393 : i32
    %sign3A_1395 = arith.extui %sign3A_1394 : i1 to i32
    %sign3A_1396 = arith.subi %sign3A_1392, %sign3A_1395 : i32
    %sign3A_1397 = arith.constant 0 : i32
    %sign3A_1398 = arith.cmpi sgt, %jit3A_1388, %sign3A_1397 : i32
    %sign3A_1399 = arith.extui %sign3A_1398 : i1 to i32
    %sign3A_1400 = arith.constant 0 : i32
    %sign3A_1401 = arith.cmpi slt, %jit3A_1388, %sign3A_1400 : i32
    %sign3A_1402 = arith.extui %sign3A_1401 : i1 to i32
    %sign3A_1403 = arith.subi %sign3A_1399, %sign3A_1402 : i32
    %ne3A_1404 = arith.cmpi ne, %sign3A_1396, %sign3A_1403 : i32
    %rem3A_1405 = arith.remsi %add3A_1387, %jit3A_1388 : i32
    %ne3A_1406 = arith.constant 0 : i32
    %ne3A_1407 = arith.cmpi ne, %rem3A_1405, %ne3A_1406 : i32
    %and3A_1408 = arith.andi %ne3A_1404, %ne3A_1407 : i1
    %sub3A_1409 = arith.constant 1 : i32
    %sub3A_1410 = arith.subi %div3A_1389, %sub3A_1409 : i32
    %select_n3A_1411 = arith.select %and3A_1408, %sub3A_1410, %div3A_1389 : i32
    %slice3A_1412 = vector.extract_strided_slice %get3A_1332 {offsets = [1], sizes = [1], strides = [1]} : vector<16xi32> to vector<1xi32>
    %squeeze3A_1413 = vector.extract %slice3A_1412[0] : i32 from vector<1xi32>
    %dma_start3A_1414 = arith.constant 1 : i32
    %dma_start3A_1415 = arith.constant 0 : i32
    %dma_start3A_1416 = arith.constant 0 : i32
    %dma_start3A_1417 = arith.constant 0 : i32
    %dma_start3A_1418 = tpu.memref_slice %arg9[%dma_start3A_1414, %dma_start3A_1415, %dma_start3A_1416, %dma_start3A_1417] : memref<3x20x12x64xf32, #tpu.memory_space<vmem>> -> memref<1x20x12x64xf32, #tpu.memory_space<vmem>>
    %dma_start3A_1419 = tpu.memref_squeeze %dma_start3A_1418 : memref<1x20x12x64xf32, #tpu.memory_space<vmem>> -> memref<20x12x64xf32, #tpu.memory_space<vmem>>
    %dma_start3A_1420 = arith.constant 0 : i32
    %dma_start3A_1421 = arith.constant 0 : i32
    %dma_start3A_1422 = arith.constant 0 : i32
    %dma_start3A_1423 = tpu.memref_slice %arg2[%select_n3A_1411, %dma_start3A_1420, %dma_start3A_1421, %squeeze3A_1413, %dma_start3A_1422] : memref<24x20x12x64x64xf32, #tpu.memory_space<hbm>> -> memref<1x20x12x1x64xf32, #tpu.memory_space<hbm>>
    %dma_start3A_1424 = tpu.memref_squeeze %dma_start3A_1423 : memref<1x20x12x1x64xf32, #tpu.memory_space<hbm>> -> memref<20x12x64xf32, #tpu.memory_space<hbm>>
    %dma_start3A_1425 = arith.constant 0 : i32
    %dma_start3A_1426 = arith.constant 0 : i32
    %dma_start3A_1427 = arith.constant 0 : i32
    %dma_start3A_1428 = tpu.memref_slice %arg9[%dma_start3A_1414, %dma_start3A_1425, %dma_start3A_1426, %dma_start3A_1427] : memref<3x20x12x64xf32, #tpu.memory_space<vmem>> -> memref<1x20x12x64xf32, #tpu.memory_space<vmem>>
    %dma_start3A_1429 = tpu.memref_squeeze %dma_start3A_1428 : memref<1x20x12x64xf32, #tpu.memory_space<vmem>> -> memref<20x12x64xf32, #tpu.memory_space<vmem>>
    %dma_start3A_1430 = arith.constant 0 : i32
    %dma_start3A_1431 = arith.constant 0 : i32
    %dma_start3A_1432 = arith.constant 0 : i32
    %dma_start3A_1433 = tpu.memref_slice %arg2[%select_n3A_1411, %dma_start3A_1430, %dma_start3A_1431, %squeeze3A_1413, %dma_start3A_1432] : memref<24x20x12x64x64xf32, #tpu.memory_space<hbm>> -> memref<1x20x12x1x64xf32, #tpu.memory_space<hbm>>
    %dma_start3A_1434 = tpu.memref_squeeze %dma_start3A_1433 : memref<1x20x12x1x64xf32, #tpu.memory_space<hbm>> -> memref<20x12x64xf32, #tpu.memory_space<hbm>>
    tpu.enqueue_dma source(%dma_start3A_1434 : memref<20x12x64xf32, #tpu.memory_space<hbm>>) target(%dma_start3A_1429 : memref<20x12x64xf32, #tpu.memory_space<vmem>>) target_semaphore(%arg12 : memref<!tpu.dma_semaphore, #tpu.memory_space<semaphore_mem>>)
    %add3A_1435 = arith.constant 18 : i32
    %add3A_1436 = arith.addi %mul3A_2, %add3A_1435 : i32
    %add3A_1437 = arith.constant 2 : i32
    %add3A_1438 = arith.addi %add3A_1436, %add3A_1437 : i32
    %jit3A_1439 = arith.constant 32 : i32
    %div3A_1440 = arith.divsi %add3A_1438, %jit3A_1439 : i32
    %sign3A_1441 = arith.constant 0 : i32
    %sign3A_1442 = arith.cmpi sgt, %add3A_1438, %sign3A_1441 : i32
    %sign3A_1443 = arith.extui %sign3A_1442 : i1 to i32
    %sign3A_1444 = arith.constant 0 : i32
    %sign3A_1445 = arith.cmpi slt, %add3A_1438, %sign3A_1444 : i32
    %sign3A_1446 = arith.extui %sign3A_1445 : i1 to i32
    %sign3A_1447 = arith.subi %sign3A_1443, %sign3A_1446 : i32
    %sign3A_1448 = arith.constant 0 : i32
    %sign3A_1449 = arith.cmpi sgt, %jit3A_1439, %sign3A_1448 : i32
    %sign3A_1450 = arith.extui %sign3A_1449 : i1 to i32
    %sign3A_1451 = arith.constant 0 : i32
    %sign3A_1452 = arith.cmpi slt, %jit3A_1439, %sign3A_1451 : i32
    %sign3A_1453 = arith.extui %sign3A_1452 : i1 to i32
    %sign3A_1454 = arith.subi %sign3A_1450, %sign3A_1453 : i32
    %ne3A_1455 = arith.cmpi ne, %sign3A_1447, %sign3A_1454 : i32
    %rem3A_1456 = arith.remsi %add3A_1438, %jit3A_1439 : i32
    %ne3A_1457 = arith.constant 0 : i32
    %ne3A_1458 = arith.cmpi ne, %rem3A_1456, %ne3A_1457 : i32
    %and3A_1459 = arith.andi %ne3A_1455, %ne3A_1458 : i1
    %sub3A_1460 = arith.constant 1 : i32
    %sub3A_1461 = arith.subi %div3A_1440, %sub3A_1460 : i32
    %select_n3A_1462 = arith.select %and3A_1459, %sub3A_1461, %div3A_1440 : i32
    %slice3A_1463 = vector.extract_strided_slice %get3A_1332 {offsets = [2], sizes = [1], strides = [1]} : vector<16xi32> to vector<1xi32>
    %squeeze3A_1464 = vector.extract %slice3A_1463[0] : i32 from vector<1xi32>
    %dma_start3A_1465 = arith.constant 2 : i32
    %dma_start3A_1466 = arith.constant 0 : i32
    %dma_start3A_1467 = arith.constant 0 : i32
    %dma_start3A_1468 = arith.constant 0 : i32
    %dma_start3A_1469 = tpu.memref_slice %arg9[%dma_start3A_1465, %dma_start3A_1466, %dma_start3A_1467, %dma_start3A_1468] : memref<3x20x12x64xf32, #tpu.memory_space<vmem>> -> memref<1x20x12x64xf32, #tpu.memory_space<vmem>>
    %dma_start3A_1470 = tpu.memref_squeeze %dma_start3A_1469 : memref<1x20x12x64xf32, #tpu.memory_space<vmem>> -> memref<20x12x64xf32, #tpu.memory_space<vmem>>
    %dma_start3A_1471 = arith.constant 0 : i32
    %dma_start3A_1472 = arith.constant 0 : i32
    %dma_start3A_1473 = arith.constant 0 : i32
    %dma_start3A_1474 = tpu.memref_slice %arg2[%select_n3A_1462, %dma_start3A_1471, %dma_start3A_1472, %squeeze3A_1464, %dma_start3A_1473] : memref<24x20x12x64x64xf32, #tpu.memory_space<hbm>> -> memref<1x20x12x1x64xf32, #tpu.memory_space<hbm>>
    %dma_start3A_1475 = tpu.memref_squeeze %dma_start3A_1474 : memref<1x20x12x1x64xf32, #tpu.memory_space<hbm>> -> memref<20x12x64xf32, #tpu.memory_space<hbm>>
    %dma_start3A_1476 = arith.constant 0 : i32
    %dma_start3A_1477 = arith.constant 0 : i32
    %dma_start3A_1478 = arith.constant 0 : i32
    %dma_start3A_1479 = tpu.memref_slice %arg9[%dma_start3A_1465, %dma_start3A_1476, %dma_start3A_1477, %dma_start3A_1478] : memref<3x20x12x64xf32, #tpu.memory_space<vmem>> -> memref<1x20x12x64xf32, #tpu.memory_space<vmem>>
    %dma_start3A_1480 = tpu.memref_squeeze %dma_start3A_1479 : memref<1x20x12x64xf32, #tpu.memory_space<vmem>> -> memref<20x12x64xf32, #tpu.memory_space<vmem>>
    %dma_start3A_1481 = arith.constant 0 : i32
    %dma_start3A_1482 = arith.constant 0 : i32
    %dma_start3A_1483 = arith.constant 0 : i32
    %dma_start3A_1484 = tpu.memref_slice %arg2[%select_n3A_1462, %dma_start3A_1481, %dma_start3A_1482, %squeeze3A_1464, %dma_start3A_1483] : memref<24x20x12x64x64xf32, #tpu.memory_space<hbm>> -> memref<1x20x12x1x64xf32, #tpu.memory_space<hbm>>
    %dma_start3A_1485 = tpu.memref_squeeze %dma_start3A_1484 : memref<1x20x12x1x64xf32, #tpu.memory_space<hbm>> -> memref<20x12x64xf32, #tpu.memory_space<hbm>>
    tpu.enqueue_dma source(%dma_start3A_1485 : memref<20x12x64xf32, #tpu.memory_space<hbm>>) target(%dma_start3A_1480 : memref<20x12x64xf32, #tpu.memory_space<vmem>>) target_semaphore(%arg12 : memref<!tpu.dma_semaphore, #tpu.memory_space<semaphore_mem>>)
    %dma_wait3A_1486 = arith.constant 0 : i32
    %dma_wait3A_1487 = arith.constant 0 : i32
    %dma_wait3A_1488 = arith.constant 0 : i32
    %dma_wait3A_1489 = arith.constant 0 : i32
    %dma_wait3A_1490 = tpu.memref_slice %arg9[%dma_wait3A_1486, %dma_wait3A_1487, %dma_wait3A_1488, %dma_wait3A_1489] : memref<3x20x12x64xf32, #tpu.memory_space<vmem>> -> memref<1x20x12x64xf32, #tpu.memory_space<vmem>>
    %dma_wait3A_1491 = tpu.memref_squeeze %dma_wait3A_1490 : memref<1x20x12x64xf32, #tpu.memory_space<vmem>> -> memref<20x12x64xf32, #tpu.memory_space<vmem>>
    %dma_wait3A_1492 = arith.constant 0 : i32
    %dma_wait3A_1493 = arith.constant 0 : i32
    %dma_wait3A_1494 = arith.constant 0 : i32
    %dma_wait3A_1495 = tpu.memref_slice %arg2[%select_n3A_1360, %dma_wait3A_1492, %dma_wait3A_1493, %squeeze3A_1362, %dma_wait3A_1494] : memref<24x20x12x64x64xf32, #tpu.memory_space<hbm>> -> memref<1x20x12x1x64xf32, #tpu.memory_space<hbm>>
    %dma_wait3A_1496 = tpu.memref_squeeze %dma_wait3A_1495 : memref<1x20x12x1x64xf32, #tpu.memory_space<hbm>> -> memref<20x12x64xf32, #tpu.memory_space<hbm>>
    %dma_wait3A_1497 = arith.constant 0 : i32
    %dma_wait3A_1498 = arith.constant 0 : i32
    %dma_wait3A_1499 = arith.constant 0 : i32
    %dma_wait3A_1500 = tpu.memref_slice %arg9[%dma_wait3A_1486, %dma_wait3A_1497, %dma_wait3A_1498, %dma_wait3A_1499] : memref<3x20x12x64xf32, #tpu.memory_space<vmem>> -> memref<1x20x12x64xf32, #tpu.memory_space<vmem>>
    %dma_wait3A_1501 = tpu.memref_squeeze %dma_wait3A_1500 : memref<1x20x12x64xf32, #tpu.memory_space<vmem>> -> memref<20x12x64xf32, #tpu.memory_space<vmem>>
    %dma_wait3A_1502 = arith.constant 0 : i32
    %dma_wait3A_1503 = arith.constant 0 : i32
    %dma_wait3A_1504 = arith.constant 0 : i32
    %dma_wait3A_1505 = tpu.memref_slice %arg2[%select_n3A_1360, %dma_wait3A_1502, %dma_wait3A_1503, %squeeze3A_1362, %dma_wait3A_1504] : memref<24x20x12x64x64xf32, #tpu.memory_space<hbm>> -> memref<1x20x12x1x64xf32, #tpu.memory_space<hbm>>
    %dma_wait3A_1506 = tpu.memref_squeeze %dma_wait3A_1505 : memref<1x20x12x1x64xf32, #tpu.memory_space<hbm>> -> memref<20x12x64xf32, #tpu.memory_space<hbm>>
    tpu.wait_dma2 semaphore(%arg12 : memref<!tpu.dma_semaphore, #tpu.memory_space<semaphore_mem>>) src(%dma_wait3A_1506 : memref<20x12x64xf32, #tpu.memory_space<hbm>>) dst(%dma_wait3A_1501 : memref<20x12x64xf32, #tpu.memory_space<vmem>>)
    %dma_wait3A_1507 = arith.constant 1 : i32
    %dma_wait3A_1508 = arith.constant 0 : i32
    %dma_wait3A_1509 = arith.constant 0 : i32
    %dma_wait3A_1510 = arith.constant 0 : i32
    %dma_wait3A_1511 = tpu.memref_slice %arg9[%dma_wait3A_1507, %dma_wait3A_1508, %dma_wait3A_1509, %dma_wait3A_1510] : memref<3x20x12x64xf32, #tpu.memory_space<vmem>> -> memref<1x20x12x64xf32, #tpu.memory_space<vmem>>
    %dma_wait3A_1512 = tpu.memref_squeeze %dma_wait3A_1511 : memref<1x20x12x64xf32, #tpu.memory_space<vmem>> -> memref<20x12x64xf32, #tpu.memory_space<vmem>>
    %dma_wait3A_1513 = arith.constant 0 : i32
    %dma_wait3A_1514 = arith.constant 0 : i32
    %dma_wait3A_1515 = arith.constant 0 : i32
    %dma_wait3A_1516 = tpu.memref_slice %arg2[%select_n3A_1411, %dma_wait3A_1513, %dma_wait3A_1514, %squeeze3A_1413, %dma_wait3A_1515] : memref<24x20x12x64x64xf32, #tpu.memory_space<hbm>> -> memref<1x20x12x1x64xf32, #tpu.memory_space<hbm>>
    %dma_wait3A_1517 = tpu.memref_squeeze %dma_wait3A_1516 : memref<1x20x12x1x64xf32, #tpu.memory_space<hbm>> -> memref<20x12x64xf32, #tpu.memory_space<hbm>>
    %dma_wait3A_1518 = arith.constant 0 : i32
    %dma_wait3A_1519 = arith.constant 0 : i32
    %dma_wait3A_1520 = arith.constant 0 : i32
    %dma_wait3A_1521 = tpu.memref_slice %arg9[%dma_wait3A_1507, %dma_wait3A_1518, %dma_wait3A_1519, %dma_wait3A_1520] : memref<3x20x12x64xf32, #tpu.memory_space<vmem>> -> memref<1x20x12x64xf32, #tpu.memory_space<vmem>>
    %dma_wait3A_1522 = tpu.memref_squeeze %dma_wait3A_1521 : memref<1x20x12x64xf32, #tpu.memory_space<vmem>> -> memref<20x12x64xf32, #tpu.memory_space<vmem>>
    %dma_wait3A_1523 = arith.constant 0 : i32
    %dma_wait3A_1524 = arith.constant 0 : i32
    %dma_wait3A_1525 = arith.constant 0 : i32
    %dma_wait3A_1526 = tpu.memref_slice %arg2[%select_n3A_1411, %dma_wait3A_1523, %dma_wait3A_1524, %squeeze3A_1413, %dma_wait3A_1525] : memref<24x20x12x64x64xf32, #tpu.memory_space<hbm>> -> memref<1x20x12x1x64xf32, #tpu.memory_space<hbm>>
    %dma_wait3A_1527 = tpu.memref_squeeze %dma_wait3A_1526 : memref<1x20x12x1x64xf32, #tpu.memory_space<hbm>> -> memref<20x12x64xf32, #tpu.memory_space<hbm>>
    tpu.wait_dma2 semaphore(%arg12 : memref<!tpu.dma_semaphore, #tpu.memory_space<semaphore_mem>>) src(%dma_wait3A_1527 : memref<20x12x64xf32, #tpu.memory_space<hbm>>) dst(%dma_wait3A_1522 : memref<20x12x64xf32, #tpu.memory_space<vmem>>)
    %dma_wait3A_1528 = arith.constant 2 : i32
    %dma_wait3A_1529 = arith.constant 0 : i32
    %dma_wait3A_1530 = arith.constant 0 : i32
    %dma_wait3A_1531 = arith.constant 0 : i32
    %dma_wait3A_1532 = tpu.memref_slice %arg9[%dma_wait3A_1528, %dma_wait3A_1529, %dma_wait3A_1530, %dma_wait3A_1531] : memref<3x20x12x64xf32, #tpu.memory_space<vmem>> -> memref<1x20x12x64xf32, #tpu.memory_space<vmem>>
    %dma_wait3A_1533 = tpu.memref_squeeze %dma_wait3A_1532 : memref<1x20x12x64xf32, #tpu.memory_space<vmem>> -> memref<20x12x64xf32, #tpu.memory_space<vmem>>
    %dma_wait3A_1534 = arith.constant 0 : i32
    %dma_wait3A_1535 = arith.constant 0 : i32
    %dma_wait3A_1536 = arith.constant 0 : i32
    %dma_wait3A_1537 = tpu.memref_slice %arg2[%select_n3A_1462, %dma_wait3A_1534, %dma_wait3A_1535, %squeeze3A_1464, %dma_wait3A_1536] : memref<24x20x12x64x64xf32, #tpu.memory_space<hbm>> -> memref<1x20x12x1x64xf32, #tpu.memory_space<hbm>>
    %dma_wait3A_1538 = tpu.memref_squeeze %dma_wait3A_1537 : memref<1x20x12x1x64xf32, #tpu.memory_space<hbm>> -> memref<20x12x64xf32, #tpu.memory_space<hbm>>
    %dma_wait3A_1539 = arith.constant 0 : i32
    %dma_wait3A_1540 = arith.constant 0 : i32
    %dma_wait3A_1541 = arith.constant 0 : i32
    %dma_wait3A_1542 = tpu.memref_slice %arg9[%dma_wait3A_1528, %dma_wait3A_1539, %dma_wait3A_1540, %dma_wait3A_1541] : memref<3x20x12x64xf32, #tpu.memory_space<vmem>> -> memref<1x20x12x64xf32, #tpu.memory_space<vmem>>
    %dma_wait3A_1543 = tpu.memref_squeeze %dma_wait3A_1542 : memref<1x20x12x64xf32, #tpu.memory_space<vmem>> -> memref<20x12x64xf32, #tpu.memory_space<vmem>>
    %dma_wait3A_1544 = arith.constant 0 : i32
    %dma_wait3A_1545 = arith.constant 0 : i32
    %dma_wait3A_1546 = arith.constant 0 : i32
    %dma_wait3A_1547 = tpu.memref_slice %arg2[%select_n3A_1462, %dma_wait3A_1544, %dma_wait3A_1545, %squeeze3A_1464, %dma_wait3A_1546] : memref<24x20x12x64x64xf32, #tpu.memory_space<hbm>> -> memref<1x20x12x1x64xf32, #tpu.memory_space<hbm>>
    %dma_wait3A_1548 = tpu.memref_squeeze %dma_wait3A_1547 : memref<1x20x12x1x64xf32, #tpu.memory_space<hbm>> -> memref<20x12x64xf32, #tpu.memory_space<hbm>>
    tpu.wait_dma2 semaphore(%arg12 : memref<!tpu.dma_semaphore, #tpu.memory_space<semaphore_mem>>) src(%dma_wait3A_1548 : memref<20x12x64xf32, #tpu.memory_space<hbm>>) dst(%dma_wait3A_1543 : memref<20x12x64xf32, #tpu.memory_space<vmem>>)
    %add3A_1549 = arith.constant 18 : i32
    %add3A_1550 = arith.addi %mul3A_2, %add3A_1549 : i32
    "tpu.region"() ({
      %run_scoped3A = tpu.sem_alloc : memref<!tpu.dma_semaphore, #tpu.memory_space<semaphore_mem>>
      %dma_start3A_1776 = arith.constant 0 : i32
      %dma_start3A_1777 = arith.constant 0 : i32
      %dma_start3A_1778 = arith.constant 0 : i32
      %dma_start3A_1779 = tpu.memref_slice %arg6[%add3A_1550, %dma_start3A_1776, %dma_start3A_1777, %dma_start3A_1778] : memref<768x20x12x64xf32, #tpu.memory_space<hbm>> -> memref<3x20x12x64xf32, #tpu.memory_space<hbm>>
      %dma_start3A_1780 = arith.constant 0 : i32
      %dma_start3A_1781 = arith.constant 0 : i32
      %dma_start3A_1782 = arith.constant 0 : i32
      %dma_start3A_1783 = tpu.memref_slice %arg6[%add3A_1550, %dma_start3A_1780, %dma_start3A_1781, %dma_start3A_1782] : memref<768x20x12x64xf32, #tpu.memory_space<hbm>> -> memref<3x20x12x64xf32, #tpu.memory_space<hbm>>
      tpu.enqueue_dma source(%arg9 : memref<3x20x12x64xf32, #tpu.memory_space<vmem>>) target(%dma_start3A_1783 : memref<3x20x12x64xf32, #tpu.memory_space<hbm>>) target_semaphore(%run_scoped3A : memref<!tpu.dma_semaphore, #tpu.memory_space<semaphore_mem>>)
      %dma_wait3A_1784 = arith.constant 0 : i32
      %dma_wait3A_1785 = arith.constant 0 : i32
      %dma_wait3A_1786 = arith.constant 0 : i32
      %dma_wait3A_1787 = tpu.memref_slice %arg6[%add3A_1550, %dma_wait3A_1784, %dma_wait3A_1785, %dma_wait3A_1786] : memref<768x20x12x64xf32, #tpu.memory_space<hbm>> -> memref<3x20x12x64xf32, #tpu.memory_space<hbm>>
      %dma_wait3A_1788 = arith.constant 0 : i32
      %dma_wait3A_1789 = arith.constant 0 : i32
      %dma_wait3A_1790 = arith.constant 0 : i32
      %dma_wait3A_1791 = tpu.memref_slice %arg6[%add3A_1550, %dma_wait3A_1788, %dma_wait3A_1789, %dma_wait3A_1790] : memref<768x20x12x64xf32, #tpu.memory_space<hbm>> -> memref<3x20x12x64xf32, #tpu.memory_space<hbm>>
      tpu.wait_dma2 semaphore(%run_scoped3A : memref<!tpu.dma_semaphore, #tpu.memory_space<semaphore_mem>>) src(%arg9 : memref<3x20x12x64xf32, #tpu.memory_space<vmem>>) dst(%dma_wait3A_1791 : memref<3x20x12x64xf32, #tpu.memory_space<hbm>>)
      tpu.yield
    }) : () -> ()
    %get3A_1551 = arith.constant 7 : i32
    %get3A_1552 = arith.index_cast %get3A_1551 : i32 to index
    %get3A_1553 = arith.constant 0 : index
    %get3A_1554 = tpu.vector_load %arg8[%get3A_1552, %get3A_1553] {strides = array<i32>} : memref<8x16xi32, #tpu.memory_space<vmem>>, vector<1x16xi32>,
    %get3A_1555 = vector.shape_cast %get3A_1554 : vector<1x16xi32> to vector<16xi32>
    %add3A_1556 = arith.constant 21 : i32
    %add3A_1557 = arith.addi %mul3A_2, %add3A_1556 : i32
    %add3A_1558 = arith.constant 0 : i32
    %add3A_1559 = arith.addi %add3A_1557, %add3A_1558 : i32
    %jit3A_1560 = arith.constant 32 : i32
    %div3A_1561 = arith.divsi %add3A_1559, %jit3A_1560 : i32
    %sign3A_1562 = arith.constant 0 : i32
    %sign3A_1563 = arith.cmpi sgt, %add3A_1559, %sign3A_1562 : i32
    %sign3A_1564 = arith.extui %sign3A_1563 : i1 to i32
    %sign3A_1565 = arith.constant 0 : i32
    %sign3A_1566 = arith.cmpi slt, %add3A_1559, %sign3A_1565 : i32
    %sign3A_1567 = arith.extui %sign3A_1566 : i1 to i32
    %sign3A_1568 = arith.subi %sign3A_1564, %sign3A_1567 : i32
    %sign3A_1569 = arith.constant 0 : i32
    %sign3A_1570 = arith.cmpi sgt, %jit3A_1560, %sign3A_1569 : i32
    %sign3A_1571 = arith.extui %sign3A_1570 : i1 to i32
    %sign3A_1572 = arith.constant 0 : i32
    %sign3A_1573 = arith.cmpi slt, %jit3A_1560, %sign3A_1572 : i32
    %sign3A_1574 = arith.extui %sign3A_1573 : i1 to i32
    %sign3A_1575 = arith.subi %sign3A_1571, %sign3A_1574 : i32
    %ne3A_1576 = arith.cmpi ne, %sign3A_1568, %sign3A_1575 : i32
    %rem3A_1577 = arith.remsi %add3A_1559, %jit3A_1560 : i32
    %ne3A_1578 = arith.constant 0 : i32
    %ne3A_1579 = arith.cmpi ne, %rem3A_1577, %ne3A_1578 : i32
    %and3A_1580 = arith.andi %ne3A_1576, %ne3A_1579 : i1
    %sub3A_1581 = arith.constant 1 : i32
    %sub3A_1582 = arith.subi %div3A_1561, %sub3A_1581 : i32
    %select_n3A_1583 = arith.select %and3A_1580, %sub3A_1582, %div3A_1561 : i32
    %slice3A_1584 = vector.extract_strided_slice %get3A_1555 {offsets = [0], sizes = [1], strides = [1]} : vector<16xi32> to vector<1xi32>
    %squeeze3A_1585 = vector.extract %slice3A_1584[0] : i32 from vector<1xi32>
    %dma_start3A_1586 = arith.constant 0 : i32
    %dma_start3A_1587 = arith.constant 0 : i32
    %dma_start3A_1588 = arith.constant 0 : i32
    %dma_start3A_1589 = arith.constant 0 : i32
    %dma_start3A_1590 = tpu.memref_slice %arg9[%dma_start3A_1586, %dma_start3A_1587, %dma_start3A_1588, %dma_start3A_1589] : memref<3x20x12x64xf32, #tpu.memory_space<vmem>> -> memref<1x20x12x64xf32, #tpu.memory_space<vmem>>
    %dma_start3A_1591 = tpu.memref_squeeze %dma_start3A_1590 : memref<1x20x12x64xf32, #tpu.memory_space<vmem>> -> memref<20x12x64xf32, #tpu.memory_space<vmem>>
    %dma_start3A_1592 = arith.constant 0 : i32
    %dma_start3A_1593 = arith.constant 0 : i32
    %dma_start3A_1594 = arith.constant 0 : i32
    %dma_start3A_1595 = tpu.memref_slice %arg2[%select_n3A_1583, %dma_start3A_1592, %dma_start3A_1593, %squeeze3A_1585, %dma_start3A_1594] : memref<24x20x12x64x64xf32, #tpu.memory_space<hbm>> -> memref<1x20x12x1x64xf32, #tpu.memory_space<hbm>>
    %dma_start3A_1596 = tpu.memref_squeeze %dma_start3A_1595 : memref<1x20x12x1x64xf32, #tpu.memory_space<hbm>> -> memref<20x12x64xf32, #tpu.memory_space<hbm>>
    %dma_start3A_1597 = arith.constant 0 : i32
    %dma_start3A_1598 = arith.constant 0 : i32
    %dma_start3A_1599 = arith.constant 0 : i32
    %dma_start3A_1600 = tpu.memref_slice %arg9[%dma_start3A_1586, %dma_start3A_1597, %dma_start3A_1598, %dma_start3A_1599] : memref<3x20x12x64xf32, #tpu.memory_space<vmem>> -> memref<1x20x12x64xf32, #tpu.memory_space<vmem>>
    %dma_start3A_1601 = tpu.memref_squeeze %dma_start3A_1600 : memref<1x20x12x64xf32, #tpu.memory_space<vmem>> -> memref<20x12x64xf32, #tpu.memory_space<vmem>>
    %dma_start3A_1602 = arith.constant 0 : i32
    %dma_start3A_1603 = arith.constant 0 : i32
    %dma_start3A_1604 = arith.constant 0 : i32
    %dma_start3A_1605 = tpu.memref_slice %arg2[%select_n3A_1583, %dma_start3A_1602, %dma_start3A_1603, %squeeze3A_1585, %dma_start3A_1604] : memref<24x20x12x64x64xf32, #tpu.memory_space<hbm>> -> memref<1x20x12x1x64xf32, #tpu.memory_space<hbm>>
    %dma_start3A_1606 = tpu.memref_squeeze %dma_start3A_1605 : memref<1x20x12x1x64xf32, #tpu.memory_space<hbm>> -> memref<20x12x64xf32, #tpu.memory_space<hbm>>
    tpu.enqueue_dma source(%dma_start3A_1606 : memref<20x12x64xf32, #tpu.memory_space<hbm>>) target(%dma_start3A_1601 : memref<20x12x64xf32, #tpu.memory_space<vmem>>) target_semaphore(%arg12 : memref<!tpu.dma_semaphore, #tpu.memory_space<semaphore_mem>>)
    %add3A_1607 = arith.constant 21 : i32
    %add3A_1608 = arith.addi %mul3A_2, %add3A_1607 : i32
    %add3A_1609 = arith.constant 1 : i32
    %add3A_1610 = arith.addi %add3A_1608, %add3A_1609 : i32
    %jit3A_1611 = arith.constant 32 : i32
    %div3A_1612 = arith.divsi %add3A_1610, %jit3A_1611 : i32
    %sign3A_1613 = arith.constant 0 : i32
    %sign3A_1614 = arith.cmpi sgt, %add3A_1610, %sign3A_1613 : i32
    %sign3A_1615 = arith.extui %sign3A_1614 : i1 to i32
    %sign3A_1616 = arith.constant 0 : i32
    %sign3A_1617 = arith.cmpi slt, %add3A_1610, %sign3A_1616 : i32
    %sign3A_1618 = arith.extui %sign3A_1617 : i1 to i32
    %sign3A_1619 = arith.subi %sign3A_1615, %sign3A_1618 : i32
    %sign3A_1620 = arith.constant 0 : i32
    %sign3A_1621 = arith.cmpi sgt, %jit3A_1611, %sign3A_1620 : i32
    %sign3A_1622 = arith.extui %sign3A_1621 : i1 to i32
    %sign3A_1623 = arith.constant 0 : i32
    %sign3A_1624 = arith.cmpi slt, %jit3A_1611, %sign3A_1623 : i32
    %sign3A_1625 = arith.extui %sign3A_1624 : i1 to i32
    %sign3A_1626 = arith.subi %sign3A_1622, %sign3A_1625 : i32
    %ne3A_1627 = arith.cmpi ne, %sign3A_1619, %sign3A_1626 : i32
    %rem3A_1628 = arith.remsi %add3A_1610, %jit3A_1611 : i32
    %ne3A_1629 = arith.constant 0 : i32
    %ne3A_1630 = arith.cmpi ne, %rem3A_1628, %ne3A_1629 : i32
    %and3A_1631 = arith.andi %ne3A_1627, %ne3A_1630 : i1
    %sub3A_1632 = arith.constant 1 : i32
    %sub3A_1633 = arith.subi %div3A_1612, %sub3A_1632 : i32
    %select_n3A_1634 = arith.select %and3A_1631, %sub3A_1633, %div3A_1612 : i32
    %slice3A_1635 = vector.extract_strided_slice %get3A_1555 {offsets = [1], sizes = [1], strides = [1]} : vector<16xi32> to vector<1xi32>
    %squeeze3A_1636 = vector.extract %slice3A_1635[0] : i32 from vector<1xi32>
    %dma_start3A_1637 = arith.constant 1 : i32
    %dma_start3A_1638 = arith.constant 0 : i32
    %dma_start3A_1639 = arith.constant 0 : i32
    %dma_start3A_1640 = arith.constant 0 : i32
    %dma_start3A_1641 = tpu.memref_slice %arg9[%dma_start3A_1637, %dma_start3A_1638, %dma_start3A_1639, %dma_start3A_1640] : memref<3x20x12x64xf32, #tpu.memory_space<vmem>> -> memref<1x20x12x64xf32, #tpu.memory_space<vmem>>
    %dma_start3A_1642 = tpu.memref_squeeze %dma_start3A_1641 : memref<1x20x12x64xf32, #tpu.memory_space<vmem>> -> memref<20x12x64xf32, #tpu.memory_space<vmem>>
    %dma_start3A_1643 = arith.constant 0 : i32
    %dma_start3A_1644 = arith.constant 0 : i32
    %dma_start3A_1645 = arith.constant 0 : i32
    %dma_start3A_1646 = tpu.memref_slice %arg2[%select_n3A_1634, %dma_start3A_1643, %dma_start3A_1644, %squeeze3A_1636, %dma_start3A_1645] : memref<24x20x12x64x64xf32, #tpu.memory_space<hbm>> -> memref<1x20x12x1x64xf32, #tpu.memory_space<hbm>>
    %dma_start3A_1647 = tpu.memref_squeeze %dma_start3A_1646 : memref<1x20x12x1x64xf32, #tpu.memory_space<hbm>> -> memref<20x12x64xf32, #tpu.memory_space<hbm>>
    %dma_start3A_1648 = arith.constant 0 : i32
    %dma_start3A_1649 = arith.constant 0 : i32
    %dma_start3A_1650 = arith.constant 0 : i32
    %dma_start3A_1651 = tpu.memref_slice %arg9[%dma_start3A_1637, %dma_start3A_1648, %dma_start3A_1649, %dma_start3A_1650] : memref<3x20x12x64xf32, #tpu.memory_space<vmem>> -> memref<1x20x12x64xf32, #tpu.memory_space<vmem>>
    %dma_start3A_1652 = tpu.memref_squeeze %dma_start3A_1651 : memref<1x20x12x64xf32, #tpu.memory_space<vmem>> -> memref<20x12x64xf32, #tpu.memory_space<vmem>>
    %dma_start3A_1653 = arith.constant 0 : i32
    %dma_start3A_1654 = arith.constant 0 : i32
    %dma_start3A_1655 = arith.constant 0 : i32
    %dma_start3A_1656 = tpu.memref_slice %arg2[%select_n3A_1634, %dma_start3A_1653, %dma_start3A_1654, %squeeze3A_1636, %dma_start3A_1655] : memref<24x20x12x64x64xf32, #tpu.memory_space<hbm>> -> memref<1x20x12x1x64xf32, #tpu.memory_space<hbm>>
    %dma_start3A_1657 = tpu.memref_squeeze %dma_start3A_1656 : memref<1x20x12x1x64xf32, #tpu.memory_space<hbm>> -> memref<20x12x64xf32, #tpu.memory_space<hbm>>
    tpu.enqueue_dma source(%dma_start3A_1657 : memref<20x12x64xf32, #tpu.memory_space<hbm>>) target(%dma_start3A_1652 : memref<20x12x64xf32, #tpu.memory_space<vmem>>) target_semaphore(%arg12 : memref<!tpu.dma_semaphore, #tpu.memory_space<semaphore_mem>>)
    %add3A_1658 = arith.constant 21 : i32
    %add3A_1659 = arith.addi %mul3A_2, %add3A_1658 : i32
    %add3A_1660 = arith.constant 2 : i32
    %add3A_1661 = arith.addi %add3A_1659, %add3A_1660 : i32
    %jit3A_1662 = arith.constant 32 : i32
    %div3A_1663 = arith.divsi %add3A_1661, %jit3A_1662 : i32
    %sign3A_1664 = arith.constant 0 : i32
    %sign3A_1665 = arith.cmpi sgt, %add3A_1661, %sign3A_1664 : i32
    %sign3A_1666 = arith.extui %sign3A_1665 : i1 to i32
    %sign3A_1667 = arith.constant 0 : i32
    %sign3A_1668 = arith.cmpi slt, %add3A_1661, %sign3A_1667 : i32
    %sign3A_1669 = arith.extui %sign3A_1668 : i1 to i32
    %sign3A_1670 = arith.subi %sign3A_1666, %sign3A_1669 : i32
    %sign3A_1671 = arith.constant 0 : i32
    %sign3A_1672 = arith.cmpi sgt, %jit3A_1662, %sign3A_1671 : i32
    %sign3A_1673 = arith.extui %sign3A_1672 : i1 to i32
    %sign3A_1674 = arith.constant 0 : i32
    %sign3A_1675 = arith.cmpi slt, %jit3A_1662, %sign3A_1674 : i32
    %sign3A_1676 = arith.extui %sign3A_1675 : i1 to i32
    %sign3A_1677 = arith.subi %sign3A_1673, %sign3A_1676 : i32
    %ne3A_1678 = arith.cmpi ne, %sign3A_1670, %sign3A_1677 : i32
    %rem3A_1679 = arith.remsi %add3A_1661, %jit3A_1662 : i32
    %ne3A_1680 = arith.constant 0 : i32
    %ne3A_1681 = arith.cmpi ne, %rem3A_1679, %ne3A_1680 : i32
    %and3A_1682 = arith.andi %ne3A_1678, %ne3A_1681 : i1
    %sub3A_1683 = arith.constant 1 : i32
    %sub3A_1684 = arith.subi %div3A_1663, %sub3A_1683 : i32
    %select_n3A_1685 = arith.select %and3A_1682, %sub3A_1684, %div3A_1663 : i32
    %slice3A_1686 = vector.extract_strided_slice %get3A_1555 {offsets = [2], sizes = [1], strides = [1]} : vector<16xi32> to vector<1xi32>
    %squeeze3A_1687 = vector.extract %slice3A_1686[0] : i32 from vector<1xi32>
    %dma_start3A_1688 = arith.constant 2 : i32
    %dma_start3A_1689 = arith.constant 0 : i32
    %dma_start3A_1690 = arith.constant 0 : i32
    %dma_start3A_1691 = arith.constant 0 : i32
    %dma_start3A_1692 = tpu.memref_slice %arg9[%dma_start3A_1688, %dma_start3A_1689, %dma_start3A_1690, %dma_start3A_1691] : memref<3x20x12x64xf32, #tpu.memory_space<vmem>> -> memref<1x20x12x64xf32, #tpu.memory_space<vmem>>
    %dma_start3A_1693 = tpu.memref_squeeze %dma_start3A_1692 : memref<1x20x12x64xf32, #tpu.memory_space<vmem>> -> memref<20x12x64xf32, #tpu.memory_space<vmem>>
    %dma_start3A_1694 = arith.constant 0 : i32
    %dma_start3A_1695 = arith.constant 0 : i32
    %dma_start3A_1696 = arith.constant 0 : i32
    %dma_start3A_1697 = tpu.memref_slice %arg2[%select_n3A_1685, %dma_start3A_1694, %dma_start3A_1695, %squeeze3A_1687, %dma_start3A_1696] : memref<24x20x12x64x64xf32, #tpu.memory_space<hbm>> -> memref<1x20x12x1x64xf32, #tpu.memory_space<hbm>>
    %dma_start3A_1698 = tpu.memref_squeeze %dma_start3A_1697 : memref<1x20x12x1x64xf32, #tpu.memory_space<hbm>> -> memref<20x12x64xf32, #tpu.memory_space<hbm>>
    %dma_start3A_1699 = arith.constant 0 : i32
    %dma_start3A_1700 = arith.constant 0 : i32
    %dma_start3A_1701 = arith.constant 0 : i32
    %dma_start3A_1702 = tpu.memref_slice %arg9[%dma_start3A_1688, %dma_start3A_1699, %dma_start3A_1700, %dma_start3A_1701] : memref<3x20x12x64xf32, #tpu.memory_space<vmem>> -> memref<1x20x12x64xf32, #tpu.memory_space<vmem>>
    %dma_start3A_1703 = tpu.memref_squeeze %dma_start3A_1702 : memref<1x20x12x64xf32, #tpu.memory_space<vmem>> -> memref<20x12x64xf32, #tpu.memory_space<vmem>>
    %dma_start3A_1704 = arith.constant 0 : i32
    %dma_start3A_1705 = arith.constant 0 : i32
    %dma_start3A_1706 = arith.constant 0 : i32
    %dma_start3A_1707 = tpu.memref_slice %arg2[%select_n3A_1685, %dma_start3A_1704, %dma_start3A_1705, %squeeze3A_1687, %dma_start3A_1706] : memref<24x20x12x64x64xf32, #tpu.memory_space<hbm>> -> memref<1x20x12x1x64xf32, #tpu.memory_space<hbm>>
    %dma_start3A_1708 = tpu.memref_squeeze %dma_start3A_1707 : memref<1x20x12x1x64xf32, #tpu.memory_space<hbm>> -> memref<20x12x64xf32, #tpu.memory_space<hbm>>
    tpu.enqueue_dma source(%dma_start3A_1708 : memref<20x12x64xf32, #tpu.memory_space<hbm>>) target(%dma_start3A_1703 : memref<20x12x64xf32, #tpu.memory_space<vmem>>) target_semaphore(%arg12 : memref<!tpu.dma_semaphore, #tpu.memory_space<semaphore_mem>>)
    %dma_wait3A_1709 = arith.constant 0 : i32
    %dma_wait3A_1710 = arith.constant 0 : i32
    %dma_wait3A_1711 = arith.constant 0 : i32
    %dma_wait3A_1712 = arith.constant 0 : i32
    %dma_wait3A_1713 = tpu.memref_slice %arg9[%dma_wait3A_1709, %dma_wait3A_1710, %dma_wait3A_1711, %dma_wait3A_1712] : memref<3x20x12x64xf32, #tpu.memory_space<vmem>> -> memref<1x20x12x64xf32, #tpu.memory_space<vmem>>
    %dma_wait3A_1714 = tpu.memref_squeeze %dma_wait3A_1713 : memref<1x20x12x64xf32, #tpu.memory_space<vmem>> -> memref<20x12x64xf32, #tpu.memory_space<vmem>>
    %dma_wait3A_1715 = arith.constant 0 : i32
    %dma_wait3A_1716 = arith.constant 0 : i32
    %dma_wait3A_1717 = arith.constant 0 : i32
    %dma_wait3A_1718 = tpu.memref_slice %arg2[%select_n3A_1583, %dma_wait3A_1715, %dma_wait3A_1716, %squeeze3A_1585, %dma_wait3A_1717] : memref<24x20x12x64x64xf32, #tpu.memory_space<hbm>> -> memref<1x20x12x1x64xf32, #tpu.memory_space<hbm>>
    %dma_wait3A_1719 = tpu.memref_squeeze %dma_wait3A_1718 : memref<1x20x12x1x64xf32, #tpu.memory_space<hbm>> -> memref<20x12x64xf32, #tpu.memory_space<hbm>>
    %dma_wait3A_1720 = arith.constant 0 : i32
    %dma_wait3A_1721 = arith.constant 0 : i32
    %dma_wait3A_1722 = arith.constant 0 : i32
    %dma_wait3A_1723 = tpu.memref_slice %arg9[%dma_wait3A_1709, %dma_wait3A_1720, %dma_wait3A_1721, %dma_wait3A_1722] : memref<3x20x12x64xf32, #tpu.memory_space<vmem>> -> memref<1x20x12x64xf32, #tpu.memory_space<vmem>>
    %dma_wait3A_1724 = tpu.memref_squeeze %dma_wait3A_1723 : memref<1x20x12x64xf32, #tpu.memory_space<vmem>> -> memref<20x12x64xf32, #tpu.memory_space<vmem>>
    %dma_wait3A_1725 = arith.constant 0 : i32
    %dma_wait3A_1726 = arith.constant 0 : i32
    %dma_wait3A_1727 = arith.constant 0 : i32
    %dma_wait3A_1728 = tpu.memref_slice %arg2[%select_n3A_1583, %dma_wait3A_1725, %dma_wait3A_1726, %squeeze3A_1585, %dma_wait3A_1727] : memref<24x20x12x64x64xf32, #tpu.memory_space<hbm>> -> memref<1x20x12x1x64xf32, #tpu.memory_space<hbm>>
    %dma_wait3A_1729 = tpu.memref_squeeze %dma_wait3A_1728 : memref<1x20x12x1x64xf32, #tpu.memory_space<hbm>> -> memref<20x12x64xf32, #tpu.memory_space<hbm>>
    tpu.wait_dma2 semaphore(%arg12 : memref<!tpu.dma_semaphore, #tpu.memory_space<semaphore_mem>>) src(%dma_wait3A_1729 : memref<20x12x64xf32, #tpu.memory_space<hbm>>) dst(%dma_wait3A_1724 : memref<20x12x64xf32, #tpu.memory_space<vmem>>)
    %dma_wait3A_1730 = arith.constant 1 : i32
    %dma_wait3A_1731 = arith.constant 0 : i32
    %dma_wait3A_1732 = arith.constant 0 : i32
    %dma_wait3A_1733 = arith.constant 0 : i32
    %dma_wait3A_1734 = tpu.memref_slice %arg9[%dma_wait3A_1730, %dma_wait3A_1731, %dma_wait3A_1732, %dma_wait3A_1733] : memref<3x20x12x64xf32, #tpu.memory_space<vmem>> -> memref<1x20x12x64xf32, #tpu.memory_space<vmem>>
    %dma_wait3A_1735 = tpu.memref_squeeze %dma_wait3A_1734 : memref<1x20x12x64xf32, #tpu.memory_space<vmem>> -> memref<20x12x64xf32, #tpu.memory_space<vmem>>
    %dma_wait3A_1736 = arith.constant 0 : i32
    %dma_wait3A_1737 = arith.constant 0 : i32
    %dma_wait3A_1738 = arith.constant 0 : i32
    %dma_wait3A_1739 = tpu.memref_slice %arg2[%select_n3A_1634, %dma_wait3A_1736, %dma_wait3A_1737, %squeeze3A_1636, %dma_wait3A_1738] : memref<24x20x12x64x64xf32, #tpu.memory_space<hbm>> -> memref<1x20x12x1x64xf32, #tpu.memory_space<hbm>>
    %dma_wait3A_1740 = tpu.memref_squeeze %dma_wait3A_1739 : memref<1x20x12x1x64xf32, #tpu.memory_space<hbm>> -> memref<20x12x64xf32, #tpu.memory_space<hbm>>
    %dma_wait3A_1741 = arith.constant 0 : i32
    %dma_wait3A_1742 = arith.constant 0 : i32
    %dma_wait3A_1743 = arith.constant 0 : i32
    %dma_wait3A_1744 = tpu.memref_slice %arg9[%dma_wait3A_1730, %dma_wait3A_1741, %dma_wait3A_1742, %dma_wait3A_1743] : memref<3x20x12x64xf32, #tpu.memory_space<vmem>> -> memref<1x20x12x64xf32, #tpu.memory_space<vmem>>
    %dma_wait3A_1745 = tpu.memref_squeeze %dma_wait3A_1744 : memref<1x20x12x64xf32, #tpu.memory_space<vmem>> -> memref<20x12x64xf32, #tpu.memory_space<vmem>>
    %dma_wait3A_1746 = arith.constant 0 : i32
    %dma_wait3A_1747 = arith.constant 0 : i32
    %dma_wait3A_1748 = arith.constant 0 : i32
    %dma_wait3A_1749 = tpu.memref_slice %arg2[%select_n3A_1634, %dma_wait3A_1746, %dma_wait3A_1747, %squeeze3A_1636, %dma_wait3A_1748] : memref<24x20x12x64x64xf32, #tpu.memory_space<hbm>> -> memref<1x20x12x1x64xf32, #tpu.memory_space<hbm>>
    %dma_wait3A_1750 = tpu.memref_squeeze %dma_wait3A_1749 : memref<1x20x12x1x64xf32, #tpu.memory_space<hbm>> -> memref<20x12x64xf32, #tpu.memory_space<hbm>>
    tpu.wait_dma2 semaphore(%arg12 : memref<!tpu.dma_semaphore, #tpu.memory_space<semaphore_mem>>) src(%dma_wait3A_1750 : memref<20x12x64xf32, #tpu.memory_space<hbm>>) dst(%dma_wait3A_1745 : memref<20x12x64xf32, #tpu.memory_space<vmem>>)
    %dma_wait3A_1751 = arith.constant 2 : i32
    %dma_wait3A_1752 = arith.constant 0 : i32
    %dma_wait3A_1753 = arith.constant 0 : i32
    %dma_wait3A_1754 = arith.constant 0 : i32
    %dma_wait3A_1755 = tpu.memref_slice %arg9[%dma_wait3A_1751, %dma_wait3A_1752, %dma_wait3A_1753, %dma_wait3A_1754] : memref<3x20x12x64xf32, #tpu.memory_space<vmem>> -> memref<1x20x12x64xf32, #tpu.memory_space<vmem>>
    %dma_wait3A_1756 = tpu.memref_squeeze %dma_wait3A_1755 : memref<1x20x12x64xf32, #tpu.memory_space<vmem>> -> memref<20x12x64xf32, #tpu.memory_space<vmem>>
    %dma_wait3A_1757 = arith.constant 0 : i32
    %dma_wait3A_1758 = arith.constant 0 : i32
    %dma_wait3A_1759 = arith.constant 0 : i32
    %dma_wait3A_1760 = tpu.memref_slice %arg2[%select_n3A_1685, %dma_wait3A_1757, %dma_wait3A_1758, %squeeze3A_1687, %dma_wait3A_1759] : memref<24x20x12x64x64xf32, #tpu.memory_space<hbm>> -> memref<1x20x12x1x64xf32, #tpu.memory_space<hbm>>
    %dma_wait3A_1761 = tpu.memref_squeeze %dma_wait3A_1760 : memref<1x20x12x1x64xf32, #tpu.memory_space<hbm>> -> memref<20x12x64xf32, #tpu.memory_space<hbm>>
    %dma_wait3A_1762 = arith.constant 0 : i32
    %dma_wait3A_1763 = arith.constant 0 : i32
    %dma_wait3A_1764 = arith.constant 0 : i32
    %dma_wait3A_1765 = tpu.memref_slice %arg9[%dma_wait3A_1751, %dma_wait3A_1762, %dma_wait3A_1763, %dma_wait3A_1764] : memref<3x20x12x64xf32, #tpu.memory_space<vmem>> -> memref<1x20x12x64xf32, #tpu.memory_space<vmem>>
    %dma_wait3A_1766 = tpu.memref_squeeze %dma_wait3A_1765 : memref<1x20x12x64xf32, #tpu.memory_space<vmem>> -> memref<20x12x64xf32, #tpu.memory_space<vmem>>
    %dma_wait3A_1767 = arith.constant 0 : i32
    %dma_wait3A_1768 = arith.constant 0 : i32
    %dma_wait3A_1769 = arith.constant 0 : i32
    %dma_wait3A_1770 = tpu.memref_slice %arg2[%select_n3A_1685, %dma_wait3A_1767, %dma_wait3A_1768, %squeeze3A_1687, %dma_wait3A_1769] : memref<24x20x12x64x64xf32, #tpu.memory_space<hbm>> -> memref<1x20x12x1x64xf32, #tpu.memory_space<hbm>>
    %dma_wait3A_1771 = tpu.memref_squeeze %dma_wait3A_1770 : memref<1x20x12x1x64xf32, #tpu.memory_space<hbm>> -> memref<20x12x64xf32, #tpu.memory_space<hbm>>
    tpu.wait_dma2 semaphore(%arg12 : memref<!tpu.dma_semaphore, #tpu.memory_space<semaphore_mem>>) src(%dma_wait3A_1771 : memref<20x12x64xf32, #tpu.memory_space<hbm>>) dst(%dma_wait3A_1766 : memref<20x12x64xf32, #tpu.memory_space<vmem>>)
    %add3A_1772 = arith.constant 21 : i32
    %add3A_1773 = arith.addi %mul3A_2, %add3A_1772 : i32
    "tpu.region"() ({
      %run_scoped3A = tpu.sem_alloc : memref<!tpu.dma_semaphore, #tpu.memory_space<semaphore_mem>>
      %dma_start3A_1776 = arith.constant 0 : i32
      %dma_start3A_1777 = arith.constant 0 : i32
      %dma_start3A_1778 = arith.constant 0 : i32
      %dma_start3A_1779 = tpu.memref_slice %arg6[%add3A_1773, %dma_start3A_1776, %dma_start3A_1777, %dma_start3A_1778] : memref<768x20x12x64xf32, #tpu.memory_space<hbm>> -> memref<3x20x12x64xf32, #tpu.memory_space<hbm>>
      %dma_start3A_1780 = arith.constant 0 : i32
      %dma_start3A_1781 = arith.constant 0 : i32
      %dma_start3A_1782 = arith.constant 0 : i32
      %dma_start3A_1783 = tpu.memref_slice %arg6[%add3A_1773, %dma_start3A_1780, %dma_start3A_1781, %dma_start3A_1782] : memref<768x20x12x64xf32, #tpu.memory_space<hbm>> -> memref<3x20x12x64xf32, #tpu.memory_space<hbm>>
      tpu.enqueue_dma source(%arg9 : memref<3x20x12x64xf32, #tpu.memory_space<vmem>>) target(%dma_start3A_1783 : memref<3x20x12x64xf32, #tpu.memory_space<hbm>>) target_semaphore(%run_scoped3A : memref<!tpu.dma_semaphore, #tpu.memory_space<semaphore_mem>>)
      %dma_wait3A_1784 = arith.constant 0 : i32
      %dma_wait3A_1785 = arith.constant 0 : i32
      %dma_wait3A_1786 = arith.constant 0 : i32
      %dma_wait3A_1787 = tpu.memref_slice %arg6[%add3A_1773, %dma_wait3A_1784, %dma_wait3A_1785, %dma_wait3A_1786] : memref<768x20x12x64xf32, #tpu.memory_space<hbm>> -> memref<3x20x12x64xf32, #tpu.memory_space<hbm>>
      %dma_wait3A_1788 = arith.constant 0 : i32
      %dma_wait3A_1789 = arith.constant 0 : i32
      %dma_wait3A_1790 = arith.constant 0 : i32
      %dma_wait3A_1791 = tpu.memref_slice %arg6[%add3A_1773, %dma_wait3A_1788, %dma_wait3A_1789, %dma_wait3A_1790] : memref<768x20x12x64xf32, #tpu.memory_space<hbm>> -> memref<3x20x12x64xf32, #tpu.memory_space<hbm>>
      tpu.wait_dma2 semaphore(%run_scoped3A : memref<!tpu.dma_semaphore, #tpu.memory_space<semaphore_mem>>) src(%arg9 : memref<3x20x12x64xf32, #tpu.memory_space<vmem>>) dst(%dma_wait3A_1791 : memref<3x20x12x64xf32, #tpu.memory_space<hbm>>)
      tpu.yield
    }) : () -> ()
    %lt3A = arith.constant 4 : i32
    %lt3A_1774 = arith.cmpi slt, %add3A, %lt3A : i32
    %convert_element_type3A = arith.extui %lt3A_1774 : i1 to i32
    %cond3A = arith.constant 0 : i32
    %cond3A_1775 = arith.cmpi ne, %convert_element_type3A, %cond3A : i32
    scf.if %cond3A_1775 {
      "tpu.region"() ({
        %run_scoped3A = tpu.sem_alloc : memref<!tpu.dma_semaphore, #tpu.memory_space<semaphore_mem>>
        %dma_start3A_1792 = arith.constant 0 : i32
        %dma_start3A_1793 = arith.constant 0 : i32
        %dma_start3A_1794 = tpu.memref_slice %arg5[%add3A, %dma_start3A_1792, %dma_start3A_1793] : memref<4x1x8xi32, #tpu.memory_space<hbm>> -> memref<1x1x8xi32, #tpu.memory_space<hbm>>
        %dma_start3A_1795 = tpu.memref_squeeze %dma_start3A_1794 : memref<1x1x8xi32, #tpu.memory_space<hbm>> -> memref<1x8xi32, #tpu.memory_space<hbm>>
        %dma_start3A_1796 = arith.constant 0 : i32
        %dma_start3A_1797 = arith.constant 0 : i32
        %dma_start3A_1798 = tpu.memref_slice %arg5[%add3A, %dma_start3A_1796, %dma_start3A_1797] : memref<4x1x8xi32, #tpu.memory_space<hbm>> -> memref<1x1x8xi32, #tpu.memory_space<hbm>>
        %dma_start3A_1799 = tpu.memref_squeeze %dma_start3A_1798 : memref<1x1x8xi32, #tpu.memory_space<hbm>> -> memref<1x8xi32, #tpu.memory_space<hbm>>
        tpu.enqueue_dma source(%dma_start3A_1799 : memref<1x8xi32, #tpu.memory_space<hbm>>) target(%arg10 : memref<1x8xi32, #tpu.memory_space<vmem>>) target_semaphore(%run_scoped3A : memref<!tpu.dma_semaphore, #tpu.memory_space<semaphore_mem>>)
        %dma_wait3A_1800 = arith.constant 0 : i32
        %dma_wait3A_1801 = arith.constant 0 : i32
        %dma_wait3A_1802 = tpu.memref_slice %arg5[%add3A, %dma_wait3A_1800, %dma_wait3A_1801] : memref<4x1x8xi32, #tpu.memory_space<hbm>> -> memref<1x1x8xi32, #tpu.memory_space<hbm>>
        %dma_wait3A_1803 = tpu.memref_squeeze %dma_wait3A_1802 : memref<1x1x8xi32, #tpu.memory_space<hbm>> -> memref<1x8xi32, #tpu.memory_space<hbm>>
        %dma_wait3A_1804 = arith.constant 0 : i32
        %dma_wait3A_1805 = arith.constant 0 : i32
        %dma_wait3A_1806 = tpu.memref_slice %arg5[%add3A, %dma_wait3A_1804, %dma_wait3A_1805] : memref<4x1x8xi32, #tpu.memory_space<hbm>> -> memref<1x1x8xi32, #tpu.memory_space<hbm>>
        %dma_wait3A_1807 = tpu.memref_squeeze %dma_wait3A_1806 : memref<1x1x8xi32, #tpu.memory_space<hbm>> -> memref<1x8xi32, #tpu.memory_space<hbm>>
        tpu.wait_dma2 semaphore(%run_scoped3A : memref<!tpu.dma_semaphore, #tpu.memory_space<semaphore_mem>>) src(%dma_wait3A_1807 : memref<1x8xi32, #tpu.memory_space<hbm>>) dst(%arg10 : memref<1x8xi32, #tpu.memory_space<vmem>>)
        tpu.yield
      }) : () -> ()
      %dma_start3A_1776 = arith.constant 0 : i32
      %dma_start3A_1777 = arith.constant 0 : i32
      %dma_start3A_1778 = tpu.memref_slice %arg10[%dma_start3A_1776, %dma_start3A_1777] : memref<1x8xi32, #tpu.memory_space<vmem>> -> memref<1x8xi32, #tpu.memory_space<vmem>>
      %dma_start3A_1779 = tpu.memref_squeeze %dma_start3A_1778 : memref<1x8xi32, #tpu.memory_space<vmem>> -> memref<8xi32, #tpu.memory_space<vmem>>
      %dma_start3A_1780 = arith.constant 0 : i32
      %dma_start3A_1781 = arith.constant 0 : i32
      %dma_start3A_1782 = tpu.memref_slice %arg4[%dma_start3A_1780, %dma_start3A_1781] : memref<64x768xf32, #tpu.memory_space<hbm>> -> memref<64x768xf32, #tpu.memory_space<hbm>>
      tpu.enqueue_indirect_dma source(%dma_start3A_1782 : memref<64x768xf32, #tpu.memory_space<hbm>>) target(%arg11 : memref<8x768xf32, #tpu.memory_space<vmem>>) offsets(%dma_start3A_1779 : memref<8xi32, #tpu.memory_space<vmem>>) semaphore(%arg12 : memref<!tpu.dma_semaphore, #tpu.memory_space<semaphore_mem>>)
      %dma_wait3A_1783 = arith.constant 0 : i32
      %dma_wait3A_1784 = arith.constant 0 : i32
      %dma_wait3A_1785 = tpu.memref_slice %arg10[%dma_wait3A_1783, %dma_wait3A_1784] : memref<1x8xi32, #tpu.memory_space<vmem>> -> memref<1x8xi32, #tpu.memory_space<vmem>>
      %dma_wait3A_1786 = tpu.memref_squeeze %dma_wait3A_1785 : memref<1x8xi32, #tpu.memory_space<vmem>> -> memref<8xi32, #tpu.memory_space<vmem>>
      %dma_wait3A_1787 = arith.constant 0 : i32
      %dma_wait3A_1788 = arith.constant 0 : i32
      %dma_wait3A_1789 = tpu.memref_slice %arg4[%dma_wait3A_1787, %dma_wait3A_1788] : memref<64x768xf32, #tpu.memory_space<hbm>> -> memref<64x768xf32, #tpu.memory_space<hbm>>
      tpu.wait_indirect_dma semaphore(%arg12 : memref<!tpu.dma_semaphore, #tpu.memory_space<semaphore_mem>>) src(%dma_wait3A_1789 : memref<64x768xf32, #tpu.memory_space<hbm>>) dst(%arg11 : memref<8x768xf32, #tpu.memory_space<vmem>>)
      %mul3A_1790 = arith.constant 8 : i32
      %mul3A_1791 = arith.muli %add3A, %mul3A_1790 : i32
      "tpu.region"() ({
        %run_scoped3A = tpu.sem_alloc : memref<!tpu.dma_semaphore, #tpu.memory_space<semaphore_mem>>
        %dma_start3A_1792 = arith.constant 0 : i32
        %dma_start3A_1793 = tpu.memref_slice %arg7[%mul3A_1791, %dma_start3A_1792] : memref<32x768xf32, #tpu.memory_space<hbm>> -> memref<8x768xf32, #tpu.memory_space<hbm>>
        %dma_start3A_1794 = arith.constant 0 : i32
        %dma_start3A_1795 = tpu.memref_slice %arg7[%mul3A_1791, %dma_start3A_1794] : memref<32x768xf32, #tpu.memory_space<hbm>> -> memref<8x768xf32, #tpu.memory_space<hbm>>
        tpu.enqueue_dma source(%arg11 : memref<8x768xf32, #tpu.memory_space<vmem>>) target(%dma_start3A_1795 : memref<8x768xf32, #tpu.memory_space<hbm>>) target_semaphore(%run_scoped3A : memref<!tpu.dma_semaphore, #tpu.memory_space<semaphore_mem>>)
        %dma_wait3A_1796 = arith.constant 0 : i32
        %dma_wait3A_1797 = tpu.memref_slice %arg7[%mul3A_1791, %dma_wait3A_1796] : memref<32x768xf32, #tpu.memory_space<hbm>> -> memref<8x768xf32, #tpu.memory_space<hbm>>
        %dma_wait3A_1798 = arith.constant 0 : i32
        %dma_wait3A_1799 = tpu.memref_slice %arg7[%mul3A_1791, %dma_wait3A_1798] : memref<32x768xf32, #tpu.memory_space<hbm>> -> memref<8x768xf32, #tpu.memory_space<hbm>>
        tpu.wait_dma2 semaphore(%run_scoped3A : memref<!tpu.dma_semaphore, #tpu.memory_space<semaphore_mem>>) src(%arg11 : memref<8x768xf32, #tpu.memory_space<vmem>>) dst(%dma_wait3A_1799 : memref<8x768xf32, #tpu.memory_space<hbm>>)
        tpu.yield
      }) : () -> ()
    } else {
    }
    return
  }
}

module attributes {stable_mosaic.version = 14 : i64} {
  func.func @_head_body(%arg0: i32, %arg1: memref<4x256x768xf32, #tpu.memory_space<vmem>>, %arg2: memref<1xi32, #tpu.memory_space<smem>>, %arg3: memref<64x768xf32, #tpu.memory_space<vmem>>, %arg4: memref<4x8xi32, #tpu.memory_space<vmem>>, %arg5: memref<64x768xf32, #tpu.memory_space<vmem>>, %arg6: memref<4x768xf32, #tpu.memory_space<vmem>>, %arg7: memref<4x64xf32, #tpu.memory_space<vmem>>, %arg8: memref<1x1xf32, #tpu.memory_space<vmem>>, %arg9: memref<4x768xf32, #tpu.memory_space<vmem>>) attributes {dimension_semantics = [#tpu.dimension_semantics<arbitrary>], iteration_bounds = array<i64: 8>, scalar_prefetch = 0 : i64, scratch_operands = 1 : i64, tpu.core_type = #tpu.core_type<tc>, window_params = [{transform_indices = @transform_0, window_bounds = array<i64: 4, 256, 768>}, {transform_indices = @transform_1, window_bounds = array<i64: 1>}, {pipeline_mode = #tpu.pipeline_mode<synchronous>, transform_indices = @transform_2, window_bounds = array<i64: 64, 768>}, {pipeline_mode = #tpu.pipeline_mode<synchronous>, transform_indices = @transform_3, window_bounds = array<i64: 4, 8>}, {pipeline_mode = #tpu.pipeline_mode<synchronous>, transform_indices = @transform_4, window_bounds = array<i64: 64, 768>}, {pipeline_mode = #tpu.pipeline_mode<synchronous>, transform_indices = @transform_5, window_bounds = array<i64: 4, 768>}, {pipeline_mode = #tpu.pipeline_mode<synchronous>, transform_indices = @transform_6, window_bounds = array<i64: 4, 64>}, {pipeline_mode = #tpu.pipeline_mode<synchronous>, transform_indices = @transform_7, window_bounds = array<i64: 1, 1>}]} {
    %get3A = arith.constant 0 : index
    %get3A_0 = arith.constant 0 : index
    %get3A_1 = arith.constant 0 : index
    %get3A_2 = vector.load %arg1[%get3A, %get3A_0, %get3A_1] : memref<4x256x768xf32, #tpu.memory_space<vmem>>, vector<4x256x768xf32>
    %reduce_max3A = arith.constant dense<0xFF800000> : vector<4x768xf32>
    %reduce_max3A_3 = vector.multi_reduction <maximumf>, %get3A_2, %reduce_max3A [1] : vector<4x256x768xf32> to vector<4x768xf32>
    %eq3A = arith.constant 0 : i32
    %eq3A_4 = arith.cmpi eq, %arg0, %eq3A : i32
    %convert_element_type3A = arith.extui %eq3A_4 : i1 to i32
    %cond3A = arith.constant 0 : i32
    %cond3A_5 = arith.cmpi ne, %convert_element_type3A, %cond3A : i32
    scf.if %cond3A_5 {
      %swap3A = arith.constant 0 : index
      %swap3A_15 = arith.constant 0 : index
      %swap3A_16 = vector.load %arg9[%swap3A, %swap3A_15] : memref<4x768xf32, #tpu.memory_space<vmem>>, vector<4x768xf32>
      tpu.vector_store %arg9[%swap3A, %swap3A_15], %reduce_max3A_3 {strides = array<i32>} : memref<4x768xf32, #tpu.memory_space<vmem>>, vector<4x768xf32>,
    } else {
    }
    %gt3A = arith.constant 0 : i32
    %gt3A_6 = arith.cmpi sgt, %arg0, %gt3A : i32
    %convert_element_type3A_7 = arith.extui %gt3A_6 : i1 to i32
    %cond3A_8 = arith.constant 0 : i32
    %cond3A_9 = arith.cmpi ne, %convert_element_type3A_7, %cond3A_8 : i32
    scf.if %cond3A_9 {
      %get3A_15 = arith.constant 0 : index
      %get3A_16 = arith.constant 0 : index
      %get3A_17 = vector.load %arg9[%get3A_15, %get3A_16] : memref<4x768xf32, #tpu.memory_space<vmem>>, vector<4x768xf32>
      %max3A = arith.maximumf %get3A_17, %reduce_max3A_3 : vector<4x768xf32>
      %swap3A = arith.constant 0 : index
      %swap3A_18 = arith.constant 0 : index
      %swap3A_19 = vector.load %arg9[%swap3A, %swap3A_18] : memref<4x768xf32, #tpu.memory_space<vmem>>, vector<4x768xf32>
      tpu.vector_store %arg9[%swap3A, %swap3A_18], %max3A {strides = array<i32>} : memref<4x768xf32, #tpu.memory_space<vmem>>, vector<4x768xf32>,
    } else {
    }
    %eq3A_10 = arith.constant 7 : i32
    %eq3A_11 = arith.cmpi eq, %arg0, %eq3A_10 : i32
    %convert_element_type3A_12 = arith.extui %eq3A_11 : i1 to i32
    %cond3A_13 = arith.constant 0 : i32
    %cond3A_14 = arith.cmpi ne, %convert_element_type3A_12, %cond3A_13 : i32
    scf.if %cond3A_14 {
      %get3A_15 = arith.constant 0 : index
      %get3A_16 = arith.constant 0 : index
      %get3A_17 = vector.load %arg9[%get3A_15, %get3A_16] : memref<4x768xf32, #tpu.memory_space<vmem>>, vector<4x768xf32>
      %get3A_18 = arith.constant 0 : index
      %get3A_19 = arith.constant 0 : index
      %get3A_20 = vector.load %arg3[%get3A_18, %get3A_19] : memref<64x768xf32, #tpu.memory_space<vmem>>, vector<64x768xf32>
      %mul3A = arith.mulf %get3A_20, %get3A_20 : vector<64x768xf32>
      %reduce_sum3A = arith.constant dense<0.000000e+00> : vector<64xf32>
      %reduce_sum3A_21 = vector.multi_reduction <add>, %mul3A, %reduce_sum3A [1] : vector<64x768xf32> to vector<64xf32>
      %broadcast_in_dim3A = vector.shape_cast %reduce_sum3A_21 : vector<64xf32> to vector<64x1xf32>
      %max3A = arith.constant 9.99999996E-13 : f32
      %max3A_22 = vector.broadcast %max3A : f32 to vector<64x1xf32>
      %max3A_23 = arith.maximumf %broadcast_in_dim3A, %max3A_22 : vector<64x1xf32>
      %rsqrt3A = math.rsqrt %max3A_23 : vector<64x1xf32>
      %mul3A_24 = vector.broadcast %rsqrt3A : vector<64x1xf32> to vector<64x768xf32>
      %mul3A_25 = arith.mulf %get3A_20, %mul3A_24 : vector<64x768xf32>
      %mul3A_26 = arith.mulf %get3A_17, %get3A_17 : vector<4x768xf32>
      %reduce_sum3A_27 = arith.constant dense<0.000000e+00> : vector<4xf32>
      %reduce_sum3A_28 = vector.multi_reduction <add>, %mul3A_26, %reduce_sum3A_27 [1] : vector<4x768xf32> to vector<4xf32>
      %broadcast_in_dim3A_29 = vector.shape_cast %reduce_sum3A_28 : vector<4xf32> to vector<4x1xf32>
      %max3A_30 = arith.constant 9.99999996E-13 : f32
      %max3A_31 = vector.broadcast %max3A_30 : f32 to vector<4x1xf32>
      %max3A_32 = arith.maximumf %broadcast_in_dim3A_29, %max3A_31 : vector<4x1xf32>
      %rsqrt3A_33 = math.rsqrt %max3A_32 : vector<4x1xf32>
      %mul3A_34 = vector.broadcast %rsqrt3A_33 : vector<4x1xf32> to vector<4x768xf32>
      %mul3A_35 = arith.mulf %get3A_17, %mul3A_34 : vector<4x768xf32>
      %swap3A = arith.constant 0 : index
      %swap3A_36 = arith.constant 0 : index
      %swap3A_37 = vector.load %arg5[%swap3A, %swap3A_36] : memref<64x768xf32, #tpu.memory_space<vmem>>, vector<64x768xf32>
      tpu.vector_store %arg5[%swap3A, %swap3A_36], %mul3A_25 {strides = array<i32>} : memref<64x768xf32, #tpu.memory_space<vmem>>, vector<64x768xf32>,
      %swap3A_38 = arith.constant 0 : index
      %swap3A_39 = arith.constant 0 : index
      %swap3A_40 = vector.load %arg6[%swap3A_38, %swap3A_39] : memref<4x768xf32, #tpu.memory_space<vmem>>, vector<4x768xf32>
      tpu.vector_store %arg6[%swap3A_38, %swap3A_39], %mul3A_35 {strides = array<i32>} : memref<4x768xf32, #tpu.memory_space<vmem>>, vector<4x768xf32>,
      %broadcast_in_dim3A_41 = vector.shape_cast %mul3A_35 : vector<4x768xf32> to vector<4x1x768xf32>
      %broadcast_in_dim3A_42 = vector.shape_cast %mul3A_25 : vector<64x768xf32> to vector<1x64x768xf32>
      %mul3A_43 = vector.broadcast %broadcast_in_dim3A_41 : vector<4x1x768xf32> to vector<4x64x768xf32>
      %mul3A_44 = vector.broadcast %broadcast_in_dim3A_42 : vector<1x64x768xf32> to vector<4x64x768xf32>
      %mul3A_45 = arith.mulf %mul3A_43, %mul3A_44 : vector<4x64x768xf32>
      %reduce_sum3A_46 = arith.constant dense<0.000000e+00> : vector<4x64xf32>
      %reduce_sum3A_47 = vector.multi_reduction <add>, %mul3A_45, %reduce_sum3A_46 [2] : vector<4x64x768xf32> to vector<4x64xf32>
      %swap3A_48 = arith.constant 0 : index
      %swap3A_49 = arith.constant 0 : index
      %swap3A_50 = vector.load %arg7[%swap3A_48, %swap3A_49] : memref<4x64xf32, #tpu.memory_space<vmem>>, vector<4x64xf32>
      tpu.vector_store %arg7[%swap3A_48, %swap3A_49], %reduce_sum3A_47 {strides = array<i32>} : memref<4x64xf32, #tpu.memory_space<vmem>>, vector<4x64xf32>,
      %convert_element_type3A_51 = arith.truncf %mul3A_35 : vector<4x768xf32> to vector<4x768xbf16>
      %convert_element_type3A_52 = arith.extf %convert_element_type3A_51 : vector<4x768xbf16> to vector<4x768xf32>
      %convert_element_type3A_53 = arith.truncf %mul3A_25 : vector<64x768xf32> to vector<64x768xbf16>
      %convert_element_type3A_54 = arith.extf %convert_element_type3A_53 : vector<64x768xbf16> to vector<64x768xf32>
      %broadcast_in_dim3A_55 = vector.shape_cast %convert_element_type3A_52 : vector<4x768xf32> to vector<4x1x768xf32>
      %broadcast_in_dim3A_56 = vector.shape_cast %convert_element_type3A_54 : vector<64x768xf32> to vector<1x64x768xf32>
      %mul3A_57 = vector.broadcast %broadcast_in_dim3A_55 : vector<4x1x768xf32> to vector<4x64x768xf32>
      %mul3A_58 = vector.broadcast %broadcast_in_dim3A_56 : vector<1x64x768xf32> to vector<4x64x768xf32>
      %mul3A_59 = arith.mulf %mul3A_57, %mul3A_58 : vector<4x64x768xf32>
      %reduce_sum3A_60 = arith.constant dense<0.000000e+00> : vector<4x64xf32>
      %reduce_sum3A_61 = vector.multi_reduction <add>, %mul3A_59, %reduce_sum3A_60 [2] : vector<4x64x768xf32> to vector<4x64xf32>
      %iota3A = tpu.iota {dimensions = array<i32: 1>} : vector<4x64xi32>
      %reduce_max3A_62 = arith.constant dense<0xFF800000> : vector<4xf32>
      %reduce_max3A_63 = vector.multi_reduction <maximumf>, %reduce_sum3A_61, %reduce_max3A_62 [1] : vector<4x64xf32> to vector<4xf32>
      %broadcast_in_dim3A_64 = vector.shape_cast %reduce_max3A_63 : vector<4xf32> to vector<4x1xf32>
      %eq3A_65 = vector.broadcast %broadcast_in_dim3A_64 : vector<4x1xf32> to vector<4x64xf32>
      %eq3A_66 = arith.cmpf oeq, %reduce_sum3A_61, %eq3A_65 : vector<4x64xf32>
      %jit3A = arith.constant 64 : i32
      %broadcast_in_dim3A_67 = vector.broadcast %jit3A : i32 to vector<4x64xi32>
      %select_n3A = arith.select %eq3A_66, %iota3A, %broadcast_in_dim3A_67 : vector<4x64xi1>, vector<4x64xi32>
      %reduce_min3A = arith.constant dense<2147483647> : vector<4xi32>
      %reduce_min3A_68 = vector.multi_reduction <minsi>, %select_n3A, %reduce_min3A [1] : vector<4x64xi32> to vector<4xi32>
      %broadcast_in_dim3A_69 = vector.shape_cast %reduce_min3A_68 : vector<4xi32> to vector<4x1xi32>
      %eq3A_70 = vector.broadcast %broadcast_in_dim3A_69 : vector<4x1xi32> to vector<4x64xi32>
      %eq3A_71 = arith.cmpi eq, %iota3A, %eq3A_70 : vector<4x64xi32>
      %jit3A_72 = arith.constant 0xFF800000 : f32
      %broadcast_in_dim3A_73 = vector.broadcast %jit3A_72 : f32 to vector<4x64xf32>
      %select_n3A_74 = arith.select %eq3A_71, %broadcast_in_dim3A_73, %reduce_sum3A_61 : vector<4x64xi1>, vector<4x64xf32>
      %reduce_max3A_75 = arith.constant dense<0xFF800000> : vector<4xf32>
      %reduce_max3A_76 = vector.multi_reduction <maximumf>, %select_n3A_74, %reduce_max3A_75 [1] : vector<4x64xf32> to vector<4xf32>
      %broadcast_in_dim3A_77 = vector.shape_cast %reduce_max3A_76 : vector<4xf32> to vector<4x1xf32>
      %eq3A_78 = vector.broadcast %broadcast_in_dim3A_77 : vector<4x1xf32> to vector<4x64xf32>
      %eq3A_79 = arith.cmpf oeq, %select_n3A_74, %eq3A_78 : vector<4x64xf32>
      %jit3A_80 = arith.constant 64 : i32
      %broadcast_in_dim3A_81 = vector.broadcast %jit3A_80 : i32 to vector<4x64xi32>
      %select_n3A_82 = arith.select %eq3A_79, %iota3A, %broadcast_in_dim3A_81 : vector<4x64xi1>, vector<4x64xi32>
      %reduce_min3A_83 = arith.constant dense<2147483647> : vector<4xi32>
      %reduce_min3A_84 = vector.multi_reduction <minsi>, %select_n3A_82, %reduce_min3A_83 [1] : vector<4x64xi32> to vector<4xi32>
      %broadcast_in_dim3A_85 = vector.shape_cast %reduce_min3A_84 : vector<4xi32> to vector<4x1xi32>
      %eq3A_86 = vector.broadcast %broadcast_in_dim3A_85 : vector<4x1xi32> to vector<4x64xi32>
      %eq3A_87 = arith.cmpi eq, %iota3A, %eq3A_86 : vector<4x64xi32>
      %jit3A_88 = arith.constant 0xFF800000 : f32
      %broadcast_in_dim3A_89 = vector.broadcast %jit3A_88 : f32 to vector<4x64xf32>
      %select_n3A_90 = arith.select %eq3A_87, %broadcast_in_dim3A_89, %select_n3A_74 : vector<4x64xi1>, vector<4x64xf32>
      %reduce_max3A_91 = arith.constant dense<0xFF800000> : vector<4xf32>
      %reduce_max3A_92 = vector.multi_reduction <maximumf>, %select_n3A_90, %reduce_max3A_91 [1] : vector<4x64xf32> to vector<4xf32>
      %broadcast_in_dim3A_93 = vector.shape_cast %reduce_max3A_92 : vector<4xf32> to vector<4x1xf32>
      %eq3A_94 = vector.broadcast %broadcast_in_dim3A_93 : vector<4x1xf32> to vector<4x64xf32>
      %eq3A_95 = arith.cmpf oeq, %select_n3A_90, %eq3A_94 : vector<4x64xf32>
      %jit3A_96 = arith.constant 64 : i32
      %broadcast_in_dim3A_97 = vector.broadcast %jit3A_96 : i32 to vector<4x64xi32>
      %select_n3A_98 = arith.select %eq3A_95, %iota3A, %broadcast_in_dim3A_97 : vector<4x64xi1>, vector<4x64xi32>
      %reduce_min3A_99 = arith.constant dense<2147483647> : vector<4xi32>
      %reduce_min3A_100 = vector.multi_reduction <minsi>, %select_n3A_98, %reduce_min3A_99 [1] : vector<4x64xi32> to vector<4xi32>
      %broadcast_in_dim3A_101 = vector.shape_cast %reduce_min3A_100 : vector<4xi32> to vector<4x1xi32>
      %eq3A_102 = vector.broadcast %broadcast_in_dim3A_101 : vector<4x1xi32> to vector<4x64xi32>
      %eq3A_103 = arith.cmpi eq, %iota3A, %eq3A_102 : vector<4x64xi32>
      %jit3A_104 = arith.constant 0xFF800000 : f32
      %broadcast_in_dim3A_105 = vector.broadcast %jit3A_104 : f32 to vector<4x64xf32>
      %select_n3A_106 = arith.select %eq3A_103, %broadcast_in_dim3A_105, %select_n3A_90 : vector<4x64xi1>, vector<4x64xf32>
      %reduce_max3A_107 = arith.constant dense<0xFF800000> : vector<4xf32>
      %reduce_max3A_108 = vector.multi_reduction <maximumf>, %select_n3A_106, %reduce_max3A_107 [1] : vector<4x64xf32> to vector<4xf32>
      %broadcast_in_dim3A_109 = vector.shape_cast %reduce_max3A_108 : vector<4xf32> to vector<4x1xf32>
      %eq3A_110 = vector.broadcast %broadcast_in_dim3A_109 : vector<4x1xf32> to vector<4x64xf32>
      %eq3A_111 = arith.cmpf oeq, %select_n3A_106, %eq3A_110 : vector<4x64xf32>
      %jit3A_112 = arith.constant 64 : i32
      %broadcast_in_dim3A_113 = vector.broadcast %jit3A_112 : i32 to vector<4x64xi32>
      %select_n3A_114 = arith.select %eq3A_111, %iota3A, %broadcast_in_dim3A_113 : vector<4x64xi1>, vector<4x64xi32>
      %reduce_min3A_115 = arith.constant dense<2147483647> : vector<4xi32>
      %reduce_min3A_116 = vector.multi_reduction <minsi>, %select_n3A_114, %reduce_min3A_115 [1] : vector<4x64xi32> to vector<4xi32>
      %broadcast_in_dim3A_117 = vector.shape_cast %reduce_min3A_116 : vector<4xi32> to vector<4x1xi32>
      %eq3A_118 = vector.broadcast %broadcast_in_dim3A_117 : vector<4x1xi32> to vector<4x64xi32>
      %eq3A_119 = arith.cmpi eq, %iota3A, %eq3A_118 : vector<4x64xi32>
      %jit3A_120 = arith.constant 0xFF800000 : f32
      %broadcast_in_dim3A_121 = vector.broadcast %jit3A_120 : f32 to vector<4x64xf32>
      %select_n3A_122 = arith.select %eq3A_119, %broadcast_in_dim3A_121, %select_n3A_106 : vector<4x64xi1>, vector<4x64xf32>
      %reduce_max3A_123 = arith.constant dense<0xFF800000> : vector<4xf32>
      %reduce_max3A_124 = vector.multi_reduction <maximumf>, %select_n3A_122, %reduce_max3A_123 [1] : vector<4x64xf32> to vector<4xf32>
      %broadcast_in_dim3A_125 = vector.shape_cast %reduce_max3A_124 : vector<4xf32> to vector<4x1xf32>
      %eq3A_126 = vector.broadcast %broadcast_in_dim3A_125 : vector<4x1xf32> to vector<4x64xf32>
      %eq3A_127 = arith.cmpf oeq, %select_n3A_122, %eq3A_126 : vector<4x64xf32>
      %jit3A_128 = arith.constant 64 : i32
      %broadcast_in_dim3A_129 = vector.broadcast %jit3A_128 : i32 to vector<4x64xi32>
      %select_n3A_130 = arith.select %eq3A_127, %iota3A, %broadcast_in_dim3A_129 : vector<4x64xi1>, vector<4x64xi32>
      %reduce_min3A_131 = arith.constant dense<2147483647> : vector<4xi32>
      %reduce_min3A_132 = vector.multi_reduction <minsi>, %select_n3A_130, %reduce_min3A_131 [1] : vector<4x64xi32> to vector<4xi32>
      %broadcast_in_dim3A_133 = vector.shape_cast %reduce_min3A_132 : vector<4xi32> to vector<4x1xi32>
      %eq3A_134 = vector.broadcast %broadcast_in_dim3A_133 : vector<4x1xi32> to vector<4x64xi32>
      %eq3A_135 = arith.cmpi eq, %iota3A, %eq3A_134 : vector<4x64xi32>
      %jit3A_136 = arith.constant 0xFF800000 : f32
      %broadcast_in_dim3A_137 = vector.broadcast %jit3A_136 : f32 to vector<4x64xf32>
      %select_n3A_138 = arith.select %eq3A_135, %broadcast_in_dim3A_137, %select_n3A_122 : vector<4x64xi1>, vector<4x64xf32>
      %reduce_max3A_139 = arith.constant dense<0xFF800000> : vector<4xf32>
      %reduce_max3A_140 = vector.multi_reduction <maximumf>, %select_n3A_138, %reduce_max3A_139 [1] : vector<4x64xf32> to vector<4xf32>
      %broadcast_in_dim3A_141 = vector.shape_cast %reduce_max3A_140 : vector<4xf32> to vector<4x1xf32>
      %eq3A_142 = vector.broadcast %broadcast_in_dim3A_141 : vector<4x1xf32> to vector<4x64xf32>
      %eq3A_143 = arith.cmpf oeq, %select_n3A_138, %eq3A_142 : vector<4x64xf32>
      %jit3A_144 = arith.constant 64 : i32
      %broadcast_in_dim3A_145 = vector.broadcast %jit3A_144 : i32 to vector<4x64xi32>
      %select_n3A_146 = arith.select %eq3A_143, %iota3A, %broadcast_in_dim3A_145 : vector<4x64xi1>, vector<4x64xi32>
      %reduce_min3A_147 = arith.constant dense<2147483647> : vector<4xi32>
      %reduce_min3A_148 = vector.multi_reduction <minsi>, %select_n3A_146, %reduce_min3A_147 [1] : vector<4x64xi32> to vector<4xi32>
      %broadcast_in_dim3A_149 = vector.shape_cast %reduce_min3A_148 : vector<4xi32> to vector<4x1xi32>
      %eq3A_150 = vector.broadcast %broadcast_in_dim3A_149 : vector<4x1xi32> to vector<4x64xi32>
      %eq3A_151 = arith.cmpi eq, %iota3A, %eq3A_150 : vector<4x64xi32>
      %jit3A_152 = arith.constant 0xFF800000 : f32
      %broadcast_in_dim3A_153 = vector.broadcast %jit3A_152 : f32 to vector<4x64xf32>
      %select_n3A_154 = arith.select %eq3A_151, %broadcast_in_dim3A_153, %select_n3A_138 : vector<4x64xi1>, vector<4x64xf32>
      %reduce_max3A_155 = arith.constant dense<0xFF800000> : vector<4xf32>
      %reduce_max3A_156 = vector.multi_reduction <maximumf>, %select_n3A_154, %reduce_max3A_155 [1] : vector<4x64xf32> to vector<4xf32>
      %broadcast_in_dim3A_157 = vector.shape_cast %reduce_max3A_156 : vector<4xf32> to vector<4x1xf32>
      %eq3A_158 = vector.broadcast %broadcast_in_dim3A_157 : vector<4x1xf32> to vector<4x64xf32>
      %eq3A_159 = arith.cmpf oeq, %select_n3A_154, %eq3A_158 : vector<4x64xf32>
      %jit3A_160 = arith.constant 64 : i32
      %broadcast_in_dim3A_161 = vector.broadcast %jit3A_160 : i32 to vector<4x64xi32>
      %select_n3A_162 = arith.select %eq3A_159, %iota3A, %broadcast_in_dim3A_161 : vector<4x64xi1>, vector<4x64xi32>
      %reduce_min3A_163 = arith.constant dense<2147483647> : vector<4xi32>
      %reduce_min3A_164 = vector.multi_reduction <minsi>, %select_n3A_162, %reduce_min3A_163 [1] : vector<4x64xi32> to vector<4xi32>
      %broadcast_in_dim3A_165 = vector.shape_cast %reduce_min3A_164 : vector<4xi32> to vector<4x1xi32>
      %eq3A_166 = vector.broadcast %broadcast_in_dim3A_165 : vector<4x1xi32> to vector<4x64xi32>
      %eq3A_167 = arith.cmpi eq, %iota3A, %eq3A_166 : vector<4x64xi32>
      %jit3A_168 = arith.constant 0xFF800000 : f32
      %broadcast_in_dim3A_169 = vector.broadcast %jit3A_168 : f32 to vector<4x64xf32>
      %select_n3A_170 = arith.select %eq3A_167, %broadcast_in_dim3A_169, %select_n3A_154 : vector<4x64xi1>, vector<4x64xf32>
      %reduce_max3A_171 = arith.constant dense<0xFF800000> : vector<4xf32>
      %reduce_max3A_172 = vector.multi_reduction <maximumf>, %select_n3A_170, %reduce_max3A_171 [1] : vector<4x64xf32> to vector<4xf32>
      %broadcast_in_dim3A_173 = vector.shape_cast %reduce_max3A_172 : vector<4xf32> to vector<4x1xf32>
      %eq3A_174 = vector.broadcast %broadcast_in_dim3A_173 : vector<4x1xf32> to vector<4x64xf32>
      %eq3A_175 = arith.cmpf oeq, %select_n3A_170, %eq3A_174 : vector<4x64xf32>
      %jit3A_176 = arith.constant 64 : i32
      %broadcast_in_dim3A_177 = vector.broadcast %jit3A_176 : i32 to vector<4x64xi32>
      %select_n3A_178 = arith.select %eq3A_175, %iota3A, %broadcast_in_dim3A_177 : vector<4x64xi1>, vector<4x64xi32>
      %reduce_min3A_179 = arith.constant dense<2147483647> : vector<4xi32>
      %reduce_min3A_180 = vector.multi_reduction <minsi>, %select_n3A_178, %reduce_min3A_179 [1] : vector<4x64xi32> to vector<4xi32>
      %broadcast_in_dim3A_181 = vector.shape_cast %reduce_min3A_180 : vector<4xi32> to vector<4x1xi32>
      %concatenate3A = tpu.concatenate %broadcast_in_dim3A_69, %broadcast_in_dim3A_85, %broadcast_in_dim3A_101, %broadcast_in_dim3A_117, %broadcast_in_dim3A_133, %broadcast_in_dim3A_149, %broadcast_in_dim3A_165, %broadcast_in_dim3A_181 in 1 : vector<4x1xi32>, vector<4x1xi32>, vector<4x1xi32>, vector<4x1xi32>, vector<4x1xi32>, vector<4x1xi32>, vector<4x1xi32>, vector<4x1xi32> -> vector<4x8xi32>
      %swap3A_182 = arith.constant 0 : index
      %swap3A_183 = arith.constant 0 : index
      %swap3A_184 = vector.load %arg4[%swap3A_182, %swap3A_183] : memref<4x8xi32, #tpu.memory_space<vmem>>, vector<4x8xi32>
      tpu.vector_store %arg4[%swap3A_182, %swap3A_183], %concatenate3A {strides = array<i32>} : memref<4x8xi32, #tpu.memory_space<vmem>>, vector<4x8xi32>,
      %get3A_185 = arith.constant 0 : index
      %get3A_186 = memref.load %arg2[%get3A_185] : memref<1xi32, #tpu.memory_space<smem>>
      %gt3A_187 = vector.broadcast %get3A_186 : i32 to vector<4x64xi32>
      %gt3A_188 = arith.cmpi sgt, %iota3A, %gt3A_187 : vector<4x64xi32>
      %jit3A_189 = arith.constant -1.000000e+00 : f32
      %broadcast_in_dim3A_190 = vector.broadcast %jit3A_189 : f32 to vector<4x64xf32>
      %select_n3A_191 = arith.select %gt3A_188, %broadcast_in_dim3A_190, %reduce_sum3A_47 : vector<4x64xi1>, vector<4x64xf32>
      %reduce_sum3A_192 = arith.constant dense<0.000000e+00> : vector<4xf32>
      %reduce_sum3A_193 = vector.multi_reduction <add>, %select_n3A_191, %reduce_sum3A_192 [1] : vector<4x64xf32> to vector<4xf32>
      %broadcast_in_dim3A_194 = vector.shape_cast %reduce_sum3A_193 : vector<4xf32> to vector<4x1xf32>
      %reduce_sum3A_195 = arith.constant dense<0.000000e+00> : vector<1xf32>
      %reduce_sum3A_196 = vector.multi_reduction <add>, %broadcast_in_dim3A_194, %reduce_sum3A_195 [0] : vector<4x1xf32> to vector<1xf32>
      %broadcast_in_dim3A_197 = vector.shape_cast %reduce_sum3A_196 : vector<1xf32> to vector<1x1xf32>
      %div3A = arith.constant 4.000000e+00 : f32
      %div3A_198 = vector.broadcast %div3A : f32 to vector<1x1xf32>
      %div3A_199 = arith.divf %broadcast_in_dim3A_197, %div3A_198 : vector<1x1xf32>
      %swap3A_200 = arith.constant 0 : index
      %swap3A_201 = arith.constant 0 : index
      %swap3A_202 = vector.load %arg8[%swap3A_200, %swap3A_201] : memref<1x1xf32, #tpu.memory_space<vmem>>, vector<1x1xf32>
      tpu.vector_store %arg8[%swap3A_200, %swap3A_201], %div3A_199 {strides = array<i32>} : memref<1x1xf32, #tpu.memory_space<vmem>>, vector<1x1xf32>,
    } else {
    }
    return
  }
  func.func @transform_0(%arg0: i32) -> (i32, i32, i32) {
    %c0_i32 = arith.constant 0 : i32
    %c0_i32_0 = arith.constant 0 : i32
    %c0_i32_1 = arith.constant 0 : i32
    return %c0_i32, %arg0, %c0_i32_0 : i32, i32, i32
  }
  func.func @transform_1(%arg0: i32) -> i32 {
    %c0_i32 = arith.constant 0 : i32
    %c0_i32_0 = arith.constant 0 : i32
    return %c0_i32 : i32
  }
  func.func @transform_2(%arg0: i32) -> (i32, i32) {
    %c0_i32 = arith.constant 0 : i32
    %c0_i32_0 = arith.constant 0 : i32
    %c0_i32_1 = arith.constant 0 : i32
    return %c0_i32, %c0_i32_0 : i32, i32
  }
  func.func @transform_3(%arg0: i32) -> (i32, i32) {
    %c0_i32 = arith.constant 0 : i32
    %c0_i32_0 = arith.constant 0 : i32
    %c0_i32_1 = arith.constant 0 : i32
    return %c0_i32, %c0_i32_0 : i32, i32
  }
  func.func @transform_4(%arg0: i32) -> (i32, i32) {
    %c0_i32 = arith.constant 0 : i32
    %c0_i32_0 = arith.constant 0 : i32
    %c0_i32_1 = arith.constant 0 : i32
    return %c0_i32, %c0_i32_0 : i32, i32
  }
  func.func @transform_5(%arg0: i32) -> (i32, i32) {
    %c0_i32 = arith.constant 0 : i32
    %c0_i32_0 = arith.constant 0 : i32
    %c0_i32_1 = arith.constant 0 : i32
    return %c0_i32, %c0_i32_0 : i32, i32
  }
  func.func @transform_6(%arg0: i32) -> (i32, i32) {
    %c0_i32 = arith.constant 0 : i32
    %c0_i32_0 = arith.constant 0 : i32
    %c0_i32_1 = arith.constant 0 : i32
    return %c0_i32, %c0_i32_0 : i32, i32
  }
  func.func @transform_7(%arg0: i32) -> (i32, i32) {
    %c0_i32 = arith.constant 0 : i32
    %c0_i32_0 = arith.constant 0 : i32
    %c0_i32_1 = arith.constant 0 : i32
    return %c0_i32, %c0_i32_0 : i32, i32
  }
}

</mosaic_0001>

<sc_bundles>
// kernel: kernel.4.cloned.1.call-start
scs
__scs_entry_jumppad:
0x0: {  	(pc) =	sbr.rel $0x88, $3  }
0x1: {  	(tag) =	ssettag $0x0;
	lr =	simm.s32 $0x1  }
0x2: {  	[smem:$0x3F9D] =	sst lr;
	_ =	strace $0xD0000000  }
0x3: {  	_ = 	snop  }
0x4: {  	_ = 	snop  }
0x5: {  	_ = 	snop  }
0x6: {  	_ = 	snop  }
0x7: {  	_ = 	snop  }
__scs_overlays_trampoline_lowered:
0x8: {  	[smem:$0x3FAC] =	sst s0  }
0x9: {  	[smem:$0x3FAD] =	sst s1  }
0xa: {  	[smem:$0x3FAE] =	sst s2  }
0xb: {  	[smem:$0x3FAF] =	sst s3  }
0xc: {  	[smem:$0x3FB0] =	sst s4  }
0xd: {  	[smem:$0x3FB1] =	sst s5  }
0xe: {  	[smem:$0x3FB2] =	sst s6  }
0xf: {  	[smem:$0x3FB3] =	sst s7  }
0x10: {  	[smem:$0x3FB4] =	sst s8  }
0x11: {  	[smem:$0x3FB5] =	sst s9;
	s0 =	simm.s32 @!p0 $0x0  }
0x12: {  	s1 =	sld [smem:$0x3F9B];
	s0 =	simm.s32 @p0 $0x1  }
0x13: {  	[smem:$0x3FB6] =	sst s0;
	s0 =	simm.s32 @!p1 $0x0  }
0x14: {  	s2 =	sld [smem:$0x3F9A];
	s0 =	simm.s32 @p1 $0x1  }
0x15: {  	[smem:$0x3FB7] =	sst s0;
	s0 =	simm.s32 @!p2 $0x0  }
0x16: {  	s3 =	sld [smem:$0x3FDB];
	s0 =	simm.s32 @p2 $0x1  }
0x17: {  	s4 =	simm.s32 $0x1BF5;
	[smem:$0x3FB9] =	sst s0  }
0x18: {  	s0 =	sld [smem:$0x3F9C];
	_ =	swait.ge [sflag:s4], $0x0  }
0x19: {  	s7 =	sld [smem:$0x3F9D]  }
0x1a: {  	s8 =	sadd.s32 $0xFFFFE003, lr  }
0x1b: {  	s9 =	sadd.s32 $0xFFFFFEF7, lr;
	s5 =	simm.s32 $0xFFFFFFFF;
	p2 =	slt.u32 s8, $0xFFFFF086  }
0x1c: {  	p1 =	slt.u32 s9, $0xF7A;
	s5 =	simm.s32 @!p2 $0x0  }
0x1d: {  	s5 =	simm.s32 @p1 $0x1;
	p0 =	seq.s32 s7, s2  }
0x1e: {  	s7 =	smul.u32 @!p0 $0xF7A, s2;
	p2 =	seq.s32 @!p0 s5, $0x0  }
0x1f: {  	s9 =	smul.u32 $0xF7A, s1;
	s8 =	simm.s32 @!p0 $0x1BF5;
	p2 =	por !p2, p0  }
0x20: {  	[sflag:s8] =	ssyncset.s32 @!p0 $0xFFFFF086;
	s6 =	sadd.s32 @!p0 s3, s7;
	s7 =	simm.s32 @!p0 $0x108  }
0x21: {  	s3 =	sadd.s32 s3, s9;
	s6 =	sadd.s32 @!p0 $0x88, s6;
	s7 =	simm.s32 @p2 $0x1082  }
0x22: {  	[simem:s7], [sflag:s8] =	dma.local @!p0 [hbm:s6], $0xF7A  }
0x23: {  	s9 =	sor.u32 $0xD0000000, s2;
	s6 =	simm.s32 $0x108;
	_ =	swait.ge @!p0 [sflag:s8], $0x0  }
0x24: {  	s3 =	sadd.s32 $0x88, s3;
	s6 =	simm.s32 @!p1 $0x1082;
	[sflag:s4] =	ssyncset.s32 $0xFFFFF086  }
0x25: {  	[simem:s6], [sflag:s4] =	dma.local [hbm:s3], $0xF7A  }
0x26: {  	[smem:$0x3F9D] =	sst s1;
	(tag) =	ssettag s2;
	_ =	strace s9  }
0x27: {  	s1 =	sld [smem:$0x3FAD]  }
0x28: {  	s2 =	sld [smem:$0x3FAE]  }
0x29: {  	s4 =	sld [smem:$0x3FB0]  }
0x2a: {  	p0 =	seq.s32 s5, $0x0;
	s5 =	sld [smem:$0x3FB1]  }
0x2b: {  	s6 =	sld [smem:$0x3FB2]  }
0x2c: {  	s7 =	sld [smem:$0x3FB3]  }
0x2d: {  	s3 =	simm.s32 $0x108;
	s8 =	sld [smem:$0x3FB4]  }
0x2e: {  	s3 =	simm.s32 @!p0 $0x1082;
	s9 =	sld [smem:$0x3FB5]  }
0x2f: {  	lr =	sadd.s32 s0, s3;
	s0 =	sld [smem:$0x3FAC]  }
0x30: {  	s3 =	sld [smem:$0x3FAF]  }
0x31: {  	[smem:$0x3FB8] =	sst s10  }
0x32: {  	s10 =	sld [smem:$0x3FB6];
	_ =	sdelay $0x3  }
0x33: {  	p0 =	seq.s32 s10, $0x1;
	s10 =	sld [smem:$0x3FB8];
	_ =	sdelay $0x3  }
0x34: {  	[smem:$0x3FB8] =	sst s10  }
0x35: {  	s10 =	sld [smem:$0x3FB7];
	_ =	sdelay $0x3  }
0x36: {  	p1 =	seq.s32 s10, $0x1;
	s10 =	sld [smem:$0x3FB8];
	_ =	sdelay $0x3  }
0x37: {  	[smem:$0x3FB8] =	sst s10  }
0x38: {  	s10 =	sld [smem:$0x3FB9]  }
0x39: {  	_ = 	snop;
	(pc) =	sbr.ind lr, $3  }
0x3a: {  	_ = 	snop  }
0x3b: {  	_ = 	snop  }
0x3c: {  	p2 =	seq.s32 s10, $0x1;
	s10 =	sld [smem:$0x3FB8]  }
0x3d: {  	_ =	shalt  }
0x3e: {  	_ =	shalt  }
0x3f: {  	_ =	shalt  }
0x40: {  	_ =	shalt  }
0x41: {  	_ =	shalt  }
0x42: {  	_ =	shalt  }
0x43: {  	_ =	shalt  }
0x44: {  	_ =	shalt  }
0x45: {  	_ =	shalt  }
0x46: {  	_ =	shalt  }
0x47: {  	_ =	shalt  }
0x48: {  	_ =	shalt  }
0x49: {  	_ =	shalt  }
0x4a: {  	_ =	shalt  }
0x4b: {  	_ =	shalt  }
0x4c: {  	_ =	shalt  }
0x4d: {  	_ =	shalt  }
0x4e: {  	_ =	shalt  }
0x4f: {  	_ =	shalt  }
0x50: {  	_ =	shalt  }
0x51: {  	_ =	shalt  }
0x52: {  	_ =	shalt  }
0x53: {  	_ =	shalt  }
0x54: {  	_ =	shalt  }
0x55: {  	_ =	shalt  }
0x56: {  	_ =	shalt  }
0x57: {  	_ =	shalt  }
0x58: {  	_ =	shalt  }
0x59: {  	_ =	shalt  }
0x5a: {  	_ =	shalt  }
0x5b: {  	_ =	shalt  }
0x5c: {  	_ =	shalt  }
0x5d: {  	_ =	shalt  }
0x5e: {  	_ =	shalt  }
0x5f: {  	_ =	shalt  }
0x60: {  	_ =	shalt  }
0x61: {  	_ =	shalt  }
0x62: {  	_ =	shalt  }
0x63: {  	_ =	shalt  }
0x64: {  	_ =	shalt  }
0x65: {  	_ =	shalt  }
0x66: {  	_ =	shalt  }
0x67: {  	_ =	shalt  }
0x68: {  	_ =	shalt  }
0x69: {  	_ =	shalt  }
0x6a: {  	_ =	shalt  }
0x6b: {  	_ =	shalt  }
0x6c: {  	_ =	shalt  }
0x6d: {  	_ =	shalt  }
0x6e: {  	_ =	shalt  }
0x6f: {  	_ =	shalt  }
0x70: {  	_ =	shalt  }
0x71: {  	_ =	shalt  }
0x72: {  	_ =	shalt  }
0x73: {  	_ =	shalt  }
0x74: {  	_ =	shalt  }
0x75: {  	_ =	shalt  }
0x76: {  	_ =	shalt  }
0x77: {  	_ =	shalt  }
0x78: {  	_ =	shalt  }
0x79: {  	_ =	shalt  }
0x7a: {  	_ =	shalt  }
0x7b: {  	_ =	shalt  }
0x7c: {  	_ =	shalt  }
0x7d: {  	_ =	shalt  }
0x7e: {  	_ =	shalt  }
0x7f: {  	_ =	shalt  }
0x80: {  	_ =	shalt  }
0x81: {  	_ =	shalt  }
0x82: {  	_ =	shalt  }
0x83: {  	_ =	shalt  }
0x84: {  	_ =	shalt  }
0x85: {  	_ =	shalt  }
0x86: {  	_ =	shalt  }
0x87: {  	_ =	shalt  }
.Lfunc_end0:
.L_simem_size_0:
called_computation.1_lowered:
.L_overlay_start_0:
0x88: {  	s2 =	sld [smem:$0x3FD9]  }
0x89: {  	s3 =	sld [smem:$0x3FFE];
	_ =	sdelay $0x1  }
0x8a: {  	s1 =	srdreg.scid  }
0x8b: {  	s0 =	sand.u32 $0x1, s1  }
0x8c: {  	s14 =	sshll.u32 s0, $0xA;
	s2 =	sadd.s32 s3, s2  }
0x8d: {  	s2 =	sadd.s32 s2, s14  }
0x8e: {  	[smem:$0x3FC4] =	sst s2  }
0x8f: {  	_ = 	snop  }
0x90: {  	s2 =	sld [smem:$0x3FD0];
	_ =	sdelay $0x2  }
0x91: {  	s4 =	simm.s32 $0xA;
	s5 =	simm.s32 $0x10;
	s15 =	sld [smem:$0x3FC7]  }
0x92: {  	[smem:s5], [sflag:s4] =	dma.local [hbm:s2], $0x1  }
0x93: {  	_ =	swait.eq [sflag:s4], $0x1  }
0x94: {  	s16 =	sld [smem:$0x10]  }
0x95: {  	s17 =	sld [smem:$0x11];
	[sflag:s4] =	ssyncset.done $0x0  }
0x96: {  	s6 =	sld [smem:$0x12];
	[sflag:s4] =	ssyncadd.s32 $0xFFFFFFFF  }
0x97: {  	s18 =	sld [smem:$0x13];
	(tm) =	ssettm $0x1  }
0x98: {  	s7 =	sld [smem:$0x3FFB];
	_ =	sdelay $0x3  }
0x99: {  	_ =	strace s7  }
0x9a: {  	s7 =	sld [smem:$0x3FFC];
	_ =	sdelay $0x3  }
0x9b: {  	_ =	strace s7  }
0x9c: {  	s7 =	sld [smem:$0x3FFD];
	_ =	sdelay $0x3  }
0x9d: {  	_ =	strace s7  }
0x9e: {  	_ =	strace $0x8FFFFFFF  }
0x9f: {  	s19 =	sld [smem:$0x3FDB];
	_ =	sdelay $0x1  }
0xa0: {  	s8 =	simm.s32 $_scs_section_size  }
0xa1: {  	s9 =	simm.s32 $_size__tile_overlayer_lowered;
	s10 =	simm.s32 $_tile_overlayer_lowered  }
0xa2: {  	s22 =	simm.s32 $0x1BFF;
	s21 =	sshll.u32 s10, $0x1;
	s7 =	sadd.s32 s8, s19  }
0xa3: {  	s11 =	simm.s32 $0x0;
	s20 =	sshll.u32 s9, $0x1;
	s9 =	sadd.s32 s21, s7  }
0xa4: {  	[timem:s11], [sflag:s22] =	dma.local [hbm:s9], s20  }
0xa5: {  	_ =	swait.ge [sflag:s22], s20  }
0xa6: {  	s8 =	ssub.s32 $0x0, s20;
	[sflag:s22] =	ssyncset.done $0x0  }
0xa7: {  	[sflag:s22] =	ssyncadd.s32 s8;
	_ =	sdelay $0x1  }
0xa8: {  	s23 =	simm.s32 $0x1B8B  }
0xa9: {  	_ =	swait.ge [sflag:s23], $0x1  }
0xaa: {  	[sflag:s23] =	ssyncset.done $0x0  }
0xab: {  	s25 =	simm.s32 $0x1B8E;
	s24 =	sld [smem:$0x3FFE];
	[sflag:s23] =	ssyncadd.s32 $0xFFFFFFFF  }
0xac: {  	s26 =	simm.s32 $execute0_lowered;
	[smem:$0x3FD2] =	sst s25  }
0xad: {  	s9 =	sshll.u32 s26, $0x1;
	_ =	strace $0x80000046;
	[dreg:$0x1] =	wrdreg $0xFFFFFFFF  }
0xae: {  	s28 =	simm.s32 $_size_execute0_lowered;
	s7 =	sadd.s32 s7, s9;
	[dreg:$0x0] =	wrdreg $0x0  }
0xaf: {  	s9 =	sshll.u32 s28, $0x1;
	[dreg:$0x2] =	wrdreg s7  }
0xb0: {  	[dreg:$0x3] =	wrdreg s9  }
0xb1: {  	[dreg:$0x4] =	wrdreg $0xC0  }
0xb2: {  	_ =	task [dreg:s11], $0x5FFFF  }
0xb3: {  	[dreg:$0x1] =	wrdreg $0xFFFFFFFF  }
0xb4: {  	[dreg:$0x0] =	wrdreg $0x60  }
0xb5: {  	[dreg:$0x2] =	wrdreg s15  }
0xb6: {  	[dreg:$0x3] =	wrdreg s16  }
0xb7: {  	[dreg:$0x4] =	wrdreg s18  }
0xb8: {  	[dreg:$0x5] =	wrdreg s17  }
0xb9: {  	[dreg:$0x6] =	wrdreg s24  }
0xba: {  	[dreg:$0x7] =	wrdreg s6  }
0xbb: {  	[dreg:$0x8] =	wrdreg $0x9  }
0xbc: {  	_ =	task.clear_ibuf [dreg:s11], $0x9FFFF;
	_ =	strace $0x90000046  }
0xbd: {  	s29 =	simm.s32 $0x9;
	_ =	strace $0x80000048  }
0xbe: {  	_ =	swait.ge [sflag:s29], $0x1  }
0xbf: {  	[sflag:s29] =	ssyncadd.s32 $0xFFFFFFFF  }
0xc0: {  	_ =	strace $0x90000048  }
0xc1: {  	_ =	sfence  }
0xc2: {  	s30 =	sld [smem:$0x0];
	_ =	sdelay $0x2  }
0xc3: {  	s31 =	sshll.u32 s1, $0xD;
	s1 =	sshrl.u32 s1, $0x2  }
0xc4: {  	s3 =	sand.u32 $0x4000, s31;
	s1 =	sadd.s32 s1, s30  }
0xc5: {  	s0 =	sor.u32 s3, s0;
	s1 =	sshll.u32 s1, $0x11  }
0xc6: {  	s0 =	sor.u32 s1, s0  }
0xc7: {  	s0 =	sadd.s32 $0x8F2B, s0  }
0xc8: {  	[sflag:s0] =	ssyncadd.remote.s32 $0x1  }
0xc9: {  	_ =	sfence.sel $0xFFFF  }
0xca: {  	[dreg:$0x0] =	wrdreg $0xFFFFFFFF;
	(pc) =	sbr.abs _section_cstart, $3  }
0xcb: {  	[dreg:$0x1] =	wrdreg $0xFFFFFFFF  }
0xcc: {  	_ =	task.clear_ibuf [dreg:s11], $0x2FFFF;
	_ =	strace $0x9FFFFFFF  }
0xcd: {  	(tm) =	ssettm $0x7FFFFFFF  }
tec
execute0_lowered:
.L_overlay_start_1:
0x0: {  	(tag) =	ssettag $0x1  }
0x1: {  	s1 =	rddreg [dreg:$0x0]  }
0x2: {  	s0 =	rddreg [dreg:$0x1]  }
0x3: {  	s26 =	rddreg [dreg:$0x2]  }
0x4: {  	s2 =	rddreg [dreg:$0x3]  }
0x5: {  	s3 =	rddreg [dreg:$0x4]  }
0x6: {  	s5 =	rddreg [dreg:$0x5];
	s6 =	srdreg.scid  }
0x7: {  	s28 =	stileid.u32;
	s4 =	simm.s32 $0x0;
	s29 =	simm.s32 $0x80  }
0x8: {  	s30 =	simm.s32 $0x2000;
	s31 =	simm.s32 $0x1;
	s6 =	sand.u32 $0x1, s6  }
0x9: {  	s7 =	sshll.u32 s28, $0x1;
	[smem:$0x7FF] =	sst s4;
	s3 =	sadd.s32 $0x1000, s3  }
0xa: {  	p0 =	sgt.u32 s28, $0x1;
	s28 =	simm.s32 $0x2;
	s11 =	sor.u32 s6, s7  }
0xb: {  	_ =	strace $0x80000047;
	s6 =	ssub.s32 $0x2, s6;
	s12 =	smul.u32 $0x18, s11  }
0xc: {  	s20 =	sshrl.u32 s6, $0x1;
	s8 =	smul.u32 $0x1E000, s11;
	s9 =	sshll.u32 s11, $0x7  }
0xd: {  	s13 =	smul.u32 $0xF0000, s11;
	s25 =	ssub.s32 s6, s20;
	s0 =	sadd.s32 s0, s9  }
0xe: {  	s10 =	sshrl.u32 s12, $0x5;
	[dreg:$0x7] =	wrdreg s0;
	s7 =	sadd.s32 s3, s8  }
0xf: {  	s21 =	sshrl.u32 s13, $0x3;
	s22 =	sadd.s32 $0x8, s12;
	s24 =	sadd.s32 $0x9, s12  }
0x10: {  	s16 =	sadd.s32 $0xC, s12;
	s18 =	sadd.s32 $0xF, s12;
	s25 =	smax.u32 s25, $0x1  }
0x11: {  	s6 =	smul.u32 $0x1E0000, s10;
	s0 =	sadd.s32 s3, s21;
	s23 =	sshrl.u32 s22, $0x5  }
0x12: {  	s14 =	sshrl.u32 s24, $0x5;
	s17 =	smul.u32 $0x1400, s24;
	s19 =	sshrl.u32 s18, $0x5  }
0x13: {  	s22 =	sadd.s32 $0x15, s12;
	s18 =	sadd.s32 $0x12C00, s7;
	s9 =	smul.u32 $0x1E0000, s23  }
0x14: {  	s24 =	sshll.u32 s11, $0x4;
	s8 =	sadd.s32 $0x3C00, s0;
	s15 =	smul.u32 $0x1E0000, s14  }
0x15: {  	s10 =	sadd.s32 $0x7800, s0;
	s0 =	sshrl.u32 s16, $0x5;
	s13 =	smul.u32 $0x1E0000, s19  }
0x16: {  	s16 =	sadd.s32 $0x12, s12;
	s23 =	smul.u32 $0x300, s11;
	s19 =	sadd.s32 $0x16800, s7  }
0x17: {  	s0 =	smul.u32 $0x1E0000, s0;
	s14 =	sadd.s32 s3, s17;
	s21 =	sshrl.u32 s16, $0x5  }
0x18: {  	s16 =	sadd.s32 $0xF000, s7;
	[dreg:$0x8] =	wrdreg s15;
	s15 =	sadd.s32 $0x10, s12  }
0x19: {  	s17 =	smul.u32 $0x1E0000, s21;
	s21 =	sadd.s32 s2, s24;
	s23 =	sadd.s32 s5, s23  }
0x1a: {  	s24 =	sadd.s32 $0x100, s26;
	s26 =	sadd.s32 $0x200, s26;
	s20 =	sshrl.u32 s15, $0x5  }
0x1b: {  	[dreg:$0x9] =	wrdreg s0;
	s0 =	sshrl.u32 s22, $0x5;
	s15 =	smul.u32 $0x1E0000, s20  }
0x1c: {  	vm0 =	vmmov @!p0 $0xffff;
	s22 =	sadd.s32 $0x1A400, s7;
	s20 =	smul.u32 $0x1E0000, s0;
	s0 =	simm.s32 $0x0  }
.LBB2_1:
0x1d: {  	s2 =	rddreg [dreg:$0x7]  }
0x1e: {  	[tilespmem:s4], [sflag:$0x2] =	stream.linear.gather [hbm4b:s2+s4], $0x400, $0x38;
	[tilespmem:$0x1FC80] =	vst v63  }
0x1f: {  	_ =	swait.ge [sflag:s28], $0x400  }
0x20: {  	[sflag:s28] =	ssyncset.done $0x0  }
0x21: {  	[sflag:s28] =	ssyncadd.s32 $0xFFFFFC00  }
0x22: {  	v0 =	vld [tilespmem:$0x0];
	_ =	sdelay $0x4  }
0x23: {  	(v2sf) =	vpush v0, $0x0;
	_ =	sdelay $0xe  }
0x24: {  	s12 =	spop (v2sf)  }
0x25: {  	s2 =	sshll.u32 s12, $0x7  }
0x26: {  	s3 =	sand.u32 $0xFFFFFC00, s2  }
0x27: {  	s2 =	sand.u32 $0x380, s2;
	s3 =	sadd.s32 s6, s3  }
0x28: {  	s2 =	sor.u32 s2, s3  }
0x29: {  	s2 =	sshrl.u32 s2, $0x3  }
0x2a: {  	s5 =	simm.s32 $0x3000;
	s3 =	sadd.s32 s1, s2  }
0x2b: {  	s11 =	simm.s32 $0xC00;
	s2 =	simm.s32 $0x400;
	s12 =	sadd.s32 $0x0, s3  }
.LBB2_2:
0x2c: {  	[tilespmem:s2], [sflag:$0x1] =	stream.strided.gather [hbm4b:s12+s29], $0x600, s30, s29, $0x38;
	[tilespmem:$0x1FC80] =	vst v63  }
0x2d: {  	s12 =	smov.u32 s5;
	s2 =	smov.u32 s11;
	p1 =	sne.s32 s5, $0x39000  }
.Ltmp0:
0x2e: {  	s5 =	sadd.s32 $0x3000, s5;
	(pc) =	sbr.rel @p1 .LBB2_2-.Ltmp0, $2  }
0x2f: {  	_ =	sdelay $0x2  }
0x30: {  	s11 =	sadd.s32 $0x800, s11;
	s12 =	sadd.s32 s12, s3  }
0x31: {  	(v2sf) =	vpush v0, $0x1;
	_ =	sdelay $0xd  }
0x32: {  	[tilespmem:s2], [sflag:$0x1] =	stream.strided.gather [hbm4b:s12+s29], $0x600, s30, s29, $0x38;
	[tilespmem:$0x1FC80] =	vst v63  }
0x33: {  	s12 =	spop (v2sf)  }
0x34: {  	s2 =	sshll.u32 s12, $0x7  }
0x35: {  	s3 =	sand.u32 $0xFFFFFC00, s2  }
0x36: {  	s2 =	sand.u32 $0x380, s2;
	s3 =	sadd.s32 s6, s3  }
0x37: {  	s2 =	sor.u32 s2, s3  }
0x38: {  	s2 =	sshrl.u32 s2, $0x3  }
0x39: {  	s5 =	simm.s32 $0x3000;
	s3 =	sadd.s32 s1, s2  }
0x3a: {  	s11 =	simm.s32 $0xAC00;
	s2 =	simm.s32 $0xA400;
	s12 =	sadd.s32 $0x0, s3  }
.LBB2_4:
0x3b: {  	[tilespmem:s2], [sflag:$0x1] =	stream.strided.gather [hbm4b:s12+s29], $0x600, s30, s29, $0x38;
	[tilespmem:$0x1FC80] =	vst v63  }
0x3c: {  	s12 =	smov.u32 s5;
	s2 =	smov.u32 s11;
	p1 =	sne.s32 s5, $0x39000  }
.Ltmp1:
0x3d: {  	s5 =	sadd.s32 $0x3000, s5;
	(pc) =	sbr.rel @p1 .LBB2_4-.Ltmp1, $2  }
0x3e: {  	_ =	sdelay $0x2  }
0x3f: {  	s11 =	sadd.s32 $0x800, s11;
	s12 =	sadd.s32 s12, s3  }
0x40: {  	(v2sf) =	vpush v0, $0x2;
	_ =	sdelay $0xd  }
0x41: {  	[tilespmem:s2], [sflag:$0x1] =	stream.strided.gather [hbm4b:s12+s29], $0x600, s30, s29, $0x38;
	[tilespmem:$0x1FC80] =	vst v63  }
0x42: {  	s12 =	spop (v2sf)  }
0x43: {  	s2 =	sshll.u32 s12, $0x7  }
0x44: {  	s3 =	sand.u32 $0xFFFFFC00, s2  }
0x45: {  	s2 =	sand.u32 $0x380, s2;
	s3 =	sadd.s32 s6, s3  }
0x46: {  	s2 =	sor.u32 s2, s3  }
0x47: {  	s2 =	sshrl.u32 s2, $0x3  }
0x48: {  	s5 =	simm.s32 $0x3000;
	s3 =	sadd.s32 s1, s2  }
0x49: {  	s11 =	simm.s32 $0x14C00;
	s2 =	simm.s32 $0x14400;
	s12 =	sadd.s32 $0x0, s3  }
.LBB2_6:
0x4a: {  	[tilespmem:s2], [sflag:$0x1] =	stream.strided.gather [hbm4b:s12+s29], $0x600, s30, s29, $0x38;
	[tilespmem:$0x1FC80] =	vst v63  }
0x4b: {  	s12 =	smov.u32 s5;
	s2 =	smov.u32 s11;
	p1 =	sne.s32 s5, $0x39000  }
.Ltmp2:
0x4c: {  	s5 =	sadd.s32 $0x3000, s5;
	(pc) =	sbr.rel @p1 .LBB2_6-.Ltmp2, $2  }
0x4d: {  	_ =	sdelay $0x2  }
0x4e: {  	s11 =	sadd.s32 $0x800, s11;
	s12 =	sadd.s32 s12, s3  }
0x4f: {  	[tilespmem:s2], [sflag:$0x1] =	stream.strided.gather [hbm4b:s12+s29], $0x600, s30, s29, $0x38;
	[tilespmem:$0x1FC80] =	vst v63  }
0x50: {  	_ =	swait.ge [sflag:s31], $0x7800  }
0x51: {  	[sflag:s31] =	ssyncset.done $0x0  }
0x52: {  	[sflag:s31] =	ssyncadd.s32 $0xFFFF8800  }
0x53: {  	_ =	swait.ge [sflag:s31], $0x7800  }
0x54: {  	[sflag:s31] =	ssyncset.done $0x0  }
0x55: {  	[sflag:s31] =	ssyncadd.s32 $0xFFFF8800  }
0x56: {  	_ =	swait.ge [sflag:s31], $0x7800  }
0x57: {  	s2 =	simm.s32 $0x400;
	s3 =	simm.s32 $0x100;
	[sflag:s31] =	ssyncset.done $0x0  }
0x58: {  	s11 =	sadd.s32 $0x0, s7;
	s5 =	simm.s32 $0xC00;
	[sflag:s31] =	ssyncadd.s32 $0xFFFF8800  }
.LBB2_8:
0x59: {  	[hbm4b:s11+s4] =	stream.linear.scatter [tilespmem:s2], [sflag:$0x2], $0x600, $0x38;
	[tilespmem:$0x1FC80] =	vst v63  }
0x5a: {  	s11 =	smov.u32 s3;
	s2 =	smov.u32 s5;
	p1 =	sne.s32 s3, $0x3B00  }
.Ltmp3:
0x5b: {  	s3 =	sadd.s32 $0x100, s3;
	(pc) =	sbr.rel @p1 .LBB2_8-.Ltmp3, $2  }
0x5c: {  	_ =	sdelay $0x2  }
0x5d: {  	s5 =	sadd.s32 $0x800, s5;
	s11 =	sadd.s32 s11, s7  }
0x5e: {  	[hbm4b:s11+s4] =	stream.linear.scatter [tilespmem:s2], [sflag:$0x2], $0x600, $0x38;
	[tilespmem:$0x1FC80] =	vst v63  }
0x5f: {  	_ =	swait.ge [sflag:s28], $0x16800  }
0x60: {  	[sflag:s28] =	ssyncset.done $0x0  }
0x61: {  	[sflag:s28] =	ssyncadd.s32 $0xFFFE9800  }
0x62: {  	v0 =	vld [tilespmem:$0x80];
	_ =	sdelay $0x4  }
0x63: {  	(v2sf) =	vpush v0, $0x0;
	_ =	sdelay $0xe  }
0x64: {  	s12 =	spop (v2sf)  }
0x65: {  	s2 =	sshll.u32 s12, $0x7  }
0x66: {  	s3 =	sand.u32 $0xFFFFFC00, s2  }
0x67: {  	s2 =	sand.u32 $0x380, s2;
	s3 =	sadd.s32 s6, s3  }
0x68: {  	s2 =	sor.u32 s2, s3  }
0x69: {  	s2 =	sshrl.u32 s2, $0x3  }
0x6a: {  	s5 =	simm.s32 $0x3000;
	s3 =	sadd.s32 s1, s2  }
0x6b: {  	s11 =	simm.s32 $0xC00;
	s2 =	simm.s32 $0x400;
	s12 =	sadd.s32 $0x0, s3  }
.LBB2_10:
0x6c: {  	[tilespmem:s2], [sflag:$0x1] =	stream.strided.gather [hbm4b:s12+s29], $0x600, s30, s29, $0x38;
	[tilespmem:$0x1FC80] =	vst v63  }
0x6d: {  	s12 =	smov.u32 s5;
	s2 =	smov.u32 s11;
	p1 =	sne.s32 s5, $0x39000  }
.Ltmp4:
0x6e: {  	s5 =	sadd.s32 $0x3000, s5;
	(pc) =	sbr.rel @p1 .LBB2_10-.Ltmp4, $2  }
0x6f: {  	_ =	sdelay $0x2  }
0x70: {  	s11 =	sadd.s32 $0x800, s11;
	s12 =	sadd.s32 s12, s3  }
0x71: {  	(v2sf) =	vpush v0, $0x1;
	_ =	sdelay $0xd  }
0x72: {  	[tilespmem:s2], [sflag:$0x1] =	stream.strided.gather [hbm4b:s12+s29], $0x600, s30, s29, $0x38;
	[tilespmem:$0x1FC80] =	vst v63  }
0x73: {  	s12 =	spop (v2sf)  }
0x74: {  	s2 =	sshll.u32 s12, $0x7  }
0x75: {  	s3 =	sand.u32 $0xFFFFFC00, s2  }
0x76: {  	s2 =	sand.u32 $0x380, s2;
	s3 =	sadd.s32 s6, s3  }
0x77: {  	s2 =	sor.u32 s2, s3  }
0x78: {  	s2 =	sshrl.u32 s2, $0x3  }
0x79: {  	s5 =	simm.s32 $0x3000;
	s3 =	sadd.s32 s1, s2  }
0x7a: {  	s11 =	simm.s32 $0xAC00;
	s2 =	simm.s32 $0xA400;
	s12 =	sadd.s32 $0x0, s3  }
.LBB2_12:
0x7b: {  	[tilespmem:s2], [sflag:$0x1] =	stream.strided.gather [hbm4b:s12+s29], $0x600, s30, s29, $0x38;
	[tilespmem:$0x1FC80] =	vst v63  }
0x7c: {  	s12 =	smov.u32 s5;
	s2 =	smov.u32 s11;
	p1 =	sne.s32 s5, $0x39000  }
.Ltmp5:
0x7d: {  	s5 =	sadd.s32 $0x3000, s5;
	(pc) =	sbr.rel @p1 .LBB2_12-.Ltmp5, $2  }
0x7e: {  	_ =	sdelay $0x2  }
0x7f: {  	s11 =	sadd.s32 $0x800, s11;
	s12 =	sadd.s32 s12, s3  }
0x80: {  	(v2sf) =	vpush v0, $0x2;
	_ =	sdelay $0xd  }
0x81: {  	[tilespmem:s2], [sflag:$0x1] =	stream.strided.gather [hbm4b:s12+s29], $0x600, s30, s29, $0x38;
	[tilespmem:$0x1FC80] =	vst v63  }
0x82: {  	s12 =	spop (v2sf)  }
0x83: {  	s2 =	sshll.u32 s12, $0x7  }
0x84: {  	s3 =	sand.u32 $0xFFFFFC00, s2  }
0x85: {  	s2 =	sand.u32 $0x380, s2;
	s3 =	sadd.s32 s6, s3  }
0x86: {  	s2 =	sor.u32 s2, s3  }
0x87: {  	s2 =	sshrl.u32 s2, $0x3  }
0x88: {  	s5 =	simm.s32 $0x3000;
	s3 =	sadd.s32 s1, s2  }
0x89: {  	s11 =	simm.s32 $0x14C00;
	s2 =	simm.s32 $0x14400;
	s12 =	sadd.s32 $0x0, s3  }
.LBB2_14:
0x8a: {  	[tilespmem:s2], [sflag:$0x1] =	stream.strided.gather [hbm4b:s12+s29], $0x600, s30, s29, $0x38;
	[tilespmem:$0x1FC80] =	vst v63  }
0x8b: {  	s12 =	smov.u32 s5;
	s2 =	smov.u32 s11;
	p1 =	sne.s32 s5, $0x39000  }
.Ltmp6:
0x8c: {  	s5 =	sadd.s32 $0x3000, s5;
	(pc) =	sbr.rel @p1 .LBB2_14-.Ltmp6, $2  }
0x8d: {  	_ =	sdelay $0x2  }
0x8e: {  	s11 =	sadd.s32 $0x800, s11;
	s12 =	sadd.s32 s12, s3  }
0x8f: {  	[tilespmem:s2], [sflag:$0x1] =	stream.strided.gather [hbm4b:s12+s29], $0x600, s30, s29, $0x38;
	[tilespmem:$0x1FC80] =	vst v63  }
0x90: {  	_ =	swait.ge [sflag:s31], $0x7800  }
0x91: {  	[sflag:s31] =	ssyncset.done $0x0  }
0x92: {  	[sflag:s31] =	ssyncadd.s32 $0xFFFF8800  }
0x93: {  	_ =	swait.ge [sflag:s31], $0x7800  }
0x94: {  	[sflag:s31] =	ssyncset.done $0x0  }
0x95: {  	[sflag:s31] =	ssyncadd.s32 $0xFFFF8800  }
0x96: {  	_ =	swait.ge [sflag:s31], $0x7800  }
0x97: {  	s2 =	simm.s32 $0x400;
	s3 =	simm.s32 $0x100;
	[sflag:s31] =	ssyncset.done $0x0  }
0x98: {  	s11 =	sadd.s32 $0x0, s8;
	s5 =	simm.s32 $0xC00;
	[sflag:s31] =	ssyncadd.s32 $0xFFFF8800  }
.LBB2_16:
0x99: {  	[hbm4b:s11+s4] =	stream.linear.scatter [tilespmem:s2], [sflag:$0x2], $0x600, $0x38;
	[tilespmem:$0x1FC80] =	vst v63  }
0x9a: {  	s11 =	smov.u32 s3;
	s2 =	smov.u32 s5;
	p1 =	sne.s32 s3, $0x3B00  }
.Ltmp7:
0x9b: {  	s3 =	sadd.s32 $0x100, s3;
	(pc) =	sbr.rel @p1 .LBB2_16-.Ltmp7, $2  }
0x9c: {  	_ =	sdelay $0x2  }
0x9d: {  	s5 =	sadd.s32 $0x800, s5;
	s11 =	sadd.s32 s11, s8  }
0x9e: {  	[hbm4b:s11+s4] =	stream.linear.scatter [tilespmem:s2], [sflag:$0x2], $0x600, $0x38;
	[tilespmem:$0x1FC80] =	vst v63  }
0x9f: {  	_ =	swait.ge [sflag:s28], $0x16800  }
0xa0: {  	[sflag:s28] =	ssyncset.done $0x0  }
0xa1: {  	[sflag:s28] =	ssyncadd.s32 $0xFFFE9800  }
0xa2: {  	v0 =	vld [tilespmem:$0x100];
	_ =	sdelay $0x4  }
0xa3: {  	(v2sf) =	vpush v0, $0x0;
	_ =	sdelay $0xe  }
0xa4: {  	s12 =	spop (v2sf)  }
0xa5: {  	s2 =	sshll.u32 s12, $0x7  }
0xa6: {  	s3 =	sand.u32 $0xFFFFFC00, s2  }
0xa7: {  	s2 =	sand.u32 $0x380, s2;
	s3 =	sadd.s32 s6, s3  }
0xa8: {  	s2 =	sor.u32 s2, s3  }
0xa9: {  	s2 =	sshrl.u32 s2, $0x3  }
0xaa: {  	s5 =	simm.s32 $0x3000;
	s3 =	sadd.s32 s1, s2  }
0xab: {  	s11 =	simm.s32 $0xC00;
	s2 =	simm.s32 $0x400;
	s12 =	sadd.s32 $0x0, s3  }
.LBB2_18:
0xac: {  	[tilespmem:s2], [sflag:$0x1] =	stream.strided.gather [hbm4b:s12+s29], $0x600, s30, s29, $0x38;
	[tilespmem:$0x1FC80] =	vst v63  }
0xad: {  	s12 =	smov.u32 s5;
	s2 =	smov.u32 s11;
	p1 =	sne.s32 s5, $0x39000  }
.Ltmp8:
0xae: {  	s5 =	sadd.s32 $0x3000, s5;
	(pc) =	sbr.rel @p1 .LBB2_18-.Ltmp8, $2  }
0xaf: {  	_ =	sdelay $0x2  }
0xb0: {  	s11 =	sadd.s32 $0x800, s11;
	s12 =	sadd.s32 s12, s3  }
0xb1: {  	(v2sf) =	vpush v0, $0x1;
	_ =	sdelay $0xd  }
0xb2: {  	[tilespmem:s2], [sflag:$0x1] =	stream.strided.gather [hbm4b:s12+s29], $0x600, s30, s29, $0x38;
	[tilespmem:$0x1FC80] =	vst v63  }
0xb3: {  	s12 =	spop (v2sf)  }
0xb4: {  	s2 =	sshll.u32 s12, $0x7  }
0xb5: {  	s3 =	sand.u32 $0xFFFFFC00, s2  }
0xb6: {  	s2 =	sand.u32 $0x380, s2;
	s3 =	sadd.s32 s6, s3  }
0xb7: {  	s2 =	sor.u32 s2, s3  }
0xb8: {  	s2 =	sshrl.u32 s2, $0x3  }
0xb9: {  	s5 =	simm.s32 $0x3000;
	s3 =	sadd.s32 s1, s2  }
0xba: {  	s11 =	simm.s32 $0xAC00;
	s2 =	simm.s32 $0xA400;
	s12 =	sadd.s32 $0x0, s3  }
.LBB2_20:
0xbb: {  	[tilespmem:s2], [sflag:$0x1] =	stream.strided.gather [hbm4b:s12+s29], $0x600, s30, s29, $0x38;
	[tilespmem:$0x1FC80] =	vst v63  }
0xbc: {  	s12 =	smov.u32 s5;
	s2 =	smov.u32 s11;
	p1 =	sne.s32 s5, $0x39000  }
.Ltmp9:
0xbd: {  	s5 =	sadd.s32 $0x3000, s5;
	(pc) =	sbr.rel @p1 .LBB2_20-.Ltmp9, $2  }
0xbe: {  	_ =	sdelay $0x2  }
0xbf: {  	s11 =	sadd.s32 $0x800, s11;
	s12 =	sadd.s32 s12, s3  }
0xc0: {  	(v2sf) =	vpush v0, $0x2;
	_ =	sdelay $0xd  }
0xc1: {  	[tilespmem:s2], [sflag:$0x1] =	stream.strided.gather [hbm4b:s12+s29], $0x600, s30, s29, $0x38;
	[tilespmem:$0x1FC80] =	vst v63  }
0xc2: {  	s12 =	spop (v2sf)  }
0xc3: {  	s2 =	sshll.u32 s12, $0x7  }
0xc4: {  	s3 =	sand.u32 $0xFFFFFC00, s2  }
0xc5: {  	s2 =	sand.u32 $0x380, s2;
	s3 =	sadd.s32 s9, s3  }
0xc6: {  	s2 =	sor.u32 s2, s3  }
0xc7: {  	s2 =	sshrl.u32 s2, $0x3  }
0xc8: {  	s5 =	simm.s32 $0x3000;
	s3 =	sadd.s32 s1, s2  }
0xc9: {  	s11 =	simm.s32 $0x14C00;
	s2 =	simm.s32 $0x14400;
	s12 =	sadd.s32 $0x0, s3  }
.LBB2_22:
0xca: {  	[tilespmem:s2], [sflag:$0x1] =	stream.strided.gather [hbm4b:s12+s29], $0x600, s30, s29, $0x38;
	[tilespmem:$0x1FC80] =	vst v63  }
0xcb: {  	s12 =	smov.u32 s5;
	s2 =	smov.u32 s11;
	p1 =	sne.s32 s5, $0x39000  }
.Ltmp10:
0xcc: {  	s5 =	sadd.s32 $0x3000, s5;
	(pc) =	sbr.rel @p1 .LBB2_22-.Ltmp10, $2  }
0xcd: {  	_ =	sdelay $0x2  }
0xce: {  	s11 =	sadd.s32 $0x800, s11;
	s12 =	sadd.s32 s12, s3  }
0xcf: {  	[tilespmem:s2], [sflag:$0x1] =	stream.strided.gather [hbm4b:s12+s29], $0x600, s30, s29, $0x38;
	[tilespmem:$0x1FC80] =	vst v63  }
0xd0: {  	_ =	swait.ge [sflag:s31], $0x7800  }
0xd1: {  	[sflag:s31] =	ssyncset.done $0x0  }
0xd2: {  	[sflag:s31] =	ssyncadd.s32 $0xFFFF8800  }
0xd3: {  	_ =	swait.ge [sflag:s31], $0x7800  }
0xd4: {  	[sflag:s31] =	ssyncset.done $0x0  }
0xd5: {  	[sflag:s31] =	ssyncadd.s32 $0xFFFF8800  }
0xd6: {  	_ =	swait.ge [sflag:s31], $0x7800  }
0xd7: {  	s2 =	simm.s32 $0x400;
	s3 =	simm.s32 $0x100;
	[sflag:s31] =	ssyncset.done $0x0  }
0xd8: {  	s11 =	sadd.s32 $0x0, s10;
	s5 =	simm.s32 $0xC00;
	[sflag:s31] =	ssyncadd.s32 $0xFFFF8800  }
.LBB2_24:
0xd9: {  	[hbm4b:s11+s4] =	stream.linear.scatter [tilespmem:s2], [sflag:$0x2], $0x600, $0x38;
	[tilespmem:$0x1FC80] =	vst v63  }
0xda: {  	s11 =	smov.u32 s3;
	s2 =	smov.u32 s5;
	p1 =	sne.s32 s3, $0x3B00  }
.Ltmp11:
0xdb: {  	s3 =	sadd.s32 $0x100, s3;
	(pc) =	sbr.rel @p1 .LBB2_24-.Ltmp11, $2  }
0xdc: {  	_ =	sdelay $0x2  }
0xdd: {  	s5 =	sadd.s32 $0x800, s5;
	s11 =	sadd.s32 s11, s10  }
0xde: {  	[hbm4b:s11+s4] =	stream.linear.scatter [tilespmem:s2], [sflag:$0x2], $0x600, $0x38;
	[tilespmem:$0x1FC80] =	vst v63  }
0xdf: {  	_ =	swait.ge [sflag:s28], $0x16800  }
0xe0: {  	[sflag:s28] =	ssyncset.done $0x0  }
0xe1: {  	[sflag:s28] =	ssyncadd.s32 $0xFFFE9800  }
0xe2: {  	v0 =	vld [tilespmem:$0x180];
	_ =	sdelay $0x4  }
0xe3: {  	(v2sf) =	vpush v0, $0x0;
	_ =	sdelay $0xe  }
0xe4: {  	s12 =	spop (v2sf)  }
0xe5: {  	s2 =	sshll.u32 s12, $0x7  }
0xe6: {  	s5 =	rddreg [dreg:$0x8];
	s3 =	sand.u32 $0xFFFFFC00, s2  }
0xe7: {  	s2 =	sand.u32 $0x380, s2;
	s3 =	sadd.s32 s5, s3  }
0xe8: {  	s2 =	sor.u32 s2, s3  }
0xe9: {  	s2 =	sshrl.u32 s2, $0x3  }
0xea: {  	s11 =	simm.s32 $0xC00;
	s3 =	sadd.s32 s1, s2  }
0xeb: {  	s5 =	simm.s32 $0x3000;
	s2 =	simm.s32 $0x400;
	s12 =	sadd.s32 $0x0, s3  }
.LBB2_26:
0xec: {  	[tilespmem:s2], [sflag:$0x1] =	stream.strided.gather [hbm4b:s12+s29], $0x600, s30, s29, $0x38;
	[tilespmem:$0x1FC80] =	vst v63  }
0xed: {  	s12 =	smov.u32 s5;
	s2 =	smov.u32 s11;
	p1 =	sne.s32 s5, $0x39000  }
.Ltmp12:
0xee: {  	s5 =	sadd.s32 $0x3000, s5;
	(pc) =	sbr.rel @p1 .LBB2_26-.Ltmp12, $2  }
0xef: {  	_ =	sdelay $0x2  }
0xf0: {  	s11 =	sadd.s32 $0x800, s11;
	s12 =	sadd.s32 s12, s3  }
0xf1: {  	(v2sf) =	vpush v0, $0x1;
	_ =	sdelay $0xd  }
0xf2: {  	[tilespmem:s2], [sflag:$0x1] =	stream.strided.gather [hbm4b:s12+s29], $0x600, s30, s29, $0x38;
	[tilespmem:$0x1FC80] =	vst v63  }
0xf3: {  	s12 =	spop (v2sf)  }
0xf4: {  	s2 =	sshll.u32 s12, $0x7  }
0xf5: {  	s3 =	sand.u32 $0xFFFFFC00, s2  }
0xf6: {  	s2 =	sand.u32 $0x380, s2;
	s3 =	sadd.s32 s9, s3  }
0xf7: {  	s2 =	sor.u32 s2, s3  }
0xf8: {  	s2 =	sshrl.u32 s2, $0x3  }
0xf9: {  	s5 =	simm.s32 $0x3000;
	s3 =	sadd.s32 s1, s2  }
0xfa: {  	s11 =	simm.s32 $0xAC00;
	s2 =	simm.s32 $0xA400;
	s12 =	sadd.s32 $0x0, s3  }
.LBB2_28:
0xfb: {  	[tilespmem:s2], [sflag:$0x1] =	stream.strided.gather [hbm4b:s12+s29], $0x600, s30, s29, $0x38;
	[tilespmem:$0x1FC80] =	vst v63  }
0xfc: {  	s12 =	smov.u32 s5;
	s2 =	smov.u32 s11;
	p1 =	sne.s32 s5, $0x39000  }
.Ltmp13:
0xfd: {  	s5 =	sadd.s32 $0x3000, s5;
	(pc) =	sbr.rel @p1 .LBB2_28-.Ltmp13, $2  }
0xfe: {  	_ =	sdelay $0x2  }
0xff: {  	s11 =	sadd.s32 $0x800, s11;
	s12 =	sadd.s32 s12, s3  }
0x100: {  	(v2sf) =	vpush v0, $0x2;
	_ =	sdelay $0xd  }
0x101: {  	[tilespmem:s2], [sflag:$0x1] =	stream.strided.gather [hbm4b:s12+s29], $0x600, s30, s29, $0x38;
	[tilespmem:$0x1FC80] =	vst v63  }
0x102: {  	s12 =	spop (v2sf)  }
0x103: {  	s2 =	sshll.u32 s12, $0x7  }
0x104: {  	s3 =	sand.u32 $0xFFFFFC00, s2  }
0x105: {  	s2 =	sand.u32 $0x380, s2;
	s3 =	sadd.s32 s9, s3  }
0x106: {  	s2 =	sor.u32 s2, s3  }
0x107: {  	s2 =	sshrl.u32 s2, $0x3  }
0x108: {  	s5 =	simm.s32 $0x3000;
	s3 =	sadd.s32 s1, s2  }
0x109: {  	s11 =	simm.s32 $0x14C00;
	s2 =	simm.s32 $0x14400;
	s12 =	sadd.s32 $0x0, s3  }
.LBB2_30:
0x10a: {  	[tilespmem:s2], [sflag:$0x1] =	stream.strided.gather [hbm4b:s12+s29], $0x600, s30, s29, $0x38;
	[tilespmem:$0x1FC80] =	vst v63  }
0x10b: {  	s12 =	smov.u32 s5;
	s2 =	smov.u32 s11;
	p1 =	sne.s32 s5, $0x39000  }
.Ltmp14:
0x10c: {  	s5 =	sadd.s32 $0x3000, s5;
	(pc) =	sbr.rel @p1 .LBB2_30-.Ltmp14, $2  }
0x10d: {  	_ =	sdelay $0x2  }
0x10e: {  	s11 =	sadd.s32 $0x800, s11;
	s12 =	sadd.s32 s12, s3  }
0x10f: {  	[tilespmem:s2], [sflag:$0x1] =	stream.strided.gather [hbm4b:s12+s29], $0x600, s30, s29, $0x38;
	[tilespmem:$0x1FC80] =	vst v63  }
0x110: {  	_ =	swait.ge [sflag:s31], $0x7800  }
0x111: {  	[sflag:s31] =	ssyncset.done $0x0  }
0x112: {  	[sflag:s31] =	ssyncadd.s32 $0xFFFF8800  }
0x113: {  	_ =	swait.ge [sflag:s31], $0x7800  }
0x114: {  	[sflag:s31] =	ssyncset.done $0x0  }
0x115: {  	[sflag:s31] =	ssyncadd.s32 $0xFFFF8800  }
0x116: {  	_ =	swait.ge [sflag:s31], $0x7800  }
0x117: {  	s2 =	simm.s32 $0x400;
	s3 =	simm.s32 $0x100;
	[sflag:s31] =	ssyncset.done $0x0  }
0x118: {  	s11 =	sadd.s32 $0x0, s14;
	s5 =	simm.s32 $0xC00;
	[sflag:s31] =	ssyncadd.s32 $0xFFFF8800  }
.LBB2_32:
0x119: {  	[hbm4b:s11+s4] =	stream.linear.scatter [tilespmem:s2], [sflag:$0x2], $0x600, $0x38;
	[tilespmem:$0x1FC80] =	vst v63  }
0x11a: {  	s11 =	smov.u32 s3;
	s2 =	smov.u32 s5;
	p1 =	sne.s32 s3, $0x3B00  }
.Ltmp15:
0x11b: {  	s3 =	sadd.s32 $0x100, s3;
	(pc) =	sbr.rel @p1 .LBB2_32-.Ltmp15, $2  }
0x11c: {  	_ =	sdelay $0x2  }
0x11d: {  	s5 =	sadd.s32 $0x800, s5;
	s11 =	sadd.s32 s11, s14  }
0x11e: {  	[hbm4b:s11+s4] =	stream.linear.scatter [tilespmem:s2], [sflag:$0x2], $0x600, $0x38;
	[tilespmem:$0x1FC80] =	vst v63  }
0x11f: {  	_ =	swait.ge [sflag:s28], $0x16800  }
0x120: {  	[sflag:s28] =	ssyncset.done $0x0  }
0x121: {  	[sflag:s28] =	ssyncadd.s32 $0xFFFE9800  }
0x122: {  	v0 =	vld [tilespmem:$0x200];
	_ =	sdelay $0x4  }
0x123: {  	(v2sf) =	vpush v0, $0x0;
	_ =	sdelay $0xe  }
0x124: {  	s12 =	spop (v2sf)  }
0x125: {  	s2 =	sshll.u32 s12, $0x7  }
0x126: {  	s5 =	rddreg [dreg:$0x9];
	s3 =	sand.u32 $0xFFFFFC00, s2  }
0x127: {  	s2 =	sand.u32 $0x380, s2;
	s3 =	sadd.s32 s5, s3  }
0x128: {  	s2 =	sor.u32 s2, s3  }
0x129: {  	s2 =	sshrl.u32 s2, $0x3  }
0x12a: {  	s11 =	simm.s32 $0xC00;
	s3 =	sadd.s32 s1, s2  }
0x12b: {  	s5 =	simm.s32 $0x3000;
	s2 =	simm.s32 $0x400;
	s12 =	sadd.s32 $0x0, s3  }
.LBB2_34:
0x12c: {  	[tilespmem:s2], [sflag:$0x1] =	stream.strided.gather [hbm4b:s12+s29], $0x600, s30, s29, $0x38;
	[tilespmem:$0x1FC80] =	vst v63  }
0x12d: {  	s12 =	smov.u32 s5;
	s2 =	smov.u32 s11;
	p1 =	sne.s32 s5, $0x39000  }
.Ltmp16:
0x12e: {  	s5 =	sadd.s32 $0x3000, s5;
	(pc) =	sbr.rel @p1 .LBB2_34-.Ltmp16, $2  }
0x12f: {  	_ =	sdelay $0x2  }
0x130: {  	s11 =	sadd.s32 $0x800, s11;
	s12 =	sadd.s32 s12, s3  }
0x131: {  	(v2sf) =	vpush v0, $0x1;
	_ =	sdelay $0xd  }
0x132: {  	[tilespmem:s2], [sflag:$0x1] =	stream.strided.gather [hbm4b:s12+s29], $0x600, s30, s29, $0x38;
	[tilespmem:$0x1FC80] =	vst v63  }
0x133: {  	s12 =	spop (v2sf)  }
0x134: {  	s2 =	sshll.u32 s12, $0x7  }
0x135: {  	s3 =	sand.u32 $0xFFFFFC00, s2  }
0x136: {  	s2 =	sand.u32 $0x380, s2;
	s3 =	sadd.s32 s9, s3  }
0x137: {  	s2 =	sor.u32 s2, s3  }
0x138: {  	s2 =	sshrl.u32 s2, $0x3  }
0x139: {  	s5 =	simm.s32 $0x3000;
	s3 =	sadd.s32 s1, s2  }
0x13a: {  	s11 =	simm.s32 $0xAC00;
	s2 =	simm.s32 $0xA400;
	s12 =	sadd.s32 $0x0, s3  }
.LBB2_36:
0x13b: {  	[tilespmem:s2], [sflag:$0x1] =	stream.strided.gather [hbm4b:s12+s29], $0x600, s30, s29, $0x38;
	[tilespmem:$0x1FC80] =	vst v63  }
0x13c: {  	s12 =	smov.u32 s5;
	s2 =	smov.u32 s11;
	p1 =	sne.s32 s5, $0x39000  }
.Ltmp17:
0x13d: {  	s5 =	sadd.s32 $0x3000, s5;
	(pc) =	sbr.rel @p1 .LBB2_36-.Ltmp17, $2  }
0x13e: {  	_ =	sdelay $0x2  }
0x13f: {  	s11 =	sadd.s32 $0x800, s11;
	s12 =	sadd.s32 s12, s3  }
0x140: {  	(v2sf) =	vpush v0, $0x2;
	_ =	sdelay $0xd  }
0x141: {  	[tilespmem:s2], [sflag:$0x1] =	stream.strided.gather [hbm4b:s12+s29], $0x600, s30, s29, $0x38;
	[tilespmem:$0x1FC80] =	vst v63  }
0x142: {  	s12 =	spop (v2sf)  }
0x143: {  	s2 =	sshll.u32 s12, $0x7  }
0x144: {  	s3 =	sand.u32 $0xFFFFFC00, s2  }
0x145: {  	s2 =	sand.u32 $0x380, s2;
	s3 =	sadd.s32 s9, s3  }
0x146: {  	s2 =	sor.u32 s2, s3  }
0x147: {  	s2 =	sshrl.u32 s2, $0x3  }
0x148: {  	s5 =	simm.s32 $0x3000;
	s3 =	sadd.s32 s1, s2  }
0x149: {  	s11 =	simm.s32 $0x14C00;
	s2 =	simm.s32 $0x14400;
	s12 =	sadd.s32 $0x0, s3  }
.LBB2_38:
0x14a: {  	[tilespmem:s2], [sflag:$0x1] =	stream.strided.gather [hbm4b:s12+s29], $0x600, s30, s29, $0x38;
	[tilespmem:$0x1FC80] =	vst v63  }
0x14b: {  	s12 =	smov.u32 s5;
	s2 =	smov.u32 s11;
	p1 =	sne.s32 s5, $0x39000  }
.Ltmp18:
0x14c: {  	s5 =	sadd.s32 $0x3000, s5;
	(pc) =	sbr.rel @p1 .LBB2_38-.Ltmp18, $2  }
0x14d: {  	_ =	sdelay $0x2  }
0x14e: {  	s11 =	sadd.s32 $0x800, s11;
	s12 =	sadd.s32 s12, s3  }
0x14f: {  	[tilespmem:s2], [sflag:$0x1] =	stream.strided.gather [hbm4b:s12+s29], $0x600, s30, s29, $0x38;
	[tilespmem:$0x1FC80] =	vst v63  }
0x150: {  	_ =	swait.ge [sflag:s31], $0x7800  }
0x151: {  	[sflag:s31] =	ssyncset.done $0x0  }
0x152: {  	[sflag:s31] =	ssyncadd.s32 $0xFFFF8800  }
0x153: {  	_ =	swait.ge [sflag:s31], $0x7800  }
0x154: {  	[sflag:s31] =	ssyncset.done $0x0  }
0x155: {  	[sflag:s31] =	ssyncadd.s32 $0xFFFF8800  }
0x156: {  	_ =	swait.ge [sflag:s31], $0x7800  }
0x157: {  	s2 =	simm.s32 $0x400;
	s3 =	simm.s32 $0x100;
	[sflag:s31] =	ssyncset.done $0x0  }
0x158: {  	s11 =	sadd.s32 $0x0, s16;
	s5 =	simm.s32 $0xC00;
	[sflag:s31] =	ssyncadd.s32 $0xFFFF8800  }
.LBB2_40:
0x159: {  	[hbm4b:s11+s4] =	stream.linear.scatter [tilespmem:s2], [sflag:$0x2], $0x600, $0x38;
	[tilespmem:$0x1FC80] =	vst v63  }
0x15a: {  	s11 =	smov.u32 s3;
	s2 =	smov.u32 s5;
	p1 =	sne.s32 s3, $0x3B00  }
.Ltmp19:
0x15b: {  	s3 =	sadd.s32 $0x100, s3;
	(pc) =	sbr.rel @p1 .LBB2_40-.Ltmp19, $2  }
0x15c: {  	_ =	sdelay $0x2  }
0x15d: {  	s5 =	sadd.s32 $0x800, s5;
	s11 =	sadd.s32 s11, s16  }
0x15e: {  	[hbm4b:s11+s4] =	stream.linear.scatter [tilespmem:s2], [sflag:$0x2], $0x600, $0x38;
	[tilespmem:$0x1FC80] =	vst v63  }
0x15f: {  	_ =	swait.ge [sflag:s28], $0x16800  }
0x160: {  	[sflag:s28] =	ssyncset.done $0x0  }
0x161: {  	[sflag:s28] =	ssyncadd.s32 $0xFFFE9800  }
0x162: {  	v0 =	vld [tilespmem:$0x280];
	_ =	sdelay $0x4  }
0x163: {  	(v2sf) =	vpush v0, $0x0;
	_ =	sdelay $0xe  }
0x164: {  	s12 =	spop (v2sf)  }
0x165: {  	s2 =	sshll.u32 s12, $0x7  }
0x166: {  	s3 =	sand.u32 $0xFFFFFC00, s2  }
0x167: {  	s2 =	sand.u32 $0x380, s2;
	s3 =	sadd.s32 s13, s3  }
0x168: {  	s2 =	sor.u32 s2, s3  }
0x169: {  	s2 =	sshrl.u32 s2, $0x3  }
0x16a: {  	s5 =	simm.s32 $0x3000;
	s3 =	sadd.s32 s1, s2  }
0x16b: {  	s11 =	simm.s32 $0xC00;
	s2 =	simm.s32 $0x400;
	s12 =	sadd.s32 $0x0, s3  }
.LBB2_42:
0x16c: {  	[tilespmem:s2], [sflag:$0x1] =	stream.strided.gather [hbm4b:s12+s29], $0x600, s30, s29, $0x38;
	[tilespmem:$0x1FC80] =	vst v63  }
0x16d: {  	s12 =	smov.u32 s5;
	s2 =	smov.u32 s11;
	p1 =	sne.s32 s5, $0x39000  }
.Ltmp20:
0x16e: {  	s5 =	sadd.s32 $0x3000, s5;
	(pc) =	sbr.rel @p1 .LBB2_42-.Ltmp20, $2  }
0x16f: {  	_ =	sdelay $0x2  }
0x170: {  	s11 =	sadd.s32 $0x800, s11;
	s12 =	sadd.s32 s12, s3  }
0x171: {  	(v2sf) =	vpush v0, $0x1;
	_ =	sdelay $0xd  }
0x172: {  	[tilespmem:s2], [sflag:$0x1] =	stream.strided.gather [hbm4b:s12+s29], $0x600, s30, s29, $0x38;
	[tilespmem:$0x1FC80] =	vst v63  }
0x173: {  	s12 =	spop (v2sf)  }
0x174: {  	s2 =	sshll.u32 s12, $0x7  }
0x175: {  	s3 =	sand.u32 $0xFFFFFC00, s2  }
0x176: {  	s2 =	sand.u32 $0x380, s2;
	s3 =	sadd.s32 s15, s3  }
0x177: {  	s2 =	sor.u32 s2, s3  }
0x178: {  	s2 =	sshrl.u32 s2, $0x3  }
0x179: {  	s5 =	simm.s32 $0x3000;
	s3 =	sadd.s32 s1, s2  }
0x17a: {  	s11 =	simm.s32 $0xAC00;
	s2 =	simm.s32 $0xA400;
	s12 =	sadd.s32 $0x0, s3  }
.LBB2_44:
0x17b: {  	[tilespmem:s2], [sflag:$0x1] =	stream.strided.gather [hbm4b:s12+s29], $0x600, s30, s29, $0x38;
	[tilespmem:$0x1FC80] =	vst v63  }
0x17c: {  	s12 =	smov.u32 s5;
	s2 =	smov.u32 s11;
	p1 =	sne.s32 s5, $0x39000  }
.Ltmp21:
0x17d: {  	s5 =	sadd.s32 $0x3000, s5;
	(pc) =	sbr.rel @p1 .LBB2_44-.Ltmp21, $2  }
0x17e: {  	_ =	sdelay $0x2  }
0x17f: {  	s11 =	sadd.s32 $0x800, s11;
	s12 =	sadd.s32 s12, s3  }
0x180: {  	(v2sf) =	vpush v0, $0x2;
	_ =	sdelay $0xd  }
0x181: {  	[tilespmem:s2], [sflag:$0x1] =	stream.strided.gather [hbm4b:s12+s29], $0x600, s30, s29, $0x38;
	[tilespmem:$0x1FC80] =	vst v63  }
0x182: {  	s12 =	spop (v2sf)  }
0x183: {  	s2 =	sshll.u32 s12, $0x7  }
0x184: {  	s3 =	sand.u32 $0xFFFFFC00, s2  }
0x185: {  	s2 =	sand.u32 $0x380, s2;
	s3 =	sadd.s32 s15, s3  }
0x186: {  	s2 =	sor.u32 s2, s3  }
0x187: {  	s2 =	sshrl.u32 s2, $0x3  }
0x188: {  	s5 =	simm.s32 $0x3000;
	s3 =	sadd.s32 s1, s2  }
0x189: {  	s11 =	simm.s32 $0x14C00;
	s2 =	simm.s32 $0x14400;
	s12 =	sadd.s32 $0x0, s3  }
.LBB2_46:
0x18a: {  	[tilespmem:s2], [sflag:$0x1] =	stream.strided.gather [hbm4b:s12+s29], $0x600, s30, s29, $0x38;
	[tilespmem:$0x1FC80] =	vst v63  }
0x18b: {  	s12 =	smov.u32 s5;
	s2 =	smov.u32 s11;
	p1 =	sne.s32 s5, $0x39000  }
.Ltmp22:
0x18c: {  	s5 =	sadd.s32 $0x3000, s5;
	(pc) =	sbr.rel @p1 .LBB2_46-.Ltmp22, $2  }
0x18d: {  	_ =	sdelay $0x2  }
0x18e: {  	s11 =	sadd.s32 $0x800, s11;
	s12 =	sadd.s32 s12, s3  }
0x18f: {  	[tilespmem:s2], [sflag:$0x1] =	stream.strided.gather [hbm4b:s12+s29], $0x600, s30, s29, $0x38;
	[tilespmem:$0x1FC80] =	vst v63  }
0x190: {  	_ =	swait.ge [sflag:s31], $0x7800  }
0x191: {  	[sflag:s31] =	ssyncset.done $0x0  }
0x192: {  	[sflag:s31] =	ssyncadd.s32 $0xFFFF8800  }
0x193: {  	_ =	swait.ge [sflag:s31], $0x7800  }
0x194: {  	[sflag:s31] =	ssyncset.done $0x0  }
0x195: {  	[sflag:s31] =	ssyncadd.s32 $0xFFFF8800  }
0x196: {  	_ =	swait.ge [sflag:s31], $0x7800  }
0x197: {  	s2 =	simm.s32 $0x400;
	s3 =	simm.s32 $0x100;
	[sflag:s31] =	ssyncset.done $0x0  }
0x198: {  	s11 =	sadd.s32 $0x0, s18;
	s5 =	simm.s32 $0xC00;
	[sflag:s31] =	ssyncadd.s32 $0xFFFF8800  }
.LBB2_48:
0x199: {  	[hbm4b:s11+s4] =	stream.linear.scatter [tilespmem:s2], [sflag:$0x2], $0x600, $0x38;
	[tilespmem:$0x1FC80] =	vst v63  }
0x19a: {  	s11 =	smov.u32 s3;
	s2 =	smov.u32 s5;
	p1 =	sne.s32 s3, $0x3B00  }
.Ltmp23:
0x19b: {  	s3 =	sadd.s32 $0x100, s3;
	(pc) =	sbr.rel @p1 .LBB2_48-.Ltmp23, $2  }
0x19c: {  	_ =	sdelay $0x2  }
0x19d: {  	s5 =	sadd.s32 $0x800, s5;
	s11 =	sadd.s32 s11, s18  }
0x19e: {  	[hbm4b:s11+s4] =	stream.linear.scatter [tilespmem:s2], [sflag:$0x2], $0x600, $0x38;
	[tilespmem:$0x1FC80] =	vst v63  }
0x19f: {  	_ =	swait.ge [sflag:s28], $0x16800  }
0x1a0: {  	[sflag:s28] =	ssyncset.done $0x0  }
0x1a1: {  	[sflag:s28] =	ssyncadd.s32 $0xFFFE9800  }
0x1a2: {  	v0 =	vld [tilespmem:$0x300];
	_ =	sdelay $0x4  }
0x1a3: {  	(v2sf) =	vpush v0, $0x0;
	_ =	sdelay $0xe  }
0x1a4: {  	s12 =	spop (v2sf)  }
0x1a5: {  	s2 =	sshll.u32 s12, $0x7  }
0x1a6: {  	s3 =	sand.u32 $0xFFFFFC00, s2  }
0x1a7: {  	s2 =	sand.u32 $0x380, s2;
	s3 =	sadd.s32 s17, s3  }
0x1a8: {  	s2 =	sor.u32 s2, s3  }
0x1a9: {  	s2 =	sshrl.u32 s2, $0x3  }
0x1aa: {  	s5 =	simm.s32 $0x3000;
	s3 =	sadd.s32 s1, s2  }
0x1ab: {  	s11 =	simm.s32 $0xC00;
	s2 =	simm.s32 $0x400;
	s12 =	sadd.s32 $0x0, s3  }
.LBB2_50:
0x1ac: {  	[tilespmem:s2], [sflag:$0x1] =	stream.strided.gather [hbm4b:s12+s29], $0x600, s30, s29, $0x38;
	[tilespmem:$0x1FC80] =	vst v63  }
0x1ad: {  	s12 =	smov.u32 s5;
	s2 =	smov.u32 s11;
	p1 =	sne.s32 s5, $0x39000  }
.Ltmp24:
0x1ae: {  	s5 =	sadd.s32 $0x3000, s5;
	(pc) =	sbr.rel @p1 .LBB2_50-.Ltmp24, $2  }
0x1af: {  	_ =	sdelay $0x2  }
0x1b0: {  	s11 =	sadd.s32 $0x800, s11;
	s12 =	sadd.s32 s12, s3  }
0x1b1: {  	(v2sf) =	vpush v0, $0x1;
	_ =	sdelay $0xd  }
0x1b2: {  	[tilespmem:s2], [sflag:$0x1] =	stream.strided.gather [hbm4b:s12+s29], $0x600, s30, s29, $0x38;
	[tilespmem:$0x1FC80] =	vst v63  }
0x1b3: {  	s12 =	spop (v2sf)  }
0x1b4: {  	s2 =	sshll.u32 s12, $0x7  }
0x1b5: {  	s3 =	sand.u32 $0xFFFFFC00, s2  }
0x1b6: {  	s2 =	sand.u32 $0x380, s2;
	s3 =	sadd.s32 s15, s3  }
0x1b7: {  	s2 =	sor.u32 s2, s3  }
0x1b8: {  	s2 =	sshrl.u32 s2, $0x3  }
0x1b9: {  	s5 =	simm.s32 $0x3000;
	s3 =	sadd.s32 s1, s2  }
0x1ba: {  	s11 =	simm.s32 $0xAC00;
	s2 =	simm.s32 $0xA400;
	s12 =	sadd.s32 $0x0, s3  }
.LBB2_52:
0x1bb: {  	[tilespmem:s2], [sflag:$0x1] =	stream.strided.gather [hbm4b:s12+s29], $0x600, s30, s29, $0x38;
	[tilespmem:$0x1FC80] =	vst v63  }
0x1bc: {  	s12 =	smov.u32 s5;
	s2 =	smov.u32 s11;
	p1 =	sne.s32 s5, $0x39000  }
.Ltmp25:
0x1bd: {  	s5 =	sadd.s32 $0x3000, s5;
	(pc) =	sbr.rel @p1 .LBB2_52-.Ltmp25, $2  }
0x1be: {  	_ =	sdelay $0x2  }
0x1bf: {  	s11 =	sadd.s32 $0x800, s11;
	s12 =	sadd.s32 s12, s3  }
0x1c0: {  	(v2sf) =	vpush v0, $0x2;
	_ =	sdelay $0xd  }
0x1c1: {  	[tilespmem:s2], [sflag:$0x1] =	stream.strided.gather [hbm4b:s12+s29], $0x600, s30, s29, $0x38;
	[tilespmem:$0x1FC80] =	vst v63  }
0x1c2: {  	s12 =	spop (v2sf)  }
0x1c3: {  	s2 =	sshll.u32 s12, $0x7  }
0x1c4: {  	s3 =	sand.u32 $0xFFFFFC00, s2  }
0x1c5: {  	s2 =	sand.u32 $0x380, s2;
	s3 =	sadd.s32 s15, s3  }
0x1c6: {  	s2 =	sor.u32 s2, s3  }
0x1c7: {  	s2 =	sshrl.u32 s2, $0x3  }
0x1c8: {  	s5 =	simm.s32 $0x3000;
	s3 =	sadd.s32 s1, s2  }
0x1c9: {  	s11 =	simm.s32 $0x14C00;
	s2 =	simm.s32 $0x14400;
	s12 =	sadd.s32 $0x0, s3  }
.LBB2_54:
0x1ca: {  	[tilespmem:s2], [sflag:$0x1] =	stream.strided.gather [hbm4b:s12+s29], $0x600, s30, s29, $0x38;
	[tilespmem:$0x1FC80] =	vst v63  }
0x1cb: {  	s12 =	smov.u32 s5;
	s2 =	smov.u32 s11;
	p1 =	sne.s32 s5, $0x39000  }
.Ltmp26:
0x1cc: {  	s5 =	sadd.s32 $0x3000, s5;
	(pc) =	sbr.rel @p1 .LBB2_54-.Ltmp26, $2  }
0x1cd: {  	_ =	sdelay $0x2  }
0x1ce: {  	s11 =	sadd.s32 $0x800, s11;
	s12 =	sadd.s32 s12, s3  }
0x1cf: {  	[tilespmem:s2], [sflag:$0x1] =	stream.strided.gather [hbm4b:s12+s29], $0x600, s30, s29, $0x38;
	[tilespmem:$0x1FC80] =	vst v63  }
0x1d0: {  	_ =	swait.ge [sflag:s31], $0x7800  }
0x1d1: {  	[sflag:s31] =	ssyncset.done $0x0  }
0x1d2: {  	[sflag:s31] =	ssyncadd.s32 $0xFFFF8800  }
0x1d3: {  	_ =	swait.ge [sflag:s31], $0x7800  }
0x1d4: {  	[sflag:s31] =	ssyncset.done $0x0  }
0x1d5: {  	[sflag:s31] =	ssyncadd.s32 $0xFFFF8800  }
0x1d6: {  	_ =	swait.ge [sflag:s31], $0x7800  }
0x1d7: {  	s2 =	simm.s32 $0x400;
	s3 =	simm.s32 $0x100;
	[sflag:s31] =	ssyncset.done $0x0  }
0x1d8: {  	s11 =	sadd.s32 $0x0, s19;
	s5 =	simm.s32 $0xC00;
	[sflag:s31] =	ssyncadd.s32 $0xFFFF8800  }
.LBB2_56:
0x1d9: {  	[hbm4b:s11+s4] =	stream.linear.scatter [tilespmem:s2], [sflag:$0x2], $0x600, $0x38;
	[tilespmem:$0x1FC80] =	vst v63  }
0x1da: {  	s11 =	smov.u32 s3;
	s2 =	smov.u32 s5;
	p1 =	sne.s32 s3, $0x3B00  }
.Ltmp27:
0x1db: {  	s3 =	sadd.s32 $0x100, s3;
	(pc) =	sbr.rel @p1 .LBB2_56-.Ltmp27, $2  }
0x1dc: {  	_ =	sdelay $0x2  }
0x1dd: {  	s5 =	sadd.s32 $0x800, s5;
	s11 =	sadd.s32 s11, s19  }
0x1de: {  	[hbm4b:s11+s4] =	stream.linear.scatter [tilespmem:s2], [sflag:$0x2], $0x600, $0x38;
	[tilespmem:$0x1FC80] =	vst v63  }
0x1df: {  	_ =	swait.ge [sflag:s28], $0x16800  }
0x1e0: {  	[sflag:s28] =	ssyncset.done $0x0  }
0x1e1: {  	[sflag:s28] =	ssyncadd.s32 $0xFFFE9800  }
0x1e2: {  	v0 =	vld [tilespmem:$0x380];
	_ =	sdelay $0x4  }
0x1e3: {  	(v2sf) =	vpush v0, $0x0;
	_ =	sdelay $0xe  }
0x1e4: {  	s12 =	spop (v2sf)  }
0x1e5: {  	s2 =	sshll.u32 s12, $0x7  }
0x1e6: {  	s3 =	sand.u32 $0xFFFFFC00, s2  }
0x1e7: {  	s2 =	sand.u32 $0x380, s2;
	s3 =	sadd.s32 s20, s3  }
0x1e8: {  	s2 =	sor.u32 s2, s3  }
0x1e9: {  	s2 =	sshrl.u32 s2, $0x3  }
0x1ea: {  	s5 =	simm.s32 $0x3000;
	s3 =	sadd.s32 s1, s2  }
0x1eb: {  	s11 =	simm.s32 $0xC00;
	s2 =	simm.s32 $0x400;
	s12 =	sadd.s32 $0x0, s3  }
.LBB2_58:
0x1ec: {  	[tilespmem:s2], [sflag:$0x1] =	stream.strided.gather [hbm4b:s12+s29], $0x600, s30, s29, $0x38;
	[tilespmem:$0x1FC80] =	vst v63  }
0x1ed: {  	s12 =	smov.u32 s5;
	s2 =	smov.u32 s11;
	p1 =	sne.s32 s5, $0x39000  }
.Ltmp28:
0x1ee: {  	s5 =	sadd.s32 $0x3000, s5;
	(pc) =	sbr.rel @p1 .LBB2_58-.Ltmp28, $2  }
0x1ef: {  	_ =	sdelay $0x2  }
0x1f0: {  	s11 =	sadd.s32 $0x800, s11;
	s12 =	sadd.s32 s12, s3  }
0x1f1: {  	(v2sf) =	vpush v0, $0x1;
	_ =	sdelay $0xd  }
0x1f2: {  	[tilespmem:s2], [sflag:$0x1] =	stream.strided.gather [hbm4b:s12+s29], $0x600, s30, s29, $0x38;
	[tilespmem:$0x1FC80] =	vst v63  }
0x1f3: {  	s12 =	spop (v2sf)  }
0x1f4: {  	s2 =	sshll.u32 s12, $0x7  }
0x1f5: {  	s3 =	sand.u32 $0xFFFFFC00, s2  }
0x1f6: {  	s2 =	sand.u32 $0x380, s2;
	s3 =	sadd.s32 s15, s3  }
0x1f7: {  	s2 =	sor.u32 s2, s3  }
0x1f8: {  	s2 =	sshrl.u32 s2, $0x3  }
0x1f9: {  	s5 =	simm.s32 $0x3000;
	s3 =	sadd.s32 s1, s2  }
0x1fa: {  	s11 =	simm.s32 $0xAC00;
	s2 =	simm.s32 $0xA400;
	s12 =	sadd.s32 $0x0, s3  }
.LBB2_60:
0x1fb: {  	[tilespmem:s2], [sflag:$0x1] =	stream.strided.gather [hbm4b:s12+s29], $0x600, s30, s29, $0x38;
	[tilespmem:$0x1FC80] =	vst v63  }
0x1fc: {  	s12 =	smov.u32 s5;
	s2 =	smov.u32 s11;
	p1 =	sne.s32 s5, $0x39000  }
.Ltmp29:
0x1fd: {  	s5 =	sadd.s32 $0x3000, s5;
	(pc) =	sbr.rel @p1 .LBB2_60-.Ltmp29, $2  }
0x1fe: {  	_ =	sdelay $0x2  }
0x1ff: {  	s11 =	sadd.s32 $0x800, s11;
	s12 =	sadd.s32 s12, s3  }
0x200: {  	(v2sf) =	vpush v0, $0x2;
	_ =	sdelay $0xd  }
0x201: {  	[tilespmem:s2], [sflag:$0x1] =	stream.strided.gather [hbm4b:s12+s29], $0x600, s30, s29, $0x38;
	[tilespmem:$0x1FC80] =	vst v63  }
0x202: {  	s12 =	spop (v2sf)  }
0x203: {  	s2 =	sshll.u32 s12, $0x7  }
0x204: {  	s3 =	sand.u32 $0xFFFFFC00, s2  }
0x205: {  	s2 =	sand.u32 $0x380, s2;
	s3 =	sadd.s32 s15, s3  }
0x206: {  	s2 =	sor.u32 s2, s3  }
0x207: {  	s2 =	sshrl.u32 s2, $0x3  }
0x208: {  	s5 =	simm.s32 $0x3000;
	s3 =	sadd.s32 s1, s2  }
0x209: {  	s11 =	simm.s32 $0x14C00;
	s2 =	simm.s32 $0x14400;
	s12 =	sadd.s32 $0x0, s3  }
.LBB2_62:
0x20a: {  	[tilespmem:s2], [sflag:$0x1] =	stream.strided.gather [hbm4b:s12+s29], $0x600, s30, s29, $0x38;
	[tilespmem:$0x1FC80] =	vst v63  }
0x20b: {  	s12 =	smov.u32 s5;
	s2 =	smov.u32 s11;
	p1 =	sne.s32 s5, $0x39000  }
.Ltmp30:
0x20c: {  	s5 =	sadd.s32 $0x3000, s5;
	(pc) =	sbr.rel @p1 .LBB2_62-.Ltmp30, $2  }
0x20d: {  	_ =	sdelay $0x2  }
0x20e: {  	s11 =	sadd.s32 $0x800, s11;
	s12 =	sadd.s32 s12, s3  }
0x20f: {  	[tilespmem:s2], [sflag:$0x1] =	stream.strided.gather [hbm4b:s12+s29], $0x600, s30, s29, $0x38;
	[tilespmem:$0x1FC80] =	vst v63  }
0x210: {  	_ =	swait.ge [sflag:s31], $0x7800  }
0x211: {  	[sflag:s31] =	ssyncset.done $0x0  }
0x212: {  	[sflag:s31] =	ssyncadd.s32 $0xFFFF8800  }
0x213: {  	_ =	swait.ge [sflag:s31], $0x7800  }
0x214: {  	[sflag:s31] =	ssyncset.done $0x0  }
0x215: {  	[sflag:s31] =	ssyncadd.s32 $0xFFFF8800  }
0x216: {  	_ =	swait.ge [sflag:s31], $0x7800  }
0x217: {  	s2 =	simm.s32 $0x400;
	s3 =	simm.s32 $0x100;
	[sflag:s31] =	ssyncset.done $0x0  }
0x218: {  	s11 =	sadd.s32 $0x0, s22;
	s5 =	simm.s32 $0xC00;
	[sflag:s31] =	ssyncadd.s32 $0xFFFF8800  }
.LBB2_64:
0x219: {  	[hbm4b:s11+s4] =	stream.linear.scatter [tilespmem:s2], [sflag:$0x2], $0x600, $0x38;
	[tilespmem:$0x1FC80] =	vst v63  }
0x21a: {  	s11 =	smov.u32 s3;
	s2 =	smov.u32 s5;
	p1 =	sne.s32 s3, $0x3B00  }
.Ltmp31:
0x21b: {  	s3 =	sadd.s32 $0x100, s3;
	(pc) =	sbr.rel @p1 .LBB2_64-.Ltmp31, $2  }
0x21c: {  	_ =	sdelay $0x2  }
0x21d: {  	s5 =	sadd.s32 $0x800, s5;
	s11 =	sadd.s32 s11, s22  }
0x21e: {  	[hbm4b:s11+s4] =	stream.linear.scatter [tilespmem:s2], [sflag:$0x2], $0x600, $0x38;
	[tilespmem:$0x1FC80] =	vst v63  }
0x21f: {  	_ =	swait.ge [sflag:s28], $0x16800  }
0x220: {  	[sflag:s28] =	ssyncset.done $0x0  }
0x221: {  	s2 =	simm.s32 @!p0 $0x0;
	s3 =	simm.s32 @!p0 $0x1E400;
	[sflag:s28] =	ssyncadd.s32 $0xFFFE9800  }
0x222: {  	[tilespmem:s3], [sflag:$0x2] =	stream.linear.gather @!p0 [hbm4b:s21+s2], $0x80, $0x38;
	[tilespmem:$0x1FC80] =	vst v63  }
0x223: {  	s3 =	simm.s32 @!p0 $0x2  }
0x224: {  	_ =	swait.ge @!p0 [sflag:s3], $0x80  }
0x225: {  	[sflag:s3] =	ssyncset.done @!p0 $0x0  }
0x226: {  	[sflag:s3] =	ssyncadd.s32 @!p0 $0xFFFFFF80  }
0x227: {  	v0 =	vld.msk @!p0 [tilespmem:$0x1E400], $0xff;
	_ =	sdelay $0x4  }
0x228: {  	v1 =	vshrl.u32 @!p0 v0, $0x3  }
0x229: {  	v1 =	vmul.u32 @!p0 $0x30, v1  }
0x22a: {  	v2 =	vlaneseq.u32 @!p0;
	v0 =	vand.u32 @!p0 $0x7, v0  }
0x22b: {  	v0 =	vor.u32 @!p0 v0, v1;
	v1 =	vand.u32 @!p0 $0x7, v2;
	v2 =	vshrl.u32 @!p0 v2, $0x3  }
0x22c: {  	v0 =	vperm.xlane @!p0 v0, v1;
	v1 =	vmul.u32 @!p0 $0x8, v2;
	_ =	sdelay $0x1  }
0x22d: {  	v0 =	vadd.s32 @!p0 v1, v0;
	_ =	sdelay $0x3  }
0x22e: {  	s5 =	simm.s32 @!p0 $0x1E480;
	s11 =	rddreg [dreg:$0x2]  }
0x22f: {  	[tilespmem:s5], [sflag:$0x1] =	stream.indirect_vreg.gather @!p0 [hbm4b:s11+s2], $0x80, v0, vm0, $0xb8;
	[tilespmem:$0x1FC80] =	vst v63  }
0x230: {  	s11 =	simm.s32 @!p0 $0x1EC80  }
0x231: {  	[tilespmem:s11], [sflag:$0x1] =	stream.indirect_vreg.gather @!p0 [hbm4b:s24+s2], $0x80, v0, vm0, $0xb8;
	[tilespmem:$0x1FC80] =	vst v63  }
0x232: {  	s11 =	simm.s32 @!p0 $0x1F480  }
0x233: {  	[tilespmem:s11], [sflag:$0x1] =	stream.indirect_vreg.gather @!p0 [hbm4b:s26+s2], $0x80, v0, vm0, $0xb8;
	[tilespmem:$0x1FC80] =	vst v63  }
0x234: {  	s11 =	simm.s32 @!p0 $0x1  }
0x235: {  	s0 =	sadd.s32 $0x1, s0;
	_ =	swait.ge @!p0 [sflag:s11], $0x1800  }
0x236: {  	p1 =	sne.s32 s0, s25;
	[sflag:s11] =	ssyncset.done @!p0 $0x0  }
.Ltmp32:
0x237: {  	[sflag:s11] =	ssyncadd.s32 @!p0 $0xFFFFE800;
	(pc) =	sbr.rel @p1 .LBB2_1-.Ltmp32, $4  }
0x238: {  	[hbm4b:s23+s2] =	stream.linear.scatter @!p0 [tilespmem:s5], [sflag:$0x2], $0x1800, $0x38;
	[tilespmem:$0x1FC80] =	vst v63  }
0x239: {  	_ =	swait.ge @!p0 [sflag:s3], $0x1800  }
0x23a: {  	[sflag:s3] =	ssyncset.done @!p0 $0x0  }
0x23b: {  	[sflag:s3] =	ssyncadd.s32 @!p0 $0xFFFFE800  }
0x23c: {  	_ =	sfence.sel $0x180000  }
0x23d: {  	[bflag:$0x0] =	sbarrier.arrive $0xFFFF  }
0x23e: {  	_ =	strace $0x90000047  }
0x23f: {  	s0 =	stileid.u32;
	[bflag:$0x2] =	sbarrier.arrive $0xFFFF  }
0x240: {  	p0 =	sne.s32 s0, $0x0;
	s0 =	rddreg [dreg:$0x6]  }
0x241: {  	s0 =	sadd.s32 @!p0 $0x100000, s0  }
0x242: {  	[sflag:s0] =	ssyncadd.tile.s32 @!p0 $0x1;
	_ =	shalt  }
.Lfunc_end2:
_tile_overlayer_lowered:
.L_overlay_start_2:
0x243: {  	(tag) =	ssettag $0x2  }
0x244: {  	s0 =	rddreg [dreg:$0x0];
	s2 =	stileid.u32  }
0x245: {  	s1 =	rddreg [dreg:$0x1];
	p0 =	sne.s32 s2, $0x0  }
0x246: {  	s3 =	rddreg [dreg:$0x2];
	[bflag:$0x3] =	sbarrier.arrive $0xFFFF;
	s2 =	simm.s32 @!p0 $0x1C02  }
0x247: {  	[timem:s3], [sflag:s2] =	dma.local @!p0 [hbm:s0], s1  }
0x248: {  	s0 =	simm.s32 @!p0 $0x2  }
0x249: {  	_ =	swait.ge @!p0 [sflag:s0], s1  }
0x24a: {  	s1 =	ssub.s32 @!p0 $0x0, s1;
	[sflag:s0] =	ssyncset.done @!p0 $0x0  }
0x24b: {  	[sflag:s0] =	ssyncadd.s32 @!p0 s1  }
0x24c: {  	[bflag:$0x3] =	sbarrier.arrive $0xFFFF  }
0x24d: {  	_ =	shalt  }

// kernel: sparse-core-data-format-call.cloned.1.call-start
scs
called_computation_lowered:
.L_overlay_start_0:
0x0: {  	s2 =	sld [smem:$0x3FD9]  }
0x1: {  	s3 =	sld [smem:$0x3FFE];
	_ =	sdelay $0x1  }
0x2: {  	s1 =	srdreg.scid  }
0x3: {  	s0 =	sand.u32 $0x1, s1  }
0x4: {  	s15 =	sshll.u32 s0, $0xA;
	s2 =	sadd.s32 s3, s2  }
0x5: {  	s2 =	sadd.s32 s2, s15  }
0x6: {  	[smem:$0x3FC4] =	sst s2  }
0x7: {  	_ = 	snop  }
0x8: {  	s2 =	sld [smem:$0x3FD0];
	_ =	sdelay $0x2  }
0x9: {  	s16 =	simm.s32 $0xA;
	s4 =	simm.s32 $0x10  }
0xa: {  	[smem:s4], [sflag:s16] =	dma.local [hbm:s2], $0x1  }
0xb: {  	_ =	swait.eq [sflag:s16], $0x1  }
0xc: {  	[sflag:s16] =	ssyncset.done $0x0  }
0xd: {  	[sflag:s16] =	ssyncadd.s32 $0xFFFFFFFF  }
0xe: {  	s17 =	sld [smem:$0x10];
	(tm) =	ssettm $0x1  }
0xf: {  	s18 =	sld [smem:$0x3FFB];
	_ =	sdelay $0x3  }
0x10: {  	_ =	strace s18  }
0x11: {  	s3 =	sld [smem:$0x3FFC];
	_ =	sdelay $0x3  }
0x12: {  	_ =	strace s3  }
0x13: {  	s3 =	sld [smem:$0x3FFD];
	_ =	sdelay $0x3  }
0x14: {  	_ =	strace s3  }
0x15: {  	_ =	strace $0x8FFFFFFF  }
0x16: {  	s19 =	sld [smem:$0x3FDB];
	_ =	sdelay $0x1  }
0x17: {  	s20 =	simm.s32 $_scs_section_size  }
0x18: {  	s5 =	simm.s32 $_size__tile_overlayer_lowered;
	s6 =	simm.s32 $_tile_overlayer_lowered  }
0x19: {  	s23 =	simm.s32 $0x1BFF;
	s22 =	sshll.u32 s6, $0x1;
	s3 =	sadd.s32 s20, s19  }
0x1a: {  	s7 =	simm.s32 $0x0;
	s21 =	sshll.u32 s5, $0x1;
	s5 =	sadd.s32 s22, s3  }
0x1b: {  	[timem:s7], [sflag:s23] =	dma.local [hbm:s5], s21  }
0x1c: {  	_ =	swait.ge [sflag:s23], s21  }
0x1d: {  	s4 =	ssub.s32 $0x0, s21;
	[sflag:s23] =	ssyncset.done $0x0  }
0x1e: {  	[sflag:s23] =	ssyncadd.s32 s4;
	_ =	sdelay $0x1  }
0x1f: {  	s24 =	simm.s32 $0x1B8B  }
0x20: {  	_ =	swait.ge [sflag:s24], $0x1  }
0x21: {  	[sflag:s24] =	ssyncset.done $0x0  }
0x22: {  	s26 =	simm.s32 $0x1B8E;
	s25 =	sld [smem:$0x3FFE];
	[sflag:s24] =	ssyncadd.s32 $0xFFFFFFFF  }
0x23: {  	s27 =	simm.s32 $execute0_lowered;
	[smem:$0x3FD2] =	sst s26  }
0x24: {  	s5 =	sshll.u32 s27, $0x1;
	_ =	strace $0x80000049;
	[dreg:$0x1] =	wrdreg $0xFFFFFFFF  }
0x25: {  	s28 =	simm.s32 $_size_execute0_lowered;
	s3 =	sadd.s32 s3, s5;
	[dreg:$0x0] =	wrdreg $0x0  }
0x26: {  	s5 =	sshll.u32 s28, $0x1;
	[dreg:$0x2] =	wrdreg s3  }
0x27: {  	[dreg:$0x3] =	wrdreg s5  }
0x28: {  	[dreg:$0x4] =	wrdreg $0xC0  }
0x29: {  	_ =	task [dreg:s7], $0x5FFFF  }
0x2a: {  	[dreg:$0x1] =	wrdreg $0xFFFFFFFF  }
0x2b: {  	[dreg:$0x0] =	wrdreg $0x60  }
0x2c: {  	[dreg:$0x2] =	wrdreg s25  }
0x2d: {  	[dreg:$0x3] =	wrdreg s17  }
0x2e: {  	[dreg:$0x4] =	wrdreg $0x9  }
0x2f: {  	_ =	task.clear_ibuf [dreg:s7], $0x5FFFF;
	_ =	strace $0x90000049  }
0x30: {  	s29 =	simm.s32 $0x9;
	_ =	strace $0x8000004B  }
0x31: {  	_ =	swait.ge [sflag:s29], $0x1  }
0x32: {  	[sflag:s29] =	ssyncadd.s32 $0xFFFFFFFF  }
0x33: {  	_ =	strace $0x9000004B  }
0x34: {  	_ =	sfence  }
0x35: {  	s30 =	sld [smem:$0x0];
	_ =	sdelay $0x2  }
0x36: {  	s31 =	sshll.u32 s1, $0xD;
	s1 =	sshrl.u32 s1, $0x2  }
0x37: {  	s3 =	sand.u32 $0x4000, s31;
	s1 =	sadd.s32 s1, s30  }
0x38: {  	s0 =	sor.u32 s3, s0;
	s1 =	sshll.u32 s1, $0x11  }
0x39: {  	s0 =	sor.u32 s1, s0  }
0x3a: {  	s0 =	sadd.s32 $0x8F2B, s0  }
0x3b: {  	[sflag:s0] =	ssyncadd.remote.s32 $0x1  }
0x3c: {  	_ =	sfence.sel $0xFFFF  }
0x3d: {  	[dreg:$0x0] =	wrdreg $0xFFFFFFFF;
	(pc) =	sbr.abs _section_cstart, $3  }
0x3e: {  	[dreg:$0x1] =	wrdreg $0xFFFFFFFF  }
0x3f: {  	_ =	task.clear_ibuf [dreg:s7], $0x2FFFF;
	_ =	strace $0x9FFFFFFF  }
0x40: {  	(tm) =	ssettm $0x7FFFFFFF  }
0x41: {  	_ =	shalt  }
tec
execute0_lowered:
.L_overlay_start_1:
0x0: {  	(tag) =	ssettag $0x1  }
0x1: {  	s0 =	stileid.u32;
	s5 =	rddreg [dreg:$0x0]  }
0x2: {  	s4 =	rddreg [dreg:$0x1];
	s30 =	srdreg.scid  }
0x3: {  	s31 =	simm.s32 $0x2;
	s19 =	simm.s32 $0x0;
	p0 =	por $0x0, $0x0  }
0x4: {  	s11 =	simm.s32 $0x40;
	s12 =	simm.s32 $0x800;
	s20 =	simm.s32 $0x0  }
0x5: {  	s21 =	simm.s32 $0x0;
	s22 =	simm.s32 $0x0;
	s2 =	sand.u32 $0x1, s0  }
0x6: {  	s23 =	simm.s32 $0x0;
	s3 =	sshrl.u32 s0, $0x3;
	s1 =	ssub.s32 $0xC, s2  }
0x7: {  	s13 =	simm.s32 $0x0;
	s7 =	ssub.s32 $0x2, s3;
	s6 =	sshrl.u32 s1, $0x1  }
0x8: {  	s8 =	sand.u32 $0x1, s1;
	s9 =	sshrl.u32 s7, $0x1;
	s7 =	sand.u32 $0x1, s7  }
0x9: {  	s18 =	simm.s32 $0x0;
	s6 =	sadd.s32 s8, s6;
	s7 =	sadd.s32 s7, s9  }
0xa: {  	s29 =	sshrl.u32 s0, $0x1;
	s5 =	sadd.s32 $0x1000, s5;
	s9 =	smul.u32 s6, s7  }
.Ltmp0:
0xb: {  	s10 =	sshll.u32 s30, $0x7;
	s15 =	smov.u32 s3;
	(pc) =	sbr.rel .LBB1_1-.Ltmp0, $4  }
0xc: {  	s17 =	smov.u32 s2;
	s1 =	rddreg [dreg:$0x2];
	_ =	strace $0x8000004A  }
0xd: {  	s6 =	sand.u32 $0x3, s29;
	s7 =	simm.s32 $0x1;
	s8 =	smul.u32 $0xC, s9  }
0xe: {  	[sflag:s7] =	ssyncpa.u1 $0x0;
	s16 =	smov.u32 s6;
	s9 =	sand.u32 $0x80, s10  }
0xf: {  	[sflag:s31] =	ssyncpa.u1 $0x0;
	s14 =	smov.u32 s9;
	s10 =	sor.u32 $0x1, s8  }
.LBB1_6:
0x10: {  	s23 =	smul.u32 $0x30000, s23  }
0x11: {  	s22 =	smul.u32 $0xC000, s22  }
0x12: {  	s21 =	smul.u32 $0x6000, s21;
	s23 =	sadd.s32 s4, s23  }
0x13: {  	s22 =	sadd.s32 s22, s23  }
0x14: {  	s29 =	sand.u32 $0x780, s20;
	s19 =	sshll.u32 s19, $0xB;
	s21 =	sadd.s32 s21, s22  }
0x15: {  	[tilespmem:s25+$0x810 ss:$0x81] =	vst.msk $0xffff, v2;
	s30 =	sshrl.u32 s20, $0x3;
	s31 =	sand.u32 $0x7, s20;
	s21 =	sadd.s32 s29, s21  }
0x16: {  	[tilespmem:s25+$0x1020 ss:$0x81] =	vst.msk $0xffff, v0;
	s20 =	sshll.u32 s31, $0x12;
	s22 =	sand.u32 $0xF, s30;
	s19 =	sadd.s32 s19, s21  }
0x17: {  	[tilespmem:s25+$0x0 ss:$0x81] =	vst.msk $0xffff, v1;
	s20 =	sor.u32 $0x400, s20;
	s19 =	sadd.s32 s22, s19  }
0x18: {  	[hbm4b:s19+s20] =	stream.strided.scatter [tilespmem:s24], [sflag:$0x2], $0x2000, s12, s20, $0x20;
	[tilespmem:$0x8080] =	vst v63  }
.LBB1_7:
0x19: {  	s24 =	sadd.s32 $0x1, s13  }
0x1a: {  	s19 =	sadd.s32 $0x100, s14;
	s25 =	smov.u32 s14;
	p2 =	sgt.s32 s24, $0xB  }
0x1b: {  	s25 =	smov.u32 @p2 s19  }
0x1c: {  	s26 =	smov.u32 s15;
	s19 =	sadd.s32 $0x2, s15;
	p3 =	sgt.s32 s25, $0x9F  }
0x1d: {  	s26 =	smov.u32 @p3 s19  }
0x1e: {  	s27 =	smov.u32 s16;
	s19 =	sadd.s32 $0x4, s16;
	p4 =	sgt.s32 s26, $0x1  }
0x1f: {  	p1 =	slt.u32 s18, $0x2;
	s28 =	smov.u32 s17;
	s27 =	smov.u32 @p4 s19  }
0x20: {  	s20 =	smov.u32 s14;
	s19 =	sadd.s32 $0x2, s17;
	p5 =	sgt.s32 s27, $0x3  }
0x21: {  	s21 =	smov.u32 s15;
	s22 =	smov.u32 s16;
	s28 =	smov.u32 @p5 s19  }
0x22: {  	s23 =	smov.u32 s17;
	s24 =	simm.s32 @p2 $0x0;
	p2 =	sgt.s32 s28, $0xB  }
0x23: {  	s29 =	simm.s32 @!p1 $0x2;
	s28 =	smov.u32 @p2 s2;
	p2 =	sne.s32 s18, s10  }
.Ltmp1:
0x24: {  	p0 =	por !p0, !p0;
	_ =	swait.ge @!p1 [sflag:s29], $0x2000;
	(pc) =	sbr.rel @!p2 .LBB1_8-.Ltmp1, $4  }
0x25: {  	[sflag:s29] =	ssyncset.done @!p1 $0x0;
	s25 =	smov.u32 @p3 s9;
	s26 =	smov.u32 @p4 s3  }
0x26: {  	[sflag:s29] =	ssyncadd.s32 @!p1 $0xFFFFE000;
	s14 =	smov.u32 s25;
	s15 =	smov.u32 s26  }
0x27: {  	s27 =	smov.u32 @p5 s6;
	s19 =	smov.u32 s13;
	s13 =	smov.u32 s24  }
0x28: {  	s16 =	smov.u32 s27;
	s18 =	sadd.s32 $0x1, s18;
	s17 =	smov.u32 s28  }
.LBB1_1:
0x29: {  	p1 =	sge.u32 s18, s8  }
.Ltmp2:
0x2a: {  	_ = 	snop;
	(pc) =	sbr.rel @p1 .LBB1_3-.Ltmp2, $1  }
0x2b: {  	_ =	sdelay $0x3  }
0x2c: {  	p1 =	sgt.s32 s17, $0xB  }
0x2d: {  	s24 =	smov.u32 s17;
	s25 =	sshra.s32 s17, $0x1F;
	s26 =	smov.u32 s16  }
0x2e: {  	s27 =	sshra.s32 s16, $0x1F;
	s30 =	sshra.s32 s15, $0x1F;
	p2 =	sgt.s32 s15, $0x1  }
0x2f: {  	s28 =	sshra.s32 s14, $0x1F;
	s24 =	simm.s32 @!p1 $0xB;
	p1 =	sgt.s32 s16, $0x3  }
0x30: {  	s25 =	sand.u32 s25, s17;
	s27 =	sand.u32 s27, s16;
	s26 =	simm.s32 @!p1 $0x3  }
0x31: {  	s31 =	sshra.s32 s13, $0x1F;
	s24 =	ssub.s32 s24, s25;
	s29 =	ssub.s32 s26, s27  }
0x32: {  	s28 =	sand.u32 s28, s14;
	s24 =	sadd.s32 $0xFFFFFFF5, s24;
	s26 =	sadd.s32 $0xFFFFFFFD, s29  }
0x33: {  	s27 =	sand.u32 s30, s15;
	p1 =	sgt.s32 s26, $0x0;
	s26 =	smov.u32 s15  }
0x34: {  	s25 =	ssub.s32 $0x4, s29;
	s27 =	sxor.u32 $0xFFFFFFFF, s27;
	s26 =	simm.s32 @!p2 $0x1  }
0x35: {  	p2 =	sgt.s32 s24, $0x0;
	s25 =	simm.s32 @p1 $0x0;
	p1 =	sgt.s32 s14, $0x20  }
0x36: {  	s24 =	sshll.u32 s24, $0x6;
	s26 =	sadd.s32 s27, s26;
	s27 =	smov.u32 s14  }
0x37: {  	s30 =	smul.u32 $0x50000, s17;
	s24 =	ssub.s32 $0x40, s24;
	s27 =	simm.s32 @!p1 $0x20  }
0x38: {  	p1 =	sgt.s32 s26, $0x0;
	s24 =	simm.s32 @p2 $0x0;
	s26 =	ssub.s32 $0x1, s26  }
0x39: {  	p2 =	sgt.s32 s13, $0xF;
	s27 =	ssub.s32 s27, s28;
	s24 =	smul.u32 s25, s24  }
0x3a: {  	s26 =	simm.s32 @p1 $0x0;
	s28 =	sadd.s32 $0xFFFFFFE0, s27;
	s25 =	ssub.s32 $0xA0, s27  }
0x3b: {  	s27 =	smov.u32 s13;
	p1 =	sgt.s32 s28, $0x7F;
	s24 =	smul.u32 s26, s24  }
0x3c: {  	s27 =	simm.s32 @!p2 $0xF;
	s28 =	sand.u32 s31, s13;
	s31 =	smul.u32 $0x14000, s16  }
0x3d: {  	s25 =	simm.s32 @p1 $0x0;
	s26 =	ssub.s32 s27, s28;
	s28 =	smul.u32 $0xA000, s15  }
0x3e: {  	s27 =	sadd.s32 s5, s30;
	s24 =	smul.u32 s25, s24;
	s29 =	sadd.s32 $0xFFFFFFF1, s26  }
0x3f: {  	s25 =	ssub.s32 $0x10, s26;
	s30 =	sadd.s32 s31, s27;
	p1 =	sgt.s32 s29, $0x0  }
0x40: {  	s26 =	sshll.u32 s14, $0x8;
	s31 =	sshll.u32 s13, $0x4;
	s25 =	simm.s32 @p1 $0x0  }
0x41: {  	s29 =	sxor.u32 $0xFFFFFFFF, s18;
	s24 =	smul.u32 s25, s24;
	s25 =	sadd.s32 s28, s30  }
0x42: {  	s27 =	sand.u32 $0xF0, s31;
	s30 =	sshll.u32 s29, $0xD;
	s25 =	sadd.s32 s26, s25  }
0x43: {  	s31 =	sand.u32 $0x2000, s30;
	s24 =	sand.u32 $0x3FFFFFC0, s24;
	s25 =	sadd.s32 s27, s25  }
0x44: {  	[tilespmem:s31], [sflag:$0x1] =	stream.strided.gather [hbm4b:s25+s11], s24, s12, s11, $0x38;
	[tilespmem:$0x8080] =	vst v63  }
.LBB1_3:
0x45: {  	s24 =	sadd.s32 $0xFFFFFFFF, s18  }
0x46: {  	p1 =	sge.u32 s24, s8  }
.Ltmp3:
0x47: {  	_ = 	snop;
	(pc) =	sbr.rel @p1 .LBB1_7-.Ltmp3, $1  }
0x48: {  	_ =	sdelay $0x3  }
0x49: {  	p1 =	sgt.s32 s23, $0xB;
	s24 =	smov.u32 s23;
	s25 =	sshra.s32 s23, $0x1F  }
0x4a: {  	s26 =	smov.u32 s22;
	s27 =	sshra.s32 s22, $0x1F;
	s30 =	sshra.s32 s21, $0x1F  }
0x4b: {  	s28 =	smov.u32 s20;
	s24 =	simm.s32 @!p1 $0xB;
	s25 =	sand.u32 s25, s23  }
0x4c: {  	p1 =	sgt.s32 s22, $0x3;
	s29 =	sand.u32 s27, s22;
	s24 =	ssub.s32 s24, s25  }
0x4d: {  	s27 =	smov.u32 s21;
	s26 =	simm.s32 @!p1 $0x3;
	s24 =	sadd.s32 $0xFFFFFFF5, s24  }
0x4e: {  	s25 =	ssub.s32 s26, s29;
	s29 =	smov.u32 s19;
	p1 =	sgt.s32 s24, $0x0  }
0x4f: {  	s26 =	sadd.s32 $0xFFFFFFFD, s25;
	s25 =	ssub.s32 $0x4, s25;
	s24 =	sshll.u32 s24, $0x6  }
0x50: {  	p2 =	sgt.s32 s26, $0x0;
	s26 =	sand.u32 s30, s21;
	s24 =	ssub.s32 $0x40, s24  }
0x51: {  	s30 =	sshra.s32 s19, $0x1F;
	s25 =	simm.s32 @p2 $0x0;
	p2 =	sgt.s32 s21, $0x1  }
0x52: {  	s26 =	sxor.u32 $0xFFFFFFFF, s26;
	s24 =	simm.s32 @p1 $0x0;
	p1 =	sgt.s32 s19, $0xF  }
0x53: {  	s31 =	sand.u32 s30, s19;
	s27 =	simm.s32 @!p2 $0x1;
	p2 =	sgt.s32 s20, $0x20  }
0x54: {  	s24 =	smul.u32 s25, s24;
	s26 =	sadd.s32 s26, s27;
	s27 =	sshra.s32 s20, $0x1F  }
0x55: {  	s29 =	simm.s32 @!p1 $0xF;
	s28 =	simm.s32 @!p2 $0x20;
	s27 =	sand.u32 s27, s20  }
0x56: {  	p2 =	sgt.s32 s26, $0x0;
	s26 =	ssub.s32 $0x1, s26;
	s27 =	ssub.s32 s28, s27  }
0x57: {  	s25 =	ssub.s32 s29, s31;
	s26 =	simm.s32 @p2 $0x0;
	s28 =	sadd.s32 $0xFFFFFFE0, s27  }
0x58: {  	s27 =	ssub.s32 $0xA0, s27;
	s24 =	smul.u32 s26, s24;
	p2 =	sgt.s32 s28, $0x7F  }
0x59: {  	s30 =	sadd.s32 $0xFFFFFFF1, s25;
	s27 =	simm.s32 @p2 $0x0  }
0x5a: {  	s25 =	ssub.s32 $0x10, s25;
	p1 =	sgt.s32 s30, $0x0;
	s24 =	smul.u32 s27, s24  }
0x5b: {  	s25 =	simm.s32 @p1 $0x0  }
0x5c: {  	s24 =	smul.u32 s25, s24;
	_ =	sdelay $0x1  }
0x5d: {  	s25 =	simm.s32 $0x1;
	s24 =	sand.u32 $0x3FFFFFC0, s24  }
0x5e: {  	s25 =	simm.s32 @!p0 $0x0;
	_ =	swait.ge [sflag:s7], s24  }
0x5f: {  	s31 =	sshll.u32 s25, $0xD;
	s24 =	ssub.s32 $0x0, s24;
	[sflag:s7] =	ssyncset.done $0x0  }
0x60: {  	s28 =	sor.u32 $0x20, s31;
	[sflag:s7] =	ssyncadd.s32 s24  }
0x61: {  	s29 =	smul.u32 $0x8100, s25;
	v3 =	vld [tilespmem:s28+$0x10]  }
0x62: {  	s30 =	sand.u32 $0x1, s18;
	v2 =	vld [tilespmem:s28+$0xFFFFFFF0]  }
0x63: {  	s25 =	smul.u32 $0x8100, s30;
	s24 =	sshrl.u32 s29, $0x2;
	v0 =	vld [tilespmem:s28+$0x0]  }
0x64: {  	s26 =	sor.u32 $0x4000, s24;
	v1 =	vld [tilespmem:s28+$0xFFFFFFE0]  }
0x65: {  	s31 =	sshrl.u32 s25, $0x2;
	s25 =	sadd.s32 $0x0, s26  }
0x66: {  	s27 =	simm.s32 $0x4;
	s24 =	sor.u32 $0x4000, s31;
	s28 =	sadd.s32 $0x40, s28;
	[tilespmem:s25+$0x1830 ss:$0x81] =	vst.msk $0xffff, v3  }
.LBB1_5:
0x67: {  	v3 =	vld [tilespmem:s28+$0x10];
	p1 =	sne.s32 s27, $0x1FC;
	[tilespmem:s25+$0x810 ss:$0x81] =	vst.msk $0xffff, v2;
	s29 =	smov.u32 s27;
	s27 =	sadd.s32 $0x4, s27  }
.Ltmp4:
0x68: {  	v2 =	vld [tilespmem:s28+$0xFFFFFFF0];
	[tilespmem:s25+$0x1020 ss:$0x81] =	vst.msk $0xffff, v0;
	(pc) =	sbr.rel @p1 .LBB1_5-.Ltmp4, $4  }
0x69: {  	v0 =	vld [tilespmem:s28+$0x0];
	[tilespmem:s25+$0x0 ss:$0x81] =	vst.msk $0xffff, v1  }
0x6a: {  	s25 =	sshra.s32 s29, $0x2;
	v1 =	vld [tilespmem:s28+$0xFFFFFFE0]  }
0x6b: {  	s25 =	sadd.s32 s25, s26  }
0x6c: {  	s28 =	sadd.s32 $0x40, s28;
	[tilespmem:s25+$0x1830 ss:$0x81] =	vst.msk $0xffff, v3  }
.Ltmp5:
0x6d: {  	_ = 	snop;
	(pc) =	sbr.rel .LBB1_6-.Ltmp5, $1  }
0x6e: {  	_ =	sdelay $0x3  }
.LBB1_8:
0x6f: {  	_ =	sfence.sel $0x180000  }
0x70: {  	s2 =	simm.s32 $0x1;
	[bflag:$0x0] =	sbarrier.arrive $0xFFFF  }
0x71: {  	s31 =	simm.s32 $0x2;
	[sflag:s2] =	ssyncpa.u1 $0x1  }
0x72: {  	[sflag:s31] =	ssyncpa.u1 $0x1  }
0x73: {  	p0 =	sne.s32 s0, $0x0;
	_ =	strace $0x9000004A  }
0x74: {  	s0 =	sadd.s32 @!p0 $0x100000, s1;
	[bflag:$0x2] =	sbarrier.arrive $0xFFFF  }
0x75: {  	[sflag:s0] =	ssyncadd.tile.s32 @!p0 $0x1;
	_ =	shalt  }
.Lfunc_end1:
_tile_overlayer_lowered:
.L_overlay_start_2:
0x76: {  	(tag) =	ssettag $0x2  }
0x77: {  	s0 =	rddreg [dreg:$0x0];
	s2 =	stileid.u32  }
0x78: {  	s1 =	rddreg [dreg:$0x1];
	p0 =	sne.s32 s2, $0x0  }
0x79: {  	s3 =	rddreg [dreg:$0x2];
	[bflag:$0x3] =	sbarrier.arrive $0xFFFF;
	s2 =	simm.s32 @!p0 $0x1C01  }
0x7a: {  	[timem:s3], [sflag:s2] =	dma.local @!p0 [hbm:s0], s1  }
0x7b: {  	s0 =	simm.s32 @!p0 $0x1  }
0x7c: {  	_ =	swait.ge @!p0 [sflag:s0], s1  }
0x7d: {  	s1 =	ssub.s32 @!p0 $0x0, s1;
	[sflag:s0] =	ssyncset.done @!p0 $0x0  }
0x7e: {  	[sflag:s0] =	ssyncadd.s32 @!p0 s1  }
0x7f: {  	[bflag:$0x3] =	sbarrier.arrive $0xFFFF  }
0x80: {  	_ =	shalt  }

</sc_bundles>
